<compile_context>
chip_gen: v7x
topology: tpu7x:2x2x1
jax: 0.10.2.dev20260603
libtpu: 0.0.44.dev20260713+nightly
codegen_flags: <defaults>
</compile_context>

<pallas_src>
import dataclasses
import functools

import jax
import jax.numpy as jnp
from jax import lax
from jax.experimental import pallas as pl
from jax.experimental.pallas import tpu as pltpu
from jax.experimental.pallas import tpu_sc as plsc

N = 10000
E = 320000
D_IN = 128
D_H = 256
D_OUT = 1024

NC = 2
NS = 16
LANES = 16
NW = NC * NS

NP = 10240
EP = 327680
ROWS = EP // 128
RPS = ROWS // NS
RPW = ROWS // NW
NPS = NP // NS

_mesh = plsc.VectorSubcoreMesh(core_axis_name="c", subcore_axis_name="s")

_cp_no_layout = pltpu.CompilerParams()
if "needs_layout_passes" in pltpu.CompilerParams.__dataclass_fields__:
    _cp_no_layout = dataclasses.replace(_cp_no_layout, needs_layout_passes=False)


CW = NP // NS


@functools.partial(
    pl.kernel,
    out_type=jax.ShapeDtypeStruct((NC, NP), jnp.float32),
    mesh=_mesh,
    scratch_types=[
        pltpu.VMEM((RPW, 128), jnp.int32),
        pltpu.VMEM((NP,), jnp.float32),
        pltpu.VMEM((CW,), jnp.float32),
        pltpu.VMEM((CW,), jnp.float32),
        pltpu.VMEM_SHARED((NS, NP), jnp.float32),
    ],
    compiler_params=_cp_no_layout,
)
def _deg_kernel(dst_hbm, deg_hbm, dst_v, hist_v, red_v, tmp_v, hist_sp):
    c = lax.axis_index("c")
    s = lax.axis_index("s")
    w = c * NS + s

    pltpu.sync_copy(dst_hbm.at[pl.ds(w * RPW, RPW)], dst_v)

    one = jnp.full((LANES,), 1.0, jnp.float32)
    zero = jnp.zeros((LANES,), jnp.float32)

    @pl.loop(0, NP, step=LANES)
    def _(i):
        hist_v[pl.ds(i, LANES)] = zero

    @pl.loop(0, RPW)
    def _(r):
        @pl.loop(0, 128, step=LANES)
        def _(j):
            plsc.addupdate_scatter(hist_v, [dst_v[r, pl.ds(j, LANES)]], one)

    pltpu.sync_copy(hist_v, hist_sp.at[s])
    plsc.subcore_barrier()

    pltpu.sync_copy(hist_sp.at[0, pl.ds(s * CW, CW)], red_v)
    for r in range(1, NS):
        pltpu.sync_copy(hist_sp.at[r, pl.ds(s * CW, CW)], tmp_v)

        @pl.loop(0, CW, step=LANES)
        def _(i):
            red_v[pl.ds(i, LANES)] = red_v[pl.ds(i, LANES)] + tmp_v[pl.ds(i, LANES)]

    pltpu.sync_copy(red_v, deg_hbm.at[c, pl.ds(s * CW, CW)])


def _edge_chunk(xs_hbm, acc_sp, src_v, dst_v, data0, data1, sem, ch):
    pltpu.sync_copy(xs_hbm.at[src_v.at[0]], data0)

    @pl.loop(0, ch // 2)
    def _(k):
        t = 2 * k
        nxt = jnp.minimum(t + 2, ch - 1)
        cp = pltpu.async_copy(xs_hbm.at[src_v.at[t + 1]], data1, sem)
        pltpu.sync_copy(data0, acc_sp.at[dst_v.at[t]], add=True)
        cp.wait()
        cp2 = pltpu.async_copy(xs_hbm.at[src_v.at[nxt]], data0, sem)
        pltpu.sync_copy(data1, acc_sp.at[dst_v.at[t + 1]], add=True)
        cp2.wait()


CH = 40


@functools.partial(
    pl.kernel,
    out_type=jax.ShapeDtypeStruct((NC * NP, D_IN), jnp.float32),
    mesh=_mesh,
    scratch_types=[
        pltpu.VMEM((CH, 128), jnp.int32),
        pltpu.VMEM((CH, 128), jnp.int32),
        pltpu.VMEM((128, D_IN), jnp.float32),
        pltpu.VMEM((128, D_IN), jnp.float32),
        pltpu.SemaphoreType.DMA,
        pltpu.VMEM_SHARED((NP, D_IN), jnp.float32),
    ],
)
def _prop_es(src_hbm, dst_hbm, xs_hbm, out_hbm,
             src_v, dst_v, data0, data1, sem, acc_sp):
    c = lax.axis_index("c")
    s = lax.axis_index("s")
    base = c * (ROWS // NC) + s * RPW

    @pl.when(c == 0)
    def _():
        pltpu.sync_copy(
            xs_hbm.at[pl.ds(s * NPS, NPS)],
            acc_sp.at[pl.ds(s * NPS, NPS)],
        )

    @pl.when(c != 0)
    def _():
        zero = jnp.zeros((LANES,), jnp.float32)

        @pl.loop(0, 128)
        def _(i):
            @pl.loop(0, D_IN, step=LANES)
            def _(j):
                data0[i, pl.ds(j, LANES)] = zero

        @pl.loop(0, NPS // 128)
        def _(k):
            pltpu.sync_copy(data0, acc_sp.at[pl.ds(s * NPS + k * 128, 128)])

    plsc.subcore_barrier()

    for p in range(RPW // CH):
        pltpu.sync_copy(src_hbm.at[pl.ds(base + p * CH, CH)], src_v)
        pltpu.sync_copy(dst_hbm.at[pl.ds(base + p * CH, CH)], dst_v)
        _edge_chunk(xs_hbm, acc_sp, src_v, dst_v, data0, data1, sem, CH)

    plsc.subcore_barrier()
    pltpu.sync_copy(
        acc_sp.at[pl.ds(s * NPS, NPS)],
        out_hbm.at[pl.ds(c * NP + s * NPS, NPS)],
    )


@functools.partial(
    pl.kernel,
    out_type=jax.ShapeDtypeStruct((NC * NP, D_H // 2), jnp.float32),
    mesh=_mesh,
    scratch_types=[
        pltpu.VMEM((CH, 128), jnp.int32),
        pltpu.VMEM((CH, 128), jnp.int32),
        pltpu.VMEM((128, D_H // 2), jnp.float32),
        pltpu.VMEM((128, D_H // 2), jnp.float32),
        pltpu.SemaphoreType.DMA,
        pltpu.VMEM_SHARED((NP, D_H // 2), jnp.float32),
    ],
)
def _prop_cs(src_hbm, dst_hbm, xs_hbm, out_hbm,
             src_v, dst_v, data0, data1, sem, acc_sp):
    c = lax.axis_index("c")
    s = lax.axis_index("s")
    off = jnp.broadcast_to((c * NP).astype(jnp.int32), (LANES,))

    pltpu.sync_copy(
        xs_hbm.at[pl.ds(c * NP + s * NPS, NPS)],
        acc_sp.at[pl.ds(s * NPS, NPS)],
    )
    plsc.subcore_barrier()

    for p in range(RPS // CH):
        pltpu.sync_copy(src_hbm.at[pl.ds(s * RPS + p * CH, CH)], src_v)
        pltpu.sync_copy(dst_hbm.at[pl.ds(s * RPS + p * CH, CH)], dst_v)

        @pl.loop(0, CH)
        def _(i):
            @pl.loop(0, 128, step=LANES)
            def _(j):
                src_v[i, pl.ds(j, LANES)] = src_v[i, pl.ds(j, LANES)] + off

        _edge_chunk(xs_hbm, acc_sp, src_v, dst_v, data0, data1, sem, CH)

    plsc.subcore_barrier()
    pltpu.sync_copy(
        acc_sp.at[pl.ds(s * NPS, NPS)],
        out_hbm.at[pl.ds(c * NP + s * NPS, NPS)],
    )


BN = 2048


def _mm1_body(p_ref, w_ref, dinv_ref, b_ref, o_ref):
    q = p_ref[0] + p_ref[1]
    acc = jnp.dot(q.astype(jnp.bfloat16), w_ref[...].astype(jnp.bfloat16),
                  preferred_element_type=jnp.float32)
    dinv = dinv_ref[...]
    h = jnp.maximum(acc * dinv + b_ref[...], 0.0) * dinv
    o_ref[0] = h[:, :D_H // 2]
    o_ref[1] = h[:, D_H // 2:]


def _mm1(p0, w0, dinv2d, b0):
    return pl.pallas_call(
        _mm1_body,
        out_shape=jax.ShapeDtypeStruct((NC, NP, D_H // 2), jnp.float32),
        grid=(NP // BN,),
        in_specs=[
            pl.BlockSpec((NC, BN, D_IN), lambda i: (0, i, 0)),
            pl.BlockSpec((D_IN, D_H), lambda i: (0, 0)),
            pl.BlockSpec((BN, 1), lambda i: (i, 0)),
            pl.BlockSpec((1, D_H), lambda i: (0, 0)),
        ],
        out_specs=pl.BlockSpec((NC, BN, D_H // 2), lambda i: (0, i, 0)),
    )(p0, w0, dinv2d, b0)


def _mm2_body(p_ref, w_ref, dinv_ref, b_ref, o_ref):
    acc = jnp.dot(p_ref[0].astype(jnp.bfloat16), w_ref[0].astype(jnp.bfloat16),
                  preferred_element_type=jnp.float32)
    acc += jnp.dot(p_ref[1].astype(jnp.bfloat16), w_ref[1].astype(jnp.bfloat16),
                   preferred_element_type=jnp.float32)
    o_ref[...] = jnp.maximum(acc * dinv_ref[...] + b_ref[...], 0.0)


BN2 = 2000


def _mm2(p1, w1r, dinv2d, b1):
    return pl.pallas_call(
        _mm2_body,
        out_shape=jax.ShapeDtypeStruct((N, D_OUT), jnp.float32),
        grid=(N // BN2,),
        in_specs=[
            pl.BlockSpec((NC, BN2, D_H // 2), lambda i: (0, i, 0)),
            pl.BlockSpec((NC, D_H // 2, D_OUT), lambda i: (0, 0, 0)),
            pl.BlockSpec((BN2, 1), lambda i: (i, 0)),
            pl.BlockSpec((1, D_OUT), lambda i: (0, 0)),
        ],
        out_specs=pl.BlockSpec((BN2, D_OUT), lambda i: (i, 0)),
    )(p1, w1r, dinv2d, b1)


def kernel(x, edge_index, W0, b0, W1, b1):
    src = edge_index[0]
    dst = edge_index[1]
    pad = EP - E
    pad_idx = jnp.arange(pad, dtype=jnp.int32)
    srcp = jnp.concatenate([src, pad_idx % N])
    dstp = jnp.concatenate([dst, N + pad_idx % (NP - N)])

    src_rows = srcp.reshape(ROWS, 128)
    dst_rows = dstp.reshape(ROWS, 128)

    deg_parts = _deg_kernel(dst_rows)
    deg = deg_parts[0, :N] + deg_parts[1, :N] + 1.0
    dinv = lax.rsqrt(deg)
    dinv2d = jnp.pad(dinv[:, None], ((0, NP - N), (0, 0)))

    xs = jnp.pad(x * dinv2d[:N], ((0, NP - N), (0, 0)))
    q0 = _prop_es(src_rows, dst_rows, xs)

    hs = _mm1(q0.reshape(NC, NP, D_IN), W0, dinv2d, b0.reshape(1, D_H))

    q1 = _prop_cs(src_rows, dst_rows, hs.reshape(NC * NP, D_H // 2))

    out = _mm2(q1.reshape(NC, NP, D_H // 2), W1.reshape(NC, D_H // 2, D_OUT),
               dinv2d, b1.reshape(1, D_OUT))
    return out

# --- scband reference (transcript-rebuilt; emitter-appended) ---
"""Pipeline reference for scband-ray-obs-graph-46815143526666 (READ-ONLY COPY).

The authoritative reference and input builder live on the scoring server;
editing this copy changes nothing except your own understanding.
"""

import jax, jax.numpy as jnp
import numpy as np

N = 10000
E = 320000
D_IN = 128
D_H = 256
D_OUT = 1024


def gcn_conv(x, edge_index, W, b, num_nodes):
    # torch_geometric GCNConv: add self-loops, symmetric deg normalization
    h = x @ W
    src = edge_index[0]
    dst = edge_index[1]
    loop = jnp.arange(num_nodes, dtype=src.dtype)
    src = jnp.concatenate([src, loop])
    dst = jnp.concatenate([dst, loop])
    ones = jnp.ones(src.shape[0], dtype=h.dtype)
    deg = jnp.zeros((num_nodes,), dtype=h.dtype).at[dst].add(ones)
    dinv = jnp.where(deg > 0, jax.lax.rsqrt(deg), 0.0)
    norm = dinv[src] * dinv[dst]
    msg = h[src] * norm[:, None]
    out = jax.ops.segment_sum(msg, dst, num_segments=num_nodes)
    return out + b


def setup_inputs(seed: int = 0) -> dict:
    key = jax.random.key(seed)
    ks = jax.random.split(key, 6)
    x = jax.random.normal(ks[0], (N, D_IN), dtype=jnp.float32)
    edge_index = jax.random.randint(ks[1], (2, E), 0, N, dtype=jnp.int32)
    # GCNConv params (weight [in, out] + bias), glorot-ish init
    W0 = jax.random.normal(ks[2], (D_IN, D_H), dtype=jnp.float32) * (1.0 / np.sqrt(D_IN))
    b0 = jnp.zeros((D_H,), dtype=jnp.float32)
    W1 = jax.random.normal(ks[3], (D_H, D_OUT), dtype=jnp.float32) * (1.0 / np.sqrt(D_H))
    b1 = jnp.zeros((D_OUT,), dtype=jnp.float32)
    return {"x": x, "edge_index": edge_index, "W0": W0, "b0": b0, "W1": W1, "b1": b1}


def reference(x, edge_index, W0, b0, W1, b1):
    # forward_rnn core: relu(gcn0) -> dropout(identity in eval) -> relu(gcn1)
    h = jax.nn.relu(gcn_conv(x, edge_index, W0, b0, N))
    out = jax.nn.relu(gcn_conv(h, edge_index, W1, b1, N))
    return out

if __name__ == "__main__":
    import jax
    _d = setup_inputs()
    print(jax.jit(kernel)(*tuple(_d.values())))

</pallas_src>

<mosaic_0001>
#map = affine_map<(d0, d1) -> (0, 0)>
module attributes {stable_mosaic.version = 14 : i64} {
  func.func @_deg_kernel(%arg0: i32, %arg1: i32, %arg2: memref<2560x128xi32, #tpu.memory_space<hbm>>, %arg3: memref<2x10240xf32, #tpu.memory_space<hbm>>, %arg4: memref<80x128xi32, #tpu.memory_space<vmem>>, %arg5: memref<10240xf32, #tpu.memory_space<vmem>>, %arg6: memref<640xf32, #tpu.memory_space<vmem>>, %arg7: memref<640xf32, #tpu.memory_space<vmem>>, %arg8: memref<16x10240xf32, #tpu.memory_space<vmem_shared>>) attributes {dimension_semantics = [#tpu.dimension_semantics<core_parallel>, #tpu.dimension_semantics<subcore_parallel>], iteration_bounds = array<i64: 2, 16>, scalar_prefetch = 0 : i64, scratch_operands = 5 : i64, tpu.core_type = #tpu.core_type<sc_vector_subcore>, window_params = [{transform_indices = #map}, {transform_indices = #map}]} {
    %mul3A = arith.constant 16 : i32
    %mul3A_0 = arith.muli %arg0, %mul3A : i32
    %add3A = arith.addi %mul3A_0, %arg1 : i32
    %mul3A_1 = arith.constant 80 : i32
    %mul3A_2 = arith.muli %add3A, %mul3A_1 : i32
    "tpu.region"() ({
      %run_scoped3A_139 = tpu.sem_alloc : memref<!tpu.dma_semaphore, #tpu.memory_space<semaphore_mem>>
      %dma_start3A = arith.constant 0 : i32
      %dma_start3A_140 = tpu.memref_slice %arg2[%mul3A_2, %dma_start3A] : memref<2560x128xi32, #tpu.memory_space<hbm>> -> memref<80x128xi32, #tpu.memory_space<hbm>>
      %dma_start3A_141 = arith.constant 0 : i32
      %dma_start3A_142 = tpu.memref_slice %arg2[%mul3A_2, %dma_start3A_141] : memref<2560x128xi32, #tpu.memory_space<hbm>> -> memref<80x128xi32, #tpu.memory_space<hbm>>
      tpu.enqueue_dma source(%dma_start3A_142 : memref<80x128xi32, #tpu.memory_space<hbm>>) target(%arg4 : memref<80x128xi32, #tpu.memory_space<vmem>>) target_semaphore(%run_scoped3A_139 : memref<!tpu.dma_semaphore, #tpu.memory_space<semaphore_mem>>)
      %dma_wait3A = arith.constant 0 : i32
      %dma_wait3A_143 = tpu.memref_slice %arg2[%mul3A_2, %dma_wait3A] : memref<2560x128xi32, #tpu.memory_space<hbm>> -> memref<80x128xi32, #tpu.memory_space<hbm>>
      %dma_wait3A_144 = arith.constant 0 : i32
      %dma_wait3A_145 = tpu.memref_slice %arg2[%mul3A_2, %dma_wait3A_144] : memref<2560x128xi32, #tpu.memory_space<hbm>> -> memref<80x128xi32, #tpu.memory_space<hbm>>
      tpu.wait_dma2 semaphore(%run_scoped3A_139 : memref<!tpu.dma_semaphore, #tpu.memory_space<semaphore_mem>>) src(%dma_wait3A_145 : memref<80x128xi32, #tpu.memory_space<hbm>>) dst(%arg4 : memref<80x128xi32, #tpu.memory_space<vmem>>)
      tpu.yield
    }) : () -> ()
    %broadcast_in_dim3A = arith.constant 1.000000e+00 : f32
    %broadcast_in_dim3A_3 = vector.broadcast %broadcast_in_dim3A : f32 to vector<16xf32>
    %broadcast_in_dim3A_4 = arith.constant 0.000000e+00 : f32
    %broadcast_in_dim3A_5 = vector.broadcast %broadcast_in_dim3A_4 : f32 to vector<16xf32>
    %scan3A = arith.constant 0 : i32
    %scan3A_6 = arith.constant 640 : i32
    %scan3A_7 = arith.addi %scan3A, %scan3A_6 : i32
    %scan3A_8 = arith.constant 1 : i32
    scf.for %scan3A_139 = %scan3A to %scan3A_7 step %scan3A_8  : i32 {
      %mul3A_140 = arith.constant 16 : i32
      %mul3A_141 = arith.muli %scan3A_139, %mul3A_140 : i32
      %add3A_142 = arith.constant 0 : i32
      %add3A_143 = arith.addi %add3A_142, %mul3A_141 : i32
      %swap3A = arith.index_cast %add3A_143 : i32 to index
      %swap3A_144 = tpu.vector_load %arg5[%swap3A] {strides = array<i32>} : memref<10240xf32, #tpu.memory_space<vmem>>, vector<16xf32>,
      tpu.vector_store %arg5[%swap3A], %broadcast_in_dim3A_5 {strides = array<i32>} : memref<10240xf32, #tpu.memory_space<vmem>>, vector<16xf32>,
    }
    %scan3A_9 = arith.constant 640 : i32
    %scan3A_10 = arith.constant 0 : i32
    %scan3A_11 = arith.constant 80 : i32
    %scan3A_12 = arith.addi %scan3A_10, %scan3A_11 : i32
    %scan3A_13 = arith.constant 1 : i32
    scf.for %scan3A_139 = %scan3A_10 to %scan3A_12 step %scan3A_13  : i32 {
      %mul3A_140 = arith.constant 1 : i32
      %mul3A_141 = arith.muli %scan3A_139, %mul3A_140 : i32
      %add3A_142 = arith.constant 0 : i32
      %add3A_143 = arith.addi %add3A_142, %mul3A_141 : i32
      %scan3A_144 = arith.constant 0 : i32
      %scan3A_145 = arith.constant 8 : i32
      %scan3A_146 = arith.addi %scan3A_144, %scan3A_145 : i32
      %scan3A_147 = arith.constant 1 : i32
      scf.for %scan3A_149 = %scan3A_144 to %scan3A_146 step %scan3A_147  : i32 {
        %mul3A_150 = arith.constant 16 : i32
        %mul3A_151 = arith.muli %scan3A_149, %mul3A_150 : i32
        %add3A_152 = arith.constant 0 : i32
        %add3A_153 = arith.addi %add3A_152, %mul3A_151 : i32
        %get3A = arith.index_cast %add3A_143 : i32 to index
        %get3A_154 = arith.index_cast %add3A_153 : i32 to index
        %get3A_155 = tpu.vector_load %arg4[%get3A, %get3A_154] {strides = array<i32>} : memref<80x128xi32, #tpu.memory_space<vmem>>, vector<16xi32>,
        tpu.vector_store_idx %arg5[%get3A_155], %broadcast_in_dim3A_3 {add = true} : memref<10240xf32, #tpu.memory_space<vmem>>[vector<16xi32>], vector<16xf32>,
      }
      %scan3A_148 = arith.constant 8 : i32
    }
    %scan3A_14 = arith.constant 80 : i32
    "tpu.region"() ({
      %run_scoped3A_139 = tpu.sem_alloc : memref<!tpu.dma_semaphore, #tpu.memory_space<semaphore_mem>>
      %dma_start3A = arith.constant 0 : i32
      %dma_start3A_140 = tpu.memref_slice %arg8[%arg1, %dma_start3A] : memref<16x10240xf32, #tpu.memory_space<vmem_shared>> -> memref<1x10240xf32, #tpu.memory_space<vmem_shared>>
      %dma_start3A_141 = tpu.memref_squeeze %dma_start3A_140 : memref<1x10240xf32, #tpu.memory_space<vmem_shared>> -> memref<10240xf32, #tpu.memory_space<vmem_shared>>
      %dma_start3A_142 = arith.constant 0 : i32
      %dma_start3A_143 = tpu.memref_slice %arg8[%arg1, %dma_start3A_142] : memref<16x10240xf32, #tpu.memory_space<vmem_shared>> -> memref<1x10240xf32, #tpu.memory_space<vmem_shared>>
      %dma_start3A_144 = tpu.memref_squeeze %dma_start3A_143 : memref<1x10240xf32, #tpu.memory_space<vmem_shared>> -> memref<10240xf32, #tpu.memory_space<vmem_shared>>
      tpu.enqueue_dma source(%arg5 : memref<10240xf32, #tpu.memory_space<vmem>>) target(%dma_start3A_144 : memref<10240xf32, #tpu.memory_space<vmem_shared>>) target_semaphore(%run_scoped3A_139 : memref<!tpu.dma_semaphore, #tpu.memory_space<semaphore_mem>>)
      %dma_wait3A = arith.constant 0 : i32
      %dma_wait3A_145 = tpu.memref_slice %arg8[%arg1, %dma_wait3A] : memref<16x10240xf32, #tpu.memory_space<vmem_shared>> -> memref<1x10240xf32, #tpu.memory_space<vmem_shared>>
      %dma_wait3A_146 = tpu.memref_squeeze %dma_wait3A_145 : memref<1x10240xf32, #tpu.memory_space<vmem_shared>> -> memref<10240xf32, #tpu.memory_space<vmem_shared>>
      %dma_wait3A_147 = arith.constant 0 : i32
      %dma_wait3A_148 = tpu.memref_slice %arg8[%arg1, %dma_wait3A_147] : memref<16x10240xf32, #tpu.memory_space<vmem_shared>> -> memref<1x10240xf32, #tpu.memory_space<vmem_shared>>
      %dma_wait3A_149 = tpu.memref_squeeze %dma_wait3A_148 : memref<1x10240xf32, #tpu.memory_space<vmem_shared>> -> memref<10240xf32, #tpu.memory_space<vmem_shared>>
      tpu.wait_dma2 semaphore(%run_scoped3A_139 : memref<!tpu.dma_semaphore, #tpu.memory_space<semaphore_mem>>) src(%arg5 : memref<10240xf32, #tpu.memory_space<vmem>>) dst(%dma_wait3A_149 : memref<10240xf32, #tpu.memory_space<vmem_shared>>)
      tpu.yield
    }) : () -> ()
    %barrier3A = arith.constant 0 : index
    tpu.barrier barrier_id(%barrier3A)
    %mul3A_15 = arith.constant 640 : i32
    %mul3A_16 = arith.muli %arg1, %mul3A_15 : i32
    %run_scoped3A = arith.constant 0 : i32
    "tpu.region"() ({
      %run_scoped3A_139 = tpu.sem_alloc : memref<!tpu.dma_semaphore, #tpu.memory_space<semaphore_mem>>
      %dma_start3A = tpu.memref_slice %arg8[%run_scoped3A, %mul3A_16] : memref<16x10240xf32, #tpu.memory_space<vmem_shared>> -> memref<1x640xf32, #tpu.memory_space<vmem_shared>>
      %dma_start3A_140 = tpu.memref_squeeze %dma_start3A : memref<1x640xf32, #tpu.memory_space<vmem_shared>> -> memref<640xf32, #tpu.memory_space<vmem_shared>>
      %dma_start3A_141 = tpu.memref_slice %arg8[%run_scoped3A, %mul3A_16] : memref<16x10240xf32, #tpu.memory_space<vmem_shared>> -> memref<1x640xf32, #tpu.memory_space<vmem_shared>>
      %dma_start3A_142 = tpu.memref_squeeze %dma_start3A_141 : memref<1x640xf32, #tpu.memory_space<vmem_shared>> -> memref<640xf32, #tpu.memory_space<vmem_shared>>
      tpu.enqueue_dma source(%dma_start3A_142 : memref<640xf32, #tpu.memory_space<vmem_shared>>) target(%arg6 : memref<640xf32, #tpu.memory_space<vmem>>) target_semaphore(%run_scoped3A_139 : memref<!tpu.dma_semaphore, #tpu.memory_space<semaphore_mem>>)
      %dma_wait3A = tpu.memref_slice %arg8[%run_scoped3A, %mul3A_16] : memref<16x10240xf32, #tpu.memory_space<vmem_shared>> -> memref<1x640xf32, #tpu.memory_space<vmem_shared>>
      %dma_wait3A_143 = tpu.memref_squeeze %dma_wait3A : memref<1x640xf32, #tpu.memory_space<vmem_shared>> -> memref<640xf32, #tpu.memory_space<vmem_shared>>
      %dma_wait3A_144 = tpu.memref_slice %arg8[%run_scoped3A, %mul3A_16] : memref<16x10240xf32, #tpu.memory_space<vmem_shared>> -> memref<1x640xf32, #tpu.memory_space<vmem_shared>>
      %dma_wait3A_145 = tpu.memref_squeeze %dma_wait3A_144 : memref<1x640xf32, #tpu.memory_space<vmem_shared>> -> memref<640xf32, #tpu.memory_space<vmem_shared>>
      tpu.wait_dma2 semaphore(%run_scoped3A_139 : memref<!tpu.dma_semaphore, #tpu.memory_space<semaphore_mem>>) src(%dma_wait3A_145 : memref<640xf32, #tpu.memory_space<vmem_shared>>) dst(%arg6 : memref<640xf32, #tpu.memory_space<vmem>>)
      tpu.yield
    }) : () -> ()
    %mul3A_17 = arith.constant 640 : i32
    %mul3A_18 = arith.muli %arg1, %mul3A_17 : i32
    %run_scoped3A_19 = arith.constant 1 : i32
    "tpu.region"() ({
      %run_scoped3A_139 = tpu.sem_alloc : memref<!tpu.dma_semaphore, #tpu.memory_space<semaphore_mem>>
      %dma_start3A = tpu.memref_slice %arg8[%run_scoped3A_19, %mul3A_18] : memref<16x10240xf32, #tpu.memory_space<vmem_shared>> -> memref<1x640xf32, #tpu.memory_space<vmem_shared>>
      %dma_start3A_140 = tpu.memref_squeeze %dma_start3A : memref<1x640xf32, #tpu.memory_space<vmem_shared>> -> memref<640xf32, #tpu.memory_space<vmem_shared>>
      %dma_start3A_141 = tpu.memref_slice %arg8[%run_scoped3A_19, %mul3A_18] : memref<16x10240xf32, #tpu.memory_space<vmem_shared>> -> memref<1x640xf32, #tpu.memory_space<vmem_shared>>
      %dma_start3A_142 = tpu.memref_squeeze %dma_start3A_141 : memref<1x640xf32, #tpu.memory_space<vmem_shared>> -> memref<640xf32, #tpu.memory_space<vmem_shared>>
      tpu.enqueue_dma source(%dma_start3A_142 : memref<640xf32, #tpu.memory_space<vmem_shared>>) target(%arg7 : memref<640xf32, #tpu.memory_space<vmem>>) target_semaphore(%run_scoped3A_139 : memref<!tpu.dma_semaphore, #tpu.memory_space<semaphore_mem>>)
      %dma_wait3A = tpu.memref_slice %arg8[%run_scoped3A_19, %mul3A_18] : memref<16x10240xf32, #tpu.memory_space<vmem_shared>> -> memref<1x640xf32, #tpu.memory_space<vmem_shared>>
      %dma_wait3A_143 = tpu.memref_squeeze %dma_wait3A : memref<1x640xf32, #tpu.memory_space<vmem_shared>> -> memref<640xf32, #tpu.memory_space<vmem_shared>>
      %dma_wait3A_144 = tpu.memref_slice %arg8[%run_scoped3A_19, %mul3A_18] : memref<16x10240xf32, #tpu.memory_space<vmem_shared>> -> memref<1x640xf32, #tpu.memory_space<vmem_shared>>
      %dma_wait3A_145 = tpu.memref_squeeze %dma_wait3A_144 : memref<1x640xf32, #tpu.memory_space<vmem_shared>> -> memref<640xf32, #tpu.memory_space<vmem_shared>>
      tpu.wait_dma2 semaphore(%run_scoped3A_139 : memref<!tpu.dma_semaphore, #tpu.memory_space<semaphore_mem>>) src(%dma_wait3A_145 : memref<640xf32, #tpu.memory_space<vmem_shared>>) dst(%arg7 : memref<640xf32, #tpu.memory_space<vmem>>)
      tpu.yield
    }) : () -> ()
    %scan3A_20 = arith.constant 0 : i32
    %scan3A_21 = arith.constant 40 : i32
    %scan3A_22 = arith.addi %scan3A_20, %scan3A_21 : i32
    %scan3A_23 = arith.constant 1 : i32
    scf.for %scan3A_139 = %scan3A_20 to %scan3A_22 step %scan3A_23  : i32 {
      %mul3A_140 = arith.constant 16 : i32
      %mul3A_141 = arith.muli %scan3A_139, %mul3A_140 : i32
      %add3A_142 = arith.constant 0 : i32
      %add3A_143 = arith.addi %add3A_142, %mul3A_141 : i32
      %get3A = arith.index_cast %add3A_143 : i32 to index
      %get3A_144 = tpu.vector_load %arg6[%get3A] {strides = array<i32>} : memref<640xf32, #tpu.memory_space<vmem>>, vector<16xf32>,
      %get3A_145 = arith.index_cast %add3A_143 : i32 to index
      %get3A_146 = tpu.vector_load %arg7[%get3A_145] {strides = array<i32>} : memref<640xf32, #tpu.memory_space<vmem>>, vector<16xf32>,
      %add3A_147 = arith.addf %get3A_144, %get3A_146 : vector<16xf32>
      %swap3A = arith.index_cast %add3A_143 : i32 to index
      %swap3A_148 = tpu.vector_load %arg6[%swap3A] {strides = array<i32>} : memref<640xf32, #tpu.memory_space<vmem>>, vector<16xf32>,
      tpu.vector_store %arg6[%swap3A], %add3A_147 {strides = array<i32>} : memref<640xf32, #tpu.memory_space<vmem>>, vector<16xf32>,
    }
    %scan3A_24 = arith.constant 40 : i32
    %mul3A_25 = arith.constant 640 : i32
    %mul3A_26 = arith.muli %arg1, %mul3A_25 : i32
    %run_scoped3A_27 = arith.constant 2 : i32
    "tpu.region"() ({
      %run_scoped3A_139 = tpu.sem_alloc : memref<!tpu.dma_semaphore, #tpu.memory_space<semaphore_mem>>
      %dma_start3A = tpu.memref_slice %arg8[%run_scoped3A_27, %mul3A_26] : memref<16x10240xf32, #tpu.memory_space<vmem_shared>> -> memref<1x640xf32, #tpu.memory_space<vmem_shared>>
      %dma_start3A_140 = tpu.memref_squeeze %dma_start3A : memref<1x640xf32, #tpu.memory_space<vmem_shared>> -> memref<640xf32, #tpu.memory_space<vmem_shared>>
      %dma_start3A_141 = tpu.memref_slice %arg8[%run_scoped3A_27, %mul3A_26] : memref<16x10240xf32, #tpu.memory_space<vmem_shared>> -> memref<1x640xf32, #tpu.memory_space<vmem_shared>>
      %dma_start3A_142 = tpu.memref_squeeze %dma_start3A_141 : memref<1x640xf32, #tpu.memory_space<vmem_shared>> -> memref<640xf32, #tpu.memory_space<vmem_shared>>
      tpu.enqueue_dma source(%dma_start3A_142 : memref<640xf32, #tpu.memory_space<vmem_shared>>) target(%arg7 : memref<640xf32, #tpu.memory_space<vmem>>) target_semaphore(%run_scoped3A_139 : memref<!tpu.dma_semaphore, #tpu.memory_space<semaphore_mem>>)
      %dma_wait3A = tpu.memref_slice %arg8[%run_scoped3A_27, %mul3A_26] : memref<16x10240xf32, #tpu.memory_space<vmem_shared>> -> memref<1x640xf32, #tpu.memory_space<vmem_shared>>
      %dma_wait3A_143 = tpu.memref_squeeze %dma_wait3A : memref<1x640xf32, #tpu.memory_space<vmem_shared>> -> memref<640xf32, #tpu.memory_space<vmem_shared>>
      %dma_wait3A_144 = tpu.memref_slice %arg8[%run_scoped3A_27, %mul3A_26] : memref<16x10240xf32, #tpu.memory_space<vmem_shared>> -> memref<1x640xf32, #tpu.memory_space<vmem_shared>>
      %dma_wait3A_145 = tpu.memref_squeeze %dma_wait3A_144 : memref<1x640xf32, #tpu.memory_space<vmem_shared>> -> memref<640xf32, #tpu.memory_space<vmem_shared>>
      tpu.wait_dma2 semaphore(%run_scoped3A_139 : memref<!tpu.dma_semaphore, #tpu.memory_space<semaphore_mem>>) src(%dma_wait3A_145 : memref<640xf32, #tpu.memory_space<vmem_shared>>) dst(%arg7 : memref<640xf32, #tpu.memory_space<vmem>>)
      tpu.yield
    }) : () -> ()
    %scan3A_28 = arith.constant 0 : i32
    %scan3A_29 = arith.constant 40 : i32
    %scan3A_30 = arith.addi %scan3A_28, %scan3A_29 : i32
    %scan3A_31 = arith.constant 1 : i32
    scf.for %scan3A_139 = %scan3A_28 to %scan3A_30 step %scan3A_31  : i32 {
      %mul3A_140 = arith.constant 16 : i32
      %mul3A_141 = arith.muli %scan3A_139, %mul3A_140 : i32
      %add3A_142 = arith.constant 0 : i32
      %add3A_143 = arith.addi %add3A_142, %mul3A_141 : i32
      %get3A = arith.index_cast %add3A_143 : i32 to index
      %get3A_144 = tpu.vector_load %arg6[%get3A] {strides = array<i32>} : memref<640xf32, #tpu.memory_space<vmem>>, vector<16xf32>,
      %get3A_145 = arith.index_cast %add3A_143 : i32 to index
      %get3A_146 = tpu.vector_load %arg7[%get3A_145] {strides = array<i32>} : memref<640xf32, #tpu.memory_space<vmem>>, vector<16xf32>,
      %add3A_147 = arith.addf %get3A_144, %get3A_146 : vector<16xf32>
      %swap3A = arith.index_cast %add3A_143 : i32 to index
      %swap3A_148 = tpu.vector_load %arg6[%swap3A] {strides = array<i32>} : memref<640xf32, #tpu.memory_space<vmem>>, vector<16xf32>,
      tpu.vector_store %arg6[%swap3A], %add3A_147 {strides = array<i32>} : memref<640xf32, #tpu.memory_space<vmem>>, vector<16xf32>,
    }
    %scan3A_32 = arith.constant 40 : i32
    %mul3A_33 = arith.constant 640 : i32
    %mul3A_34 = arith.muli %arg1, %mul3A_33 : i32
    %run_scoped3A_35 = arith.constant 3 : i32
    "tpu.region"() ({
      %run_scoped3A_139 = tpu.sem_alloc : memref<!tpu.dma_semaphore, #tpu.memory_space<semaphore_mem>>
      %dma_start3A = tpu.memref_slice %arg8[%run_scoped3A_35, %mul3A_34] : memref<16x10240xf32, #tpu.memory_space<vmem_shared>> -> memref<1x640xf32, #tpu.memory_space<vmem_shared>>
      %dma_start3A_140 = tpu.memref_squeeze %dma_start3A : memref<1x640xf32, #tpu.memory_space<vmem_shared>> -> memref<640xf32, #tpu.memory_space<vmem_shared>>
      %dma_start3A_141 = tpu.memref_slice %arg8[%run_scoped3A_35, %mul3A_34] : memref<16x10240xf32, #tpu.memory_space<vmem_shared>> -> memref<1x640xf32, #tpu.memory_space<vmem_shared>>
      %dma_start3A_142 = tpu.memref_squeeze %dma_start3A_141 : memref<1x640xf32, #tpu.memory_space<vmem_shared>> -> memref<640xf32, #tpu.memory_space<vmem_shared>>
      tpu.enqueue_dma source(%dma_start3A_142 : memref<640xf32, #tpu.memory_space<vmem_shared>>) target(%arg7 : memref<640xf32, #tpu.memory_space<vmem>>) target_semaphore(%run_scoped3A_139 : memref<!tpu.dma_semaphore, #tpu.memory_space<semaphore_mem>>)
      %dma_wait3A = tpu.memref_slice %arg8[%run_scoped3A_35, %mul3A_34] : memref<16x10240xf32, #tpu.memory_space<vmem_shared>> -> memref<1x640xf32, #tpu.memory_space<vmem_shared>>
      %dma_wait3A_143 = tpu.memref_squeeze %dma_wait3A : memref<1x640xf32, #tpu.memory_space<vmem_shared>> -> memref<640xf32, #tpu.memory_space<vmem_shared>>
      %dma_wait3A_144 = tpu.memref_slice %arg8[%run_scoped3A_35, %mul3A_34] : memref<16x10240xf32, #tpu.memory_space<vmem_shared>> -> memref<1x640xf32, #tpu.memory_space<vmem_shared>>
      %dma_wait3A_145 = tpu.memref_squeeze %dma_wait3A_144 : memref<1x640xf32, #tpu.memory_space<vmem_shared>> -> memref<640xf32, #tpu.memory_space<vmem_shared>>
      tpu.wait_dma2 semaphore(%run_scoped3A_139 : memref<!tpu.dma_semaphore, #tpu.memory_space<semaphore_mem>>) src(%dma_wait3A_145 : memref<640xf32, #tpu.memory_space<vmem_shared>>) dst(%arg7 : memref<640xf32, #tpu.memory_space<vmem>>)
      tpu.yield
    }) : () -> ()
    %scan3A_36 = arith.constant 0 : i32
    %scan3A_37 = arith.constant 40 : i32
    %scan3A_38 = arith.addi %scan3A_36, %scan3A_37 : i32
    %scan3A_39 = arith.constant 1 : i32
    scf.for %scan3A_139 = %scan3A_36 to %scan3A_38 step %scan3A_39  : i32 {
      %mul3A_140 = arith.constant 16 : i32
      %mul3A_141 = arith.muli %scan3A_139, %mul3A_140 : i32
      %add3A_142 = arith.constant 0 : i32
      %add3A_143 = arith.addi %add3A_142, %mul3A_141 : i32
      %get3A = arith.index_cast %add3A_143 : i32 to index
      %get3A_144 = tpu.vector_load %arg6[%get3A] {strides = array<i32>} : memref<640xf32, #tpu.memory_space<vmem>>, vector<16xf32>,
      %get3A_145 = arith.index_cast %add3A_143 : i32 to index
      %get3A_146 = tpu.vector_load %arg7[%get3A_145] {strides = array<i32>} : memref<640xf32, #tpu.memory_space<vmem>>, vector<16xf32>,
      %add3A_147 = arith.addf %get3A_144, %get3A_146 : vector<16xf32>
      %swap3A = arith.index_cast %add3A_143 : i32 to index
      %swap3A_148 = tpu.vector_load %arg6[%swap3A] {strides = array<i32>} : memref<640xf32, #tpu.memory_space<vmem>>, vector<16xf32>,
      tpu.vector_store %arg6[%swap3A], %add3A_147 {strides = array<i32>} : memref<640xf32, #tpu.memory_space<vmem>>, vector<16xf32>,
    }
    %scan3A_40 = arith.constant 40 : i32
    %mul3A_41 = arith.constant 640 : i32
    %mul3A_42 = arith.muli %arg1, %mul3A_41 : i32
    %run_scoped3A_43 = arith.constant 4 : i32
    "tpu.region"() ({
      %run_scoped3A_139 = tpu.sem_alloc : memref<!tpu.dma_semaphore, #tpu.memory_space<semaphore_mem>>
      %dma_start3A = tpu.memref_slice %arg8[%run_scoped3A_43, %mul3A_42] : memref<16x10240xf32, #tpu.memory_space<vmem_shared>> -> memref<1x640xf32, #tpu.memory_space<vmem_shared>>
      %dma_start3A_140 = tpu.memref_squeeze %dma_start3A : memref<1x640xf32, #tpu.memory_space<vmem_shared>> -> memref<640xf32, #tpu.memory_space<vmem_shared>>
      %dma_start3A_141 = tpu.memref_slice %arg8[%run_scoped3A_43, %mul3A_42] : memref<16x10240xf32, #tpu.memory_space<vmem_shared>> -> memref<1x640xf32, #tpu.memory_space<vmem_shared>>
      %dma_start3A_142 = tpu.memref_squeeze %dma_start3A_141 : memref<1x640xf32, #tpu.memory_space<vmem_shared>> -> memref<640xf32, #tpu.memory_space<vmem_shared>>
      tpu.enqueue_dma source(%dma_start3A_142 : memref<640xf32, #tpu.memory_space<vmem_shared>>) target(%arg7 : memref<640xf32, #tpu.memory_space<vmem>>) target_semaphore(%run_scoped3A_139 : memref<!tpu.dma_semaphore, #tpu.memory_space<semaphore_mem>>)
      %dma_wait3A = tpu.memref_slice %arg8[%run_scoped3A_43, %mul3A_42] : memref<16x10240xf32, #tpu.memory_space<vmem_shared>> -> memref<1x640xf32, #tpu.memory_space<vmem_shared>>
      %dma_wait3A_143 = tpu.memref_squeeze %dma_wait3A : memref<1x640xf32, #tpu.memory_space<vmem_shared>> -> memref<640xf32, #tpu.memory_space<vmem_shared>>
      %dma_wait3A_144 = tpu.memref_slice %arg8[%run_scoped3A_43, %mul3A_42] : memref<16x10240xf32, #tpu.memory_space<vmem_shared>> -> memref<1x640xf32, #tpu.memory_space<vmem_shared>>
      %dma_wait3A_145 = tpu.memref_squeeze %dma_wait3A_144 : memref<1x640xf32, #tpu.memory_space<vmem_shared>> -> memref<640xf32, #tpu.memory_space<vmem_shared>>
      tpu.wait_dma2 semaphore(%run_scoped3A_139 : memref<!tpu.dma_semaphore, #tpu.memory_space<semaphore_mem>>) src(%dma_wait3A_145 : memref<640xf32, #tpu.memory_space<vmem_shared>>) dst(%arg7 : memref<640xf32, #tpu.memory_space<vmem>>)
      tpu.yield
    }) : () -> ()
    %scan3A_44 = arith.constant 0 : i32
    %scan3A_45 = arith.constant 40 : i32
    %scan3A_46 = arith.addi %scan3A_44, %scan3A_45 : i32
    %scan3A_47 = arith.constant 1 : i32
    scf.for %scan3A_139 = %scan3A_44 to %scan3A_46 step %scan3A_47  : i32 {
      %mul3A_140 = arith.constant 16 : i32
      %mul3A_141 = arith.muli %scan3A_139, %mul3A_140 : i32
      %add3A_142 = arith.constant 0 : i32
      %add3A_143 = arith.addi %add3A_142, %mul3A_141 : i32
      %get3A = arith.index_cast %add3A_143 : i32 to index
      %get3A_144 = tpu.vector_load %arg6[%get3A] {strides = array<i32>} : memref<640xf32, #tpu.memory_space<vmem>>, vector<16xf32>,
      %get3A_145 = arith.index_cast %add3A_143 : i32 to index
      %get3A_146 = tpu.vector_load %arg7[%get3A_145] {strides = array<i32>} : memref<640xf32, #tpu.memory_space<vmem>>, vector<16xf32>,
      %add3A_147 = arith.addf %get3A_144, %get3A_146 : vector<16xf32>
      %swap3A = arith.index_cast %add3A_143 : i32 to index
      %swap3A_148 = tpu.vector_load %arg6[%swap3A] {strides = array<i32>} : memref<640xf32, #tpu.memory_space<vmem>>, vector<16xf32>,
      tpu.vector_store %arg6[%swap3A], %add3A_147 {strides = array<i32>} : memref<640xf32, #tpu.memory_space<vmem>>, vector<16xf32>,
    }
    %scan3A_48 = arith.constant 40 : i32
    %mul3A_49 = arith.constant 640 : i32
    %mul3A_50 = arith.muli %arg1, %mul3A_49 : i32
    %run_scoped3A_51 = arith.constant 5 : i32
    "tpu.region"() ({
      %run_scoped3A_139 = tpu.sem_alloc : memref<!tpu.dma_semaphore, #tpu.memory_space<semaphore_mem>>
      %dma_start3A = tpu.memref_slice %arg8[%run_scoped3A_51, %mul3A_50] : memref<16x10240xf32, #tpu.memory_space<vmem_shared>> -> memref<1x640xf32, #tpu.memory_space<vmem_shared>>
      %dma_start3A_140 = tpu.memref_squeeze %dma_start3A : memref<1x640xf32, #tpu.memory_space<vmem_shared>> -> memref<640xf32, #tpu.memory_space<vmem_shared>>
      %dma_start3A_141 = tpu.memref_slice %arg8[%run_scoped3A_51, %mul3A_50] : memref<16x10240xf32, #tpu.memory_space<vmem_shared>> -> memref<1x640xf32, #tpu.memory_space<vmem_shared>>
      %dma_start3A_142 = tpu.memref_squeeze %dma_start3A_141 : memref<1x640xf32, #tpu.memory_space<vmem_shared>> -> memref<640xf32, #tpu.memory_space<vmem_shared>>
      tpu.enqueue_dma source(%dma_start3A_142 : memref<640xf32, #tpu.memory_space<vmem_shared>>) target(%arg7 : memref<640xf32, #tpu.memory_space<vmem>>) target_semaphore(%run_scoped3A_139 : memref<!tpu.dma_semaphore, #tpu.memory_space<semaphore_mem>>)
      %dma_wait3A = tpu.memref_slice %arg8[%run_scoped3A_51, %mul3A_50] : memref<16x10240xf32, #tpu.memory_space<vmem_shared>> -> memref<1x640xf32, #tpu.memory_space<vmem_shared>>
      %dma_wait3A_143 = tpu.memref_squeeze %dma_wait3A : memref<1x640xf32, #tpu.memory_space<vmem_shared>> -> memref<640xf32, #tpu.memory_space<vmem_shared>>
      %dma_wait3A_144 = tpu.memref_slice %arg8[%run_scoped3A_51, %mul3A_50] : memref<16x10240xf32, #tpu.memory_space<vmem_shared>> -> memref<1x640xf32, #tpu.memory_space<vmem_shared>>
      %dma_wait3A_145 = tpu.memref_squeeze %dma_wait3A_144 : memref<1x640xf32, #tpu.memory_space<vmem_shared>> -> memref<640xf32, #tpu.memory_space<vmem_shared>>
      tpu.wait_dma2 semaphore(%run_scoped3A_139 : memref<!tpu.dma_semaphore, #tpu.memory_space<semaphore_mem>>) src(%dma_wait3A_145 : memref<640xf32, #tpu.memory_space<vmem_shared>>) dst(%arg7 : memref<640xf32, #tpu.memory_space<vmem>>)
      tpu.yield
    }) : () -> ()
    %scan3A_52 = arith.constant 0 : i32
    %scan3A_53 = arith.constant 40 : i32
    %scan3A_54 = arith.addi %scan3A_52, %scan3A_53 : i32
    %scan3A_55 = arith.constant 1 : i32
    scf.for %scan3A_139 = %scan3A_52 to %scan3A_54 step %scan3A_55  : i32 {
      %mul3A_140 = arith.constant 16 : i32
      %mul3A_141 = arith.muli %scan3A_139, %mul3A_140 : i32
      %add3A_142 = arith.constant 0 : i32
      %add3A_143 = arith.addi %add3A_142, %mul3A_141 : i32
      %get3A = arith.index_cast %add3A_143 : i32 to index
      %get3A_144 = tpu.vector_load %arg6[%get3A] {strides = array<i32>} : memref<640xf32, #tpu.memory_space<vmem>>, vector<16xf32>,
      %get3A_145 = arith.index_cast %add3A_143 : i32 to index
      %get3A_146 = tpu.vector_load %arg7[%get3A_145] {strides = array<i32>} : memref<640xf32, #tpu.memory_space<vmem>>, vector<16xf32>,
      %add3A_147 = arith.addf %get3A_144, %get3A_146 : vector<16xf32>
      %swap3A = arith.index_cast %add3A_143 : i32 to index
      %swap3A_148 = tpu.vector_load %arg6[%swap3A] {strides = array<i32>} : memref<640xf32, #tpu.memory_space<vmem>>, vector<16xf32>,
      tpu.vector_store %arg6[%swap3A], %add3A_147 {strides = array<i32>} : memref<640xf32, #tpu.memory_space<vmem>>, vector<16xf32>,
    }
    %scan3A_56 = arith.constant 40 : i32
    %mul3A_57 = arith.constant 640 : i32
    %mul3A_58 = arith.muli %arg1, %mul3A_57 : i32
    %run_scoped3A_59 = arith.constant 6 : i32
    "tpu.region"() ({
      %run_scoped3A_139 = tpu.sem_alloc : memref<!tpu.dma_semaphore, #tpu.memory_space<semaphore_mem>>
      %dma_start3A = tpu.memref_slice %arg8[%run_scoped3A_59, %mul3A_58] : memref<16x10240xf32, #tpu.memory_space<vmem_shared>> -> memref<1x640xf32, #tpu.memory_space<vmem_shared>>
      %dma_start3A_140 = tpu.memref_squeeze %dma_start3A : memref<1x640xf32, #tpu.memory_space<vmem_shared>> -> memref<640xf32, #tpu.memory_space<vmem_shared>>
      %dma_start3A_141 = tpu.memref_slice %arg8[%run_scoped3A_59, %mul3A_58] : memref<16x10240xf32, #tpu.memory_space<vmem_shared>> -> memref<1x640xf32, #tpu.memory_space<vmem_shared>>
      %dma_start3A_142 = tpu.memref_squeeze %dma_start3A_141 : memref<1x640xf32, #tpu.memory_space<vmem_shared>> -> memref<640xf32, #tpu.memory_space<vmem_shared>>
      tpu.enqueue_dma source(%dma_start3A_142 : memref<640xf32, #tpu.memory_space<vmem_shared>>) target(%arg7 : memref<640xf32, #tpu.memory_space<vmem>>) target_semaphore(%run_scoped3A_139 : memref<!tpu.dma_semaphore, #tpu.memory_space<semaphore_mem>>)
      %dma_wait3A = tpu.memref_slice %arg8[%run_scoped3A_59, %mul3A_58] : memref<16x10240xf32, #tpu.memory_space<vmem_shared>> -> memref<1x640xf32, #tpu.memory_space<vmem_shared>>
      %dma_wait3A_143 = tpu.memref_squeeze %dma_wait3A : memref<1x640xf32, #tpu.memory_space<vmem_shared>> -> memref<640xf32, #tpu.memory_space<vmem_shared>>
      %dma_wait3A_144 = tpu.memref_slice %arg8[%run_scoped3A_59, %mul3A_58] : memref<16x10240xf32, #tpu.memory_space<vmem_shared>> -> memref<1x640xf32, #tpu.memory_space<vmem_shared>>
      %dma_wait3A_145 = tpu.memref_squeeze %dma_wait3A_144 : memref<1x640xf32, #tpu.memory_space<vmem_shared>> -> memref<640xf32, #tpu.memory_space<vmem_shared>>
      tpu.wait_dma2 semaphore(%run_scoped3A_139 : memref<!tpu.dma_semaphore, #tpu.memory_space<semaphore_mem>>) src(%dma_wait3A_145 : memref<640xf32, #tpu.memory_space<vmem_shared>>) dst(%arg7 : memref<640xf32, #tpu.memory_space<vmem>>)
      tpu.yield
    }) : () -> ()
    %scan3A_60 = arith.constant 0 : i32
    %scan3A_61 = arith.constant 40 : i32
    %scan3A_62 = arith.addi %scan3A_60, %scan3A_61 : i32
    %scan3A_63 = arith.constant 1 : i32
    scf.for %scan3A_139 = %scan3A_60 to %scan3A_62 step %scan3A_63  : i32 {
      %mul3A_140 = arith.constant 16 : i32
      %mul3A_141 = arith.muli %scan3A_139, %mul3A_140 : i32
      %add3A_142 = arith.constant 0 : i32
      %add3A_143 = arith.addi %add3A_142, %mul3A_141 : i32
      %get3A = arith.index_cast %add3A_143 : i32 to index
      %get3A_144 = tpu.vector_load %arg6[%get3A] {strides = array<i32>} : memref<640xf32, #tpu.memory_space<vmem>>, vector<16xf32>,
      %get3A_145 = arith.index_cast %add3A_143 : i32 to index
      %get3A_146 = tpu.vector_load %arg7[%get3A_145] {strides = array<i32>} : memref<640xf32, #tpu.memory_space<vmem>>, vector<16xf32>,
      %add3A_147 = arith.addf %get3A_144, %get3A_146 : vector<16xf32>
      %swap3A = arith.index_cast %add3A_143 : i32 to index
      %swap3A_148 = tpu.vector_load %arg6[%swap3A] {strides = array<i32>} : memref<640xf32, #tpu.memory_space<vmem>>, vector<16xf32>,
      tpu.vector_store %arg6[%swap3A], %add3A_147 {strides = array<i32>} : memref<640xf32, #tpu.memory_space<vmem>>, vector<16xf32>,
    }
    %scan3A_64 = arith.constant 40 : i32
    %mul3A_65 = arith.constant 640 : i32
    %mul3A_66 = arith.muli %arg1, %mul3A_65 : i32
    %run_scoped3A_67 = arith.constant 7 : i32
    "tpu.region"() ({
      %run_scoped3A_139 = tpu.sem_alloc : memref<!tpu.dma_semaphore, #tpu.memory_space<semaphore_mem>>
      %dma_start3A = tpu.memref_slice %arg8[%run_scoped3A_67, %mul3A_66] : memref<16x10240xf32, #tpu.memory_space<vmem_shared>> -> memref<1x640xf32, #tpu.memory_space<vmem_shared>>
      %dma_start3A_140 = tpu.memref_squeeze %dma_start3A : memref<1x640xf32, #tpu.memory_space<vmem_shared>> -> memref<640xf32, #tpu.memory_space<vmem_shared>>
      %dma_start3A_141 = tpu.memref_slice %arg8[%run_scoped3A_67, %mul3A_66] : memref<16x10240xf32, #tpu.memory_space<vmem_shared>> -> memref<1x640xf32, #tpu.memory_space<vmem_shared>>
      %dma_start3A_142 = tpu.memref_squeeze %dma_start3A_141 : memref<1x640xf32, #tpu.memory_space<vmem_shared>> -> memref<640xf32, #tpu.memory_space<vmem_shared>>
      tpu.enqueue_dma source(%dma_start3A_142 : memref<640xf32, #tpu.memory_space<vmem_shared>>) target(%arg7 : memref<640xf32, #tpu.memory_space<vmem>>) target_semaphore(%run_scoped3A_139 : memref<!tpu.dma_semaphore, #tpu.memory_space<semaphore_mem>>)
      %dma_wait3A = tpu.memref_slice %arg8[%run_scoped3A_67, %mul3A_66] : memref<16x10240xf32, #tpu.memory_space<vmem_shared>> -> memref<1x640xf32, #tpu.memory_space<vmem_shared>>
      %dma_wait3A_143 = tpu.memref_squeeze %dma_wait3A : memref<1x640xf32, #tpu.memory_space<vmem_shared>> -> memref<640xf32, #tpu.memory_space<vmem_shared>>
      %dma_wait3A_144 = tpu.memref_slice %arg8[%run_scoped3A_67, %mul3A_66] : memref<16x10240xf32, #tpu.memory_space<vmem_shared>> -> memref<1x640xf32, #tpu.memory_space<vmem_shared>>
      %dma_wait3A_145 = tpu.memref_squeeze %dma_wait3A_144 : memref<1x640xf32, #tpu.memory_space<vmem_shared>> -> memref<640xf32, #tpu.memory_space<vmem_shared>>
      tpu.wait_dma2 semaphore(%run_scoped3A_139 : memref<!tpu.dma_semaphore, #tpu.memory_space<semaphore_mem>>) src(%dma_wait3A_145 : memref<640xf32, #tpu.memory_space<vmem_shared>>) dst(%arg7 : memref<640xf32, #tpu.memory_space<vmem>>)
      tpu.yield
    }) : () -> ()
    %scan3A_68 = arith.constant 0 : i32
    %scan3A_69 = arith.constant 40 : i32
    %scan3A_70 = arith.addi %scan3A_68, %scan3A_69 : i32
    %scan3A_71 = arith.constant 1 : i32
    scf.for %scan3A_139 = %scan3A_68 to %scan3A_70 step %scan3A_71  : i32 {
      %mul3A_140 = arith.constant 16 : i32
      %mul3A_141 = arith.muli %scan3A_139, %mul3A_140 : i32
      %add3A_142 = arith.constant 0 : i32
      %add3A_143 = arith.addi %add3A_142, %mul3A_141 : i32
      %get3A = arith.index_cast %add3A_143 : i32 to index
      %get3A_144 = tpu.vector_load %arg6[%get3A] {strides = array<i32>} : memref<640xf32, #tpu.memory_space<vmem>>, vector<16xf32>,
      %get3A_145 = arith.index_cast %add3A_143 : i32 to index
      %get3A_146 = tpu.vector_load %arg7[%get3A_145] {strides = array<i32>} : memref<640xf32, #tpu.memory_space<vmem>>, vector<16xf32>,
      %add3A_147 = arith.addf %get3A_144, %get3A_146 : vector<16xf32>
      %swap3A = arith.index_cast %add3A_143 : i32 to index
      %swap3A_148 = tpu.vector_load %arg6[%swap3A] {strides = array<i32>} : memref<640xf32, #tpu.memory_space<vmem>>, vector<16xf32>,
      tpu.vector_store %arg6[%swap3A], %add3A_147 {strides = array<i32>} : memref<640xf32, #tpu.memory_space<vmem>>, vector<16xf32>,
    }
    %scan3A_72 = arith.constant 40 : i32
    %mul3A_73 = arith.constant 640 : i32
    %mul3A_74 = arith.muli %arg1, %mul3A_73 : i32
    %run_scoped3A_75 = arith.constant 8 : i32
    "tpu.region"() ({
      %run_scoped3A_139 = tpu.sem_alloc : memref<!tpu.dma_semaphore, #tpu.memory_space<semaphore_mem>>
      %dma_start3A = tpu.memref_slice %arg8[%run_scoped3A_75, %mul3A_74] : memref<16x10240xf32, #tpu.memory_space<vmem_shared>> -> memref<1x640xf32, #tpu.memory_space<vmem_shared>>
      %dma_start3A_140 = tpu.memref_squeeze %dma_start3A : memref<1x640xf32, #tpu.memory_space<vmem_shared>> -> memref<640xf32, #tpu.memory_space<vmem_shared>>
      %dma_start3A_141 = tpu.memref_slice %arg8[%run_scoped3A_75, %mul3A_74] : memref<16x10240xf32, #tpu.memory_space<vmem_shared>> -> memref<1x640xf32, #tpu.memory_space<vmem_shared>>
      %dma_start3A_142 = tpu.memref_squeeze %dma_start3A_141 : memref<1x640xf32, #tpu.memory_space<vmem_shared>> -> memref<640xf32, #tpu.memory_space<vmem_shared>>
      tpu.enqueue_dma source(%dma_start3A_142 : memref<640xf32, #tpu.memory_space<vmem_shared>>) target(%arg7 : memref<640xf32, #tpu.memory_space<vmem>>) target_semaphore(%run_scoped3A_139 : memref<!tpu.dma_semaphore, #tpu.memory_space<semaphore_mem>>)
      %dma_wait3A = tpu.memref_slice %arg8[%run_scoped3A_75, %mul3A_74] : memref<16x10240xf32, #tpu.memory_space<vmem_shared>> -> memref<1x640xf32, #tpu.memory_space<vmem_shared>>
      %dma_wait3A_143 = tpu.memref_squeeze %dma_wait3A : memref<1x640xf32, #tpu.memory_space<vmem_shared>> -> memref<640xf32, #tpu.memory_space<vmem_shared>>
      %dma_wait3A_144 = tpu.memref_slice %arg8[%run_scoped3A_75, %mul3A_74] : memref<16x10240xf32, #tpu.memory_space<vmem_shared>> -> memref<1x640xf32, #tpu.memory_space<vmem_shared>>
      %dma_wait3A_145 = tpu.memref_squeeze %dma_wait3A_144 : memref<1x640xf32, #tpu.memory_space<vmem_shared>> -> memref<640xf32, #tpu.memory_space<vmem_shared>>
      tpu.wait_dma2 semaphore(%run_scoped3A_139 : memref<!tpu.dma_semaphore, #tpu.memory_space<semaphore_mem>>) src(%dma_wait3A_145 : memref<640xf32, #tpu.memory_space<vmem_shared>>) dst(%arg7 : memref<640xf32, #tpu.memory_space<vmem>>)
      tpu.yield
    }) : () -> ()
    %scan3A_76 = arith.constant 0 : i32
    %scan3A_77 = arith.constant 40 : i32
    %scan3A_78 = arith.addi %scan3A_76, %scan3A_77 : i32
    %scan3A_79 = arith.constant 1 : i32
    scf.for %scan3A_139 = %scan3A_76 to %scan3A_78 step %scan3A_79  : i32 {
      %mul3A_140 = arith.constant 16 : i32
      %mul3A_141 = arith.muli %scan3A_139, %mul3A_140 : i32
      %add3A_142 = arith.constant 0 : i32
      %add3A_143 = arith.addi %add3A_142, %mul3A_141 : i32
      %get3A = arith.index_cast %add3A_143 : i32 to index
      %get3A_144 = tpu.vector_load %arg6[%get3A] {strides = array<i32>} : memref<640xf32, #tpu.memory_space<vmem>>, vector<16xf32>,
      %get3A_145 = arith.index_cast %add3A_143 : i32 to index
      %get3A_146 = tpu.vector_load %arg7[%get3A_145] {strides = array<i32>} : memref<640xf32, #tpu.memory_space<vmem>>, vector<16xf32>,
      %add3A_147 = arith.addf %get3A_144, %get3A_146 : vector<16xf32>
      %swap3A = arith.index_cast %add3A_143 : i32 to index
      %swap3A_148 = tpu.vector_load %arg6[%swap3A] {strides = array<i32>} : memref<640xf32, #tpu.memory_space<vmem>>, vector<16xf32>,
      tpu.vector_store %arg6[%swap3A], %add3A_147 {strides = array<i32>} : memref<640xf32, #tpu.memory_space<vmem>>, vector<16xf32>,
    }
    %scan3A_80 = arith.constant 40 : i32
    %mul3A_81 = arith.constant 640 : i32
    %mul3A_82 = arith.muli %arg1, %mul3A_81 : i32
    %run_scoped3A_83 = arith.constant 9 : i32
    "tpu.region"() ({
      %run_scoped3A_139 = tpu.sem_alloc : memref<!tpu.dma_semaphore, #tpu.memory_space<semaphore_mem>>
      %dma_start3A = tpu.memref_slice %arg8[%run_scoped3A_83, %mul3A_82] : memref<16x10240xf32, #tpu.memory_space<vmem_shared>> -> memref<1x640xf32, #tpu.memory_space<vmem_shared>>
      %dma_start3A_140 = tpu.memref_squeeze %dma_start3A : memref<1x640xf32, #tpu.memory_space<vmem_shared>> -> memref<640xf32, #tpu.memory_space<vmem_shared>>
      %dma_start3A_141 = tpu.memref_slice %arg8[%run_scoped3A_83, %mul3A_82] : memref<16x10240xf32, #tpu.memory_space<vmem_shared>> -> memref<1x640xf32, #tpu.memory_space<vmem_shared>>
      %dma_start3A_142 = tpu.memref_squeeze %dma_start3A_141 : memref<1x640xf32, #tpu.memory_space<vmem_shared>> -> memref<640xf32, #tpu.memory_space<vmem_shared>>
      tpu.enqueue_dma source(%dma_start3A_142 : memref<640xf32, #tpu.memory_space<vmem_shared>>) target(%arg7 : memref<640xf32, #tpu.memory_space<vmem>>) target_semaphore(%run_scoped3A_139 : memref<!tpu.dma_semaphore, #tpu.memory_space<semaphore_mem>>)
      %dma_wait3A = tpu.memref_slice %arg8[%run_scoped3A_83, %mul3A_82] : memref<16x10240xf32, #tpu.memory_space<vmem_shared>> -> memref<1x640xf32, #tpu.memory_space<vmem_shared>>
      %dma_wait3A_143 = tpu.memref_squeeze %dma_wait3A : memref<1x640xf32, #tpu.memory_space<vmem_shared>> -> memref<640xf32, #tpu.memory_space<vmem_shared>>
      %dma_wait3A_144 = tpu.memref_slice %arg8[%run_scoped3A_83, %mul3A_82] : memref<16x10240xf32, #tpu.memory_space<vmem_shared>> -> memref<1x640xf32, #tpu.memory_space<vmem_shared>>
      %dma_wait3A_145 = tpu.memref_squeeze %dma_wait3A_144 : memref<1x640xf32, #tpu.memory_space<vmem_shared>> -> memref<640xf32, #tpu.memory_space<vmem_shared>>
      tpu.wait_dma2 semaphore(%run_scoped3A_139 : memref<!tpu.dma_semaphore, #tpu.memory_space<semaphore_mem>>) src(%dma_wait3A_145 : memref<640xf32, #tpu.memory_space<vmem_shared>>) dst(%arg7 : memref<640xf32, #tpu.memory_space<vmem>>)
      tpu.yield
    }) : () -> ()
    %scan3A_84 = arith.constant 0 : i32
    %scan3A_85 = arith.constant 40 : i32
    %scan3A_86 = arith.addi %scan3A_84, %scan3A_85 : i32
    %scan3A_87 = arith.constant 1 : i32
    scf.for %scan3A_139 = %scan3A_84 to %scan3A_86 step %scan3A_87  : i32 {
      %mul3A_140 = arith.constant 16 : i32
      %mul3A_141 = arith.muli %scan3A_139, %mul3A_140 : i32
      %add3A_142 = arith.constant 0 : i32
      %add3A_143 = arith.addi %add3A_142, %mul3A_141 : i32
      %get3A = arith.index_cast %add3A_143 : i32 to index
      %get3A_144 = tpu.vector_load %arg6[%get3A] {strides = array<i32>} : memref<640xf32, #tpu.memory_space<vmem>>, vector<16xf32>,
      %get3A_145 = arith.index_cast %add3A_143 : i32 to index
      %get3A_146 = tpu.vector_load %arg7[%get3A_145] {strides = array<i32>} : memref<640xf32, #tpu.memory_space<vmem>>, vector<16xf32>,
      %add3A_147 = arith.addf %get3A_144, %get3A_146 : vector<16xf32>
      %swap3A = arith.index_cast %add3A_143 : i32 to index
      %swap3A_148 = tpu.vector_load %arg6[%swap3A] {strides = array<i32>} : memref<640xf32, #tpu.memory_space<vmem>>, vector<16xf32>,
      tpu.vector_store %arg6[%swap3A], %add3A_147 {strides = array<i32>} : memref<640xf32, #tpu.memory_space<vmem>>, vector<16xf32>,
    }
    %scan3A_88 = arith.constant 40 : i32
    %mul3A_89 = arith.constant 640 : i32
    %mul3A_90 = arith.muli %arg1, %mul3A_89 : i32
    %run_scoped3A_91 = arith.constant 10 : i32
    "tpu.region"() ({
      %run_scoped3A_139 = tpu.sem_alloc : memref<!tpu.dma_semaphore, #tpu.memory_space<semaphore_mem>>
      %dma_start3A = tpu.memref_slice %arg8[%run_scoped3A_91, %mul3A_90] : memref<16x10240xf32, #tpu.memory_space<vmem_shared>> -> memref<1x640xf32, #tpu.memory_space<vmem_shared>>
      %dma_start3A_140 = tpu.memref_squeeze %dma_start3A : memref<1x640xf32, #tpu.memory_space<vmem_shared>> -> memref<640xf32, #tpu.memory_space<vmem_shared>>
      %dma_start3A_141 = tpu.memref_slice %arg8[%run_scoped3A_91, %mul3A_90] : memref<16x10240xf32, #tpu.memory_space<vmem_shared>> -> memref<1x640xf32, #tpu.memory_space<vmem_shared>>
      %dma_start3A_142 = tpu.memref_squeeze %dma_start3A_141 : memref<1x640xf32, #tpu.memory_space<vmem_shared>> -> memref<640xf32, #tpu.memory_space<vmem_shared>>
      tpu.enqueue_dma source(%dma_start3A_142 : memref<640xf32, #tpu.memory_space<vmem_shared>>) target(%arg7 : memref<640xf32, #tpu.memory_space<vmem>>) target_semaphore(%run_scoped3A_139 : memref<!tpu.dma_semaphore, #tpu.memory_space<semaphore_mem>>)
      %dma_wait3A = tpu.memref_slice %arg8[%run_scoped3A_91, %mul3A_90] : memref<16x10240xf32, #tpu.memory_space<vmem_shared>> -> memref<1x640xf32, #tpu.memory_space<vmem_shared>>
      %dma_wait3A_143 = tpu.memref_squeeze %dma_wait3A : memref<1x640xf32, #tpu.memory_space<vmem_shared>> -> memref<640xf32, #tpu.memory_space<vmem_shared>>
      %dma_wait3A_144 = tpu.memref_slice %arg8[%run_scoped3A_91, %mul3A_90] : memref<16x10240xf32, #tpu.memory_space<vmem_shared>> -> memref<1x640xf32, #tpu.memory_space<vmem_shared>>
      %dma_wait3A_145 = tpu.memref_squeeze %dma_wait3A_144 : memref<1x640xf32, #tpu.memory_space<vmem_shared>> -> memref<640xf32, #tpu.memory_space<vmem_shared>>
      tpu.wait_dma2 semaphore(%run_scoped3A_139 : memref<!tpu.dma_semaphore, #tpu.memory_space<semaphore_mem>>) src(%dma_wait3A_145 : memref<640xf32, #tpu.memory_space<vmem_shared>>) dst(%arg7 : memref<640xf32, #tpu.memory_space<vmem>>)
      tpu.yield
    }) : () -> ()
    %scan3A_92 = arith.constant 0 : i32
    %scan3A_93 = arith.constant 40 : i32
    %scan3A_94 = arith.addi %scan3A_92, %scan3A_93 : i32
    %scan3A_95 = arith.constant 1 : i32
    scf.for %scan3A_139 = %scan3A_92 to %scan3A_94 step %scan3A_95  : i32 {
      %mul3A_140 = arith.constant 16 : i32
      %mul3A_141 = arith.muli %scan3A_139, %mul3A_140 : i32
      %add3A_142 = arith.constant 0 : i32
      %add3A_143 = arith.addi %add3A_142, %mul3A_141 : i32
      %get3A = arith.index_cast %add3A_143 : i32 to index
      %get3A_144 = tpu.vector_load %arg6[%get3A] {strides = array<i32>} : memref<640xf32, #tpu.memory_space<vmem>>, vector<16xf32>,
      %get3A_145 = arith.index_cast %add3A_143 : i32 to index
      %get3A_146 = tpu.vector_load %arg7[%get3A_145] {strides = array<i32>} : memref<640xf32, #tpu.memory_space<vmem>>, vector<16xf32>,
      %add3A_147 = arith.addf %get3A_144, %get3A_146 : vector<16xf32>
      %swap3A = arith.index_cast %add3A_143 : i32 to index
      %swap3A_148 = tpu.vector_load %arg6[%swap3A] {strides = array<i32>} : memref<640xf32, #tpu.memory_space<vmem>>, vector<16xf32>,
      tpu.vector_store %arg6[%swap3A], %add3A_147 {strides = array<i32>} : memref<640xf32, #tpu.memory_space<vmem>>, vector<16xf32>,
    }
    %scan3A_96 = arith.constant 40 : i32
    %mul3A_97 = arith.constant 640 : i32
    %mul3A_98 = arith.muli %arg1, %mul3A_97 : i32
    %run_scoped3A_99 = arith.constant 11 : i32
    "tpu.region"() ({
      %run_scoped3A_139 = tpu.sem_alloc : memref<!tpu.dma_semaphore, #tpu.memory_space<semaphore_mem>>
      %dma_start3A = tpu.memref_slice %arg8[%run_scoped3A_99, %mul3A_98] : memref<16x10240xf32, #tpu.memory_space<vmem_shared>> -> memref<1x640xf32, #tpu.memory_space<vmem_shared>>
      %dma_start3A_140 = tpu.memref_squeeze %dma_start3A : memref<1x640xf32, #tpu.memory_space<vmem_shared>> -> memref<640xf32, #tpu.memory_space<vmem_shared>>
      %dma_start3A_141 = tpu.memref_slice %arg8[%run_scoped3A_99, %mul3A_98] : memref<16x10240xf32, #tpu.memory_space<vmem_shared>> -> memref<1x640xf32, #tpu.memory_space<vmem_shared>>
      %dma_start3A_142 = tpu.memref_squeeze %dma_start3A_141 : memref<1x640xf32, #tpu.memory_space<vmem_shared>> -> memref<640xf32, #tpu.memory_space<vmem_shared>>
      tpu.enqueue_dma source(%dma_start3A_142 : memref<640xf32, #tpu.memory_space<vmem_shared>>) target(%arg7 : memref<640xf32, #tpu.memory_space<vmem>>) target_semaphore(%run_scoped3A_139 : memref<!tpu.dma_semaphore, #tpu.memory_space<semaphore_mem>>)
      %dma_wait3A = tpu.memref_slice %arg8[%run_scoped3A_99, %mul3A_98] : memref<16x10240xf32, #tpu.memory_space<vmem_shared>> -> memref<1x640xf32, #tpu.memory_space<vmem_shared>>
      %dma_wait3A_143 = tpu.memref_squeeze %dma_wait3A : memref<1x640xf32, #tpu.memory_space<vmem_shared>> -> memref<640xf32, #tpu.memory_space<vmem_shared>>
      %dma_wait3A_144 = tpu.memref_slice %arg8[%run_scoped3A_99, %mul3A_98] : memref<16x10240xf32, #tpu.memory_space<vmem_shared>> -> memref<1x640xf32, #tpu.memory_space<vmem_shared>>
      %dma_wait3A_145 = tpu.memref_squeeze %dma_wait3A_144 : memref<1x640xf32, #tpu.memory_space<vmem_shared>> -> memref<640xf32, #tpu.memory_space<vmem_shared>>
      tpu.wait_dma2 semaphore(%run_scoped3A_139 : memref<!tpu.dma_semaphore, #tpu.memory_space<semaphore_mem>>) src(%dma_wait3A_145 : memref<640xf32, #tpu.memory_space<vmem_shared>>) dst(%arg7 : memref<640xf32, #tpu.memory_space<vmem>>)
      tpu.yield
    }) : () -> ()
    %scan3A_100 = arith.constant 0 : i32
    %scan3A_101 = arith.constant 40 : i32
    %scan3A_102 = arith.addi %scan3A_100, %scan3A_101 : i32
    %scan3A_103 = arith.constant 1 : i32
    scf.for %scan3A_139 = %scan3A_100 to %scan3A_102 step %scan3A_103  : i32 {
      %mul3A_140 = arith.constant 16 : i32
      %mul3A_141 = arith.muli %scan3A_139, %mul3A_140 : i32
      %add3A_142 = arith.constant 0 : i32
      %add3A_143 = arith.addi %add3A_142, %mul3A_141 : i32
      %get3A = arith.index_cast %add3A_143 : i32 to index
      %get3A_144 = tpu.vector_load %arg6[%get3A] {strides = array<i32>} : memref<640xf32, #tpu.memory_space<vmem>>, vector<16xf32>,
      %get3A_145 = arith.index_cast %add3A_143 : i32 to index
      %get3A_146 = tpu.vector_load %arg7[%get3A_145] {strides = array<i32>} : memref<640xf32, #tpu.memory_space<vmem>>, vector<16xf32>,
      %add3A_147 = arith.addf %get3A_144, %get3A_146 : vector<16xf32>
      %swap3A = arith.index_cast %add3A_143 : i32 to index
      %swap3A_148 = tpu.vector_load %arg6[%swap3A] {strides = array<i32>} : memref<640xf32, #tpu.memory_space<vmem>>, vector<16xf32>,
      tpu.vector_store %arg6[%swap3A], %add3A_147 {strides = array<i32>} : memref<640xf32, #tpu.memory_space<vmem>>, vector<16xf32>,
    }
    %scan3A_104 = arith.constant 40 : i32
    %mul3A_105 = arith.constant 640 : i32
    %mul3A_106 = arith.muli %arg1, %mul3A_105 : i32
    %run_scoped3A_107 = arith.constant 12 : i32
    "tpu.region"() ({
      %run_scoped3A_139 = tpu.sem_alloc : memref<!tpu.dma_semaphore, #tpu.memory_space<semaphore_mem>>
      %dma_start3A = tpu.memref_slice %arg8[%run_scoped3A_107, %mul3A_106] : memref<16x10240xf32, #tpu.memory_space<vmem_shared>> -> memref<1x640xf32, #tpu.memory_space<vmem_shared>>
      %dma_start3A_140 = tpu.memref_squeeze %dma_start3A : memref<1x640xf32, #tpu.memory_space<vmem_shared>> -> memref<640xf32, #tpu.memory_space<vmem_shared>>
      %dma_start3A_141 = tpu.memref_slice %arg8[%run_scoped3A_107, %mul3A_106] : memref<16x10240xf32, #tpu.memory_space<vmem_shared>> -> memref<1x640xf32, #tpu.memory_space<vmem_shared>>
      %dma_start3A_142 = tpu.memref_squeeze %dma_start3A_141 : memref<1x640xf32, #tpu.memory_space<vmem_shared>> -> memref<640xf32, #tpu.memory_space<vmem_shared>>
      tpu.enqueue_dma source(%dma_start3A_142 : memref<640xf32, #tpu.memory_space<vmem_shared>>) target(%arg7 : memref<640xf32, #tpu.memory_space<vmem>>) target_semaphore(%run_scoped3A_139 : memref<!tpu.dma_semaphore, #tpu.memory_space<semaphore_mem>>)
      %dma_wait3A = tpu.memref_slice %arg8[%run_scoped3A_107, %mul3A_106] : memref<16x10240xf32, #tpu.memory_space<vmem_shared>> -> memref<1x640xf32, #tpu.memory_space<vmem_shared>>
      %dma_wait3A_143 = tpu.memref_squeeze %dma_wait3A : memref<1x640xf32, #tpu.memory_space<vmem_shared>> -> memref<640xf32, #tpu.memory_space<vmem_shared>>
      %dma_wait3A_144 = tpu.memref_slice %arg8[%run_scoped3A_107, %mul3A_106] : memref<16x10240xf32, #tpu.memory_space<vmem_shared>> -> memref<1x640xf32, #tpu.memory_space<vmem_shared>>
      %dma_wait3A_145 = tpu.memref_squeeze %dma_wait3A_144 : memref<1x640xf32, #tpu.memory_space<vmem_shared>> -> memref<640xf32, #tpu.memory_space<vmem_shared>>
      tpu.wait_dma2 semaphore(%run_scoped3A_139 : memref<!tpu.dma_semaphore, #tpu.memory_space<semaphore_mem>>) src(%dma_wait3A_145 : memref<640xf32, #tpu.memory_space<vmem_shared>>) dst(%arg7 : memref<640xf32, #tpu.memory_space<vmem>>)
      tpu.yield
    }) : () -> ()
    %scan3A_108 = arith.constant 0 : i32
    %scan3A_109 = arith.constant 40 : i32
    %scan3A_110 = arith.addi %scan3A_108, %scan3A_109 : i32
    %scan3A_111 = arith.constant 1 : i32
    scf.for %scan3A_139 = %scan3A_108 to %scan3A_110 step %scan3A_111  : i32 {
      %mul3A_140 = arith.constant 16 : i32
      %mul3A_141 = arith.muli %scan3A_139, %mul3A_140 : i32
      %add3A_142 = arith.constant 0 : i32
      %add3A_143 = arith.addi %add3A_142, %mul3A_141 : i32
      %get3A = arith.index_cast %add3A_143 : i32 to index
      %get3A_144 = tpu.vector_load %arg6[%get3A] {strides = array<i32>} : memref<640xf32, #tpu.memory_space<vmem>>, vector<16xf32>,
      %get3A_145 = arith.index_cast %add3A_143 : i32 to index
      %get3A_146 = tpu.vector_load %arg7[%get3A_145] {strides = array<i32>} : memref<640xf32, #tpu.memory_space<vmem>>, vector<16xf32>,
      %add3A_147 = arith.addf %get3A_144, %get3A_146 : vector<16xf32>
      %swap3A = arith.index_cast %add3A_143 : i32 to index
      %swap3A_148 = tpu.vector_load %arg6[%swap3A] {strides = array<i32>} : memref<640xf32, #tpu.memory_space<vmem>>, vector<16xf32>,
      tpu.vector_store %arg6[%swap3A], %add3A_147 {strides = array<i32>} : memref<640xf32, #tpu.memory_space<vmem>>, vector<16xf32>,
    }
    %scan3A_112 = arith.constant 40 : i32
    %mul3A_113 = arith.constant 640 : i32
    %mul3A_114 = arith.muli %arg1, %mul3A_113 : i32
    %run_scoped3A_115 = arith.constant 13 : i32
    "tpu.region"() ({
      %run_scoped3A_139 = tpu.sem_alloc : memref<!tpu.dma_semaphore, #tpu.memory_space<semaphore_mem>>
      %dma_start3A = tpu.memref_slice %arg8[%run_scoped3A_115, %mul3A_114] : memref<16x10240xf32, #tpu.memory_space<vmem_shared>> -> memref<1x640xf32, #tpu.memory_space<vmem_shared>>
      %dma_start3A_140 = tpu.memref_squeeze %dma_start3A : memref<1x640xf32, #tpu.memory_space<vmem_shared>> -> memref<640xf32, #tpu.memory_space<vmem_shared>>
      %dma_start3A_141 = tpu.memref_slice %arg8[%run_scoped3A_115, %mul3A_114] : memref<16x10240xf32, #tpu.memory_space<vmem_shared>> -> memref<1x640xf32, #tpu.memory_space<vmem_shared>>
      %dma_start3A_142 = tpu.memref_squeeze %dma_start3A_141 : memref<1x640xf32, #tpu.memory_space<vmem_shared>> -> memref<640xf32, #tpu.memory_space<vmem_shared>>
      tpu.enqueue_dma source(%dma_start3A_142 : memref<640xf32, #tpu.memory_space<vmem_shared>>) target(%arg7 : memref<640xf32, #tpu.memory_space<vmem>>) target_semaphore(%run_scoped3A_139 : memref<!tpu.dma_semaphore, #tpu.memory_space<semaphore_mem>>)
      %dma_wait3A = tpu.memref_slice %arg8[%run_scoped3A_115, %mul3A_114] : memref<16x10240xf32, #tpu.memory_space<vmem_shared>> -> memref<1x640xf32, #tpu.memory_space<vmem_shared>>
      %dma_wait3A_143 = tpu.memref_squeeze %dma_wait3A : memref<1x640xf32, #tpu.memory_space<vmem_shared>> -> memref<640xf32, #tpu.memory_space<vmem_shared>>
      %dma_wait3A_144 = tpu.memref_slice %arg8[%run_scoped3A_115, %mul3A_114] : memref<16x10240xf32, #tpu.memory_space<vmem_shared>> -> memref<1x640xf32, #tpu.memory_space<vmem_shared>>
      %dma_wait3A_145 = tpu.memref_squeeze %dma_wait3A_144 : memref<1x640xf32, #tpu.memory_space<vmem_shared>> -> memref<640xf32, #tpu.memory_space<vmem_shared>>
      tpu.wait_dma2 semaphore(%run_scoped3A_139 : memref<!tpu.dma_semaphore, #tpu.memory_space<semaphore_mem>>) src(%dma_wait3A_145 : memref<640xf32, #tpu.memory_space<vmem_shared>>) dst(%arg7 : memref<640xf32, #tpu.memory_space<vmem>>)
      tpu.yield
    }) : () -> ()
    %scan3A_116 = arith.constant 0 : i32
    %scan3A_117 = arith.constant 40 : i32
    %scan3A_118 = arith.addi %scan3A_116, %scan3A_117 : i32
    %scan3A_119 = arith.constant 1 : i32
    scf.for %scan3A_139 = %scan3A_116 to %scan3A_118 step %scan3A_119  : i32 {
      %mul3A_140 = arith.constant 16 : i32
      %mul3A_141 = arith.muli %scan3A_139, %mul3A_140 : i32
      %add3A_142 = arith.constant 0 : i32
      %add3A_143 = arith.addi %add3A_142, %mul3A_141 : i32
      %get3A = arith.index_cast %add3A_143 : i32 to index
      %get3A_144 = tpu.vector_load %arg6[%get3A] {strides = array<i32>} : memref<640xf32, #tpu.memory_space<vmem>>, vector<16xf32>,
      %get3A_145 = arith.index_cast %add3A_143 : i32 to index
      %get3A_146 = tpu.vector_load %arg7[%get3A_145] {strides = array<i32>} : memref<640xf32, #tpu.memory_space<vmem>>, vector<16xf32>,
      %add3A_147 = arith.addf %get3A_144, %get3A_146 : vector<16xf32>
      %swap3A = arith.index_cast %add3A_143 : i32 to index
      %swap3A_148 = tpu.vector_load %arg6[%swap3A] {strides = array<i32>} : memref<640xf32, #tpu.memory_space<vmem>>, vector<16xf32>,
      tpu.vector_store %arg6[%swap3A], %add3A_147 {strides = array<i32>} : memref<640xf32, #tpu.memory_space<vmem>>, vector<16xf32>,
    }
    %scan3A_120 = arith.constant 40 : i32
    %mul3A_121 = arith.constant 640 : i32
    %mul3A_122 = arith.muli %arg1, %mul3A_121 : i32
    %run_scoped3A_123 = arith.constant 14 : i32
    "tpu.region"() ({
      %run_scoped3A_139 = tpu.sem_alloc : memref<!tpu.dma_semaphore, #tpu.memory_space<semaphore_mem>>
      %dma_start3A = tpu.memref_slice %arg8[%run_scoped3A_123, %mul3A_122] : memref<16x10240xf32, #tpu.memory_space<vmem_shared>> -> memref<1x640xf32, #tpu.memory_space<vmem_shared>>
      %dma_start3A_140 = tpu.memref_squeeze %dma_start3A : memref<1x640xf32, #tpu.memory_space<vmem_shared>> -> memref<640xf32, #tpu.memory_space<vmem_shared>>
      %dma_start3A_141 = tpu.memref_slice %arg8[%run_scoped3A_123, %mul3A_122] : memref<16x10240xf32, #tpu.memory_space<vmem_shared>> -> memref<1x640xf32, #tpu.memory_space<vmem_shared>>
      %dma_start3A_142 = tpu.memref_squeeze %dma_start3A_141 : memref<1x640xf32, #tpu.memory_space<vmem_shared>> -> memref<640xf32, #tpu.memory_space<vmem_shared>>
      tpu.enqueue_dma source(%dma_start3A_142 : memref<640xf32, #tpu.memory_space<vmem_shared>>) target(%arg7 : memref<640xf32, #tpu.memory_space<vmem>>) target_semaphore(%run_scoped3A_139 : memref<!tpu.dma_semaphore, #tpu.memory_space<semaphore_mem>>)
      %dma_wait3A = tpu.memref_slice %arg8[%run_scoped3A_123, %mul3A_122] : memref<16x10240xf32, #tpu.memory_space<vmem_shared>> -> memref<1x640xf32, #tpu.memory_space<vmem_shared>>
      %dma_wait3A_143 = tpu.memref_squeeze %dma_wait3A : memref<1x640xf32, #tpu.memory_space<vmem_shared>> -> memref<640xf32, #tpu.memory_space<vmem_shared>>
      %dma_wait3A_144 = tpu.memref_slice %arg8[%run_scoped3A_123, %mul3A_122] : memref<16x10240xf32, #tpu.memory_space<vmem_shared>> -> memref<1x640xf32, #tpu.memory_space<vmem_shared>>
      %dma_wait3A_145 = tpu.memref_squeeze %dma_wait3A_144 : memref<1x640xf32, #tpu.memory_space<vmem_shared>> -> memref<640xf32, #tpu.memory_space<vmem_shared>>
      tpu.wait_dma2 semaphore(%run_scoped3A_139 : memref<!tpu.dma_semaphore, #tpu.memory_space<semaphore_mem>>) src(%dma_wait3A_145 : memref<640xf32, #tpu.memory_space<vmem_shared>>) dst(%arg7 : memref<640xf32, #tpu.memory_space<vmem>>)
      tpu.yield
    }) : () -> ()
    %scan3A_124 = arith.constant 0 : i32
    %scan3A_125 = arith.constant 40 : i32
    %scan3A_126 = arith.addi %scan3A_124, %scan3A_125 : i32
    %scan3A_127 = arith.constant 1 : i32
    scf.for %scan3A_139 = %scan3A_124 to %scan3A_126 step %scan3A_127  : i32 {
      %mul3A_140 = arith.constant 16 : i32
      %mul3A_141 = arith.muli %scan3A_139, %mul3A_140 : i32
      %add3A_142 = arith.constant 0 : i32
      %add3A_143 = arith.addi %add3A_142, %mul3A_141 : i32
      %get3A = arith.index_cast %add3A_143 : i32 to index
      %get3A_144 = tpu.vector_load %arg6[%get3A] {strides = array<i32>} : memref<640xf32, #tpu.memory_space<vmem>>, vector<16xf32>,
      %get3A_145 = arith.index_cast %add3A_143 : i32 to index
      %get3A_146 = tpu.vector_load %arg7[%get3A_145] {strides = array<i32>} : memref<640xf32, #tpu.memory_space<vmem>>, vector<16xf32>,
      %add3A_147 = arith.addf %get3A_144, %get3A_146 : vector<16xf32>
      %swap3A = arith.index_cast %add3A_143 : i32 to index
      %swap3A_148 = tpu.vector_load %arg6[%swap3A] {strides = array<i32>} : memref<640xf32, #tpu.memory_space<vmem>>, vector<16xf32>,
      tpu.vector_store %arg6[%swap3A], %add3A_147 {strides = array<i32>} : memref<640xf32, #tpu.memory_space<vmem>>, vector<16xf32>,
    }
    %scan3A_128 = arith.constant 40 : i32
    %mul3A_129 = arith.constant 640 : i32
    %mul3A_130 = arith.muli %arg1, %mul3A_129 : i32
    %run_scoped3A_131 = arith.constant 15 : i32
    "tpu.region"() ({
      %run_scoped3A_139 = tpu.sem_alloc : memref<!tpu.dma_semaphore, #tpu.memory_space<semaphore_mem>>
      %dma_start3A = tpu.memref_slice %arg8[%run_scoped3A_131, %mul3A_130] : memref<16x10240xf32, #tpu.memory_space<vmem_shared>> -> memref<1x640xf32, #tpu.memory_space<vmem_shared>>
      %dma_start3A_140 = tpu.memref_squeeze %dma_start3A : memref<1x640xf32, #tpu.memory_space<vmem_shared>> -> memref<640xf32, #tpu.memory_space<vmem_shared>>
      %dma_start3A_141 = tpu.memref_slice %arg8[%run_scoped3A_131, %mul3A_130] : memref<16x10240xf32, #tpu.memory_space<vmem_shared>> -> memref<1x640xf32, #tpu.memory_space<vmem_shared>>
      %dma_start3A_142 = tpu.memref_squeeze %dma_start3A_141 : memref<1x640xf32, #tpu.memory_space<vmem_shared>> -> memref<640xf32, #tpu.memory_space<vmem_shared>>
      tpu.enqueue_dma source(%dma_start3A_142 : memref<640xf32, #tpu.memory_space<vmem_shared>>) target(%arg7 : memref<640xf32, #tpu.memory_space<vmem>>) target_semaphore(%run_scoped3A_139 : memref<!tpu.dma_semaphore, #tpu.memory_space<semaphore_mem>>)
      %dma_wait3A = tpu.memref_slice %arg8[%run_scoped3A_131, %mul3A_130] : memref<16x10240xf32, #tpu.memory_space<vmem_shared>> -> memref<1x640xf32, #tpu.memory_space<vmem_shared>>
      %dma_wait3A_143 = tpu.memref_squeeze %dma_wait3A : memref<1x640xf32, #tpu.memory_space<vmem_shared>> -> memref<640xf32, #tpu.memory_space<vmem_shared>>
      %dma_wait3A_144 = tpu.memref_slice %arg8[%run_scoped3A_131, %mul3A_130] : memref<16x10240xf32, #tpu.memory_space<vmem_shared>> -> memref<1x640xf32, #tpu.memory_space<vmem_shared>>
      %dma_wait3A_145 = tpu.memref_squeeze %dma_wait3A_144 : memref<1x640xf32, #tpu.memory_space<vmem_shared>> -> memref<640xf32, #tpu.memory_space<vmem_shared>>
      tpu.wait_dma2 semaphore(%run_scoped3A_139 : memref<!tpu.dma_semaphore, #tpu.memory_space<semaphore_mem>>) src(%dma_wait3A_145 : memref<640xf32, #tpu.memory_space<vmem_shared>>) dst(%arg7 : memref<640xf32, #tpu.memory_space<vmem>>)
      tpu.yield
    }) : () -> ()
    %scan3A_132 = arith.constant 0 : i32
    %scan3A_133 = arith.constant 40 : i32
    %scan3A_134 = arith.addi %scan3A_132, %scan3A_133 : i32
    %scan3A_135 = arith.constant 1 : i32
    scf.for %scan3A_139 = %scan3A_132 to %scan3A_134 step %scan3A_135  : i32 {
      %mul3A_140 = arith.constant 16 : i32
      %mul3A_141 = arith.muli %scan3A_139, %mul3A_140 : i32
      %add3A_142 = arith.constant 0 : i32
      %add3A_143 = arith.addi %add3A_142, %mul3A_141 : i32
      %get3A = arith.index_cast %add3A_143 : i32 to index
      %get3A_144 = tpu.vector_load %arg6[%get3A] {strides = array<i32>} : memref<640xf32, #tpu.memory_space<vmem>>, vector<16xf32>,
      %get3A_145 = arith.index_cast %add3A_143 : i32 to index
      %get3A_146 = tpu.vector_load %arg7[%get3A_145] {strides = array<i32>} : memref<640xf32, #tpu.memory_space<vmem>>, vector<16xf32>,
      %add3A_147 = arith.addf %get3A_144, %get3A_146 : vector<16xf32>
      %swap3A = arith.index_cast %add3A_143 : i32 to index
      %swap3A_148 = tpu.vector_load %arg6[%swap3A] {strides = array<i32>} : memref<640xf32, #tpu.memory_space<vmem>>, vector<16xf32>,
      tpu.vector_store %arg6[%swap3A], %add3A_147 {strides = array<i32>} : memref<640xf32, #tpu.memory_space<vmem>>, vector<16xf32>,
    }
    %scan3A_136 = arith.constant 40 : i32
    %mul3A_137 = arith.constant 640 : i32
    %mul3A_138 = arith.muli %arg1, %mul3A_137 : i32
    "tpu.region"() ({
      %run_scoped3A_139 = tpu.sem_alloc : memref<!tpu.dma_semaphore, #tpu.memory_space<semaphore_mem>>
      %dma_start3A = tpu.memref_slice %arg3[%arg0, %mul3A_138] : memref<2x10240xf32, #tpu.memory_space<hbm>> -> memref<1x640xf32, #tpu.memory_space<hbm>>
      %dma_start3A_140 = tpu.memref_squeeze %dma_start3A : memref<1x640xf32, #tpu.memory_space<hbm>> -> memref<640xf32, #tpu.memory_space<hbm>>
      %dma_start3A_141 = tpu.memref_slice %arg3[%arg0, %mul3A_138] : memref<2x10240xf32, #tpu.memory_space<hbm>> -> memref<1x640xf32, #tpu.memory_space<hbm>>
      %dma_start3A_142 = tpu.memref_squeeze %dma_start3A_141 : memref<1x640xf32, #tpu.memory_space<hbm>> -> memref<640xf32, #tpu.memory_space<hbm>>
      tpu.enqueue_dma source(%arg6 : memref<640xf32, #tpu.memory_space<vmem>>) target(%dma_start3A_142 : memref<640xf32, #tpu.memory_space<hbm>>) target_semaphore(%run_scoped3A_139 : memref<!tpu.dma_semaphore, #tpu.memory_space<semaphore_mem>>)
      %dma_wait3A = tpu.memref_slice %arg3[%arg0, %mul3A_138] : memref<2x10240xf32, #tpu.memory_space<hbm>> -> memref<1x640xf32, #tpu.memory_space<hbm>>
      %dma_wait3A_143 = tpu.memref_squeeze %dma_wait3A : memref<1x640xf32, #tpu.memory_space<hbm>> -> memref<640xf32, #tpu.memory_space<hbm>>
      %dma_wait3A_144 = tpu.memref_slice %arg3[%arg0, %mul3A_138] : memref<2x10240xf32, #tpu.memory_space<hbm>> -> memref<1x640xf32, #tpu.memory_space<hbm>>
      %dma_wait3A_145 = tpu.memref_squeeze %dma_wait3A_144 : memref<1x640xf32, #tpu.memory_space<hbm>> -> memref<640xf32, #tpu.memory_space<hbm>>
      tpu.wait_dma2 semaphore(%run_scoped3A_139 : memref<!tpu.dma_semaphore, #tpu.memory_space<semaphore_mem>>) src(%arg6 : memref<640xf32, #tpu.memory_space<vmem>>) dst(%dma_wait3A_145 : memref<640xf32, #tpu.memory_space<hbm>>)
      tpu.yield
    }) : () -> ()
    return
  }
}

#map = affine_map<(d0, d1) -> (0, 0)>
module attributes {stable_mosaic.version = 14 : i64} {
  func.func @_prop_es(%arg0: i32, %arg1: i32, %arg2: memref<2560x128xi32, #tpu.memory_space<hbm>>, %arg3: memref<2560x128xi32, #tpu.memory_space<hbm>>, %arg4: memref<10240x128xf32, #tpu.memory_space<hbm>>, %arg5: memref<20480x128xf32, #tpu.memory_space<hbm>>, %arg6: memref<40x128xi32, #tpu.memory_space<vmem>>, %arg7: memref<40x128xi32, #tpu.memory_space<vmem>>, %arg8: memref<128x128xf32, #tpu.memory_space<vmem>>, %arg9: memref<128x128xf32, #tpu.memory_space<vmem>>, %arg10: memref<!tpu.dma_semaphore, #tpu.memory_space<semaphore_mem>>, %arg11: memref<10240x128xf32, #tpu.memory_space<vmem_shared>>) attributes {dimension_semantics = [#tpu.dimension_semantics<core_parallel>, #tpu.dimension_semantics<subcore_parallel>], iteration_bounds = array<i64: 2, 16>, scalar_prefetch = 0 : i64, scratch_operands = 6 : i64, tpu.core_type = #tpu.core_type<sc_vector_subcore>, window_params = [{transform_indices = #map}, {transform_indices = #map}, {transform_indices = #map}, {transform_indices = #map}]} {
    %mul3A = arith.constant 1280 : i32
    %mul3A_0 = arith.muli %arg0, %mul3A : i32
    %mul3A_1 = arith.constant 80 : i32
    %mul3A_2 = arith.muli %arg1, %mul3A_1 : i32
    %add3A = arith.addi %mul3A_0, %mul3A_2 : i32
    %eq3A = arith.constant 0 : i32
    %eq3A_3 = arith.cmpi eq, %arg0, %eq3A : i32
    %convert_element_type3A = arith.extui %eq3A_3 : i1 to i32
    %cond3A = arith.constant 0 : i32
    %cond3A_4 = arith.cmpi ne, %convert_element_type3A, %cond3A : i32
    scf.if %cond3A_4 {
      %mul3A_35 = arith.constant 640 : i32
      %mul3A_36 = arith.muli %arg1, %mul3A_35 : i32
      %mul3A_37 = arith.constant 640 : i32
      %mul3A_38 = arith.muli %arg1, %mul3A_37 : i32
      "tpu.region"() ({
        %run_scoped3A_39 = tpu.sem_alloc : memref<!tpu.dma_semaphore, #tpu.memory_space<semaphore_mem>>
        %dma_start3A = arith.constant 0 : i32
        %dma_start3A_40 = tpu.memref_slice %arg11[%mul3A_38, %dma_start3A] : memref<10240x128xf32, #tpu.memory_space<vmem_shared>> -> memref<640x128xf32, #tpu.memory_space<vmem_shared>>
        %dma_start3A_41 = arith.constant 0 : i32
        %dma_start3A_42 = tpu.memref_slice %arg4[%mul3A_36, %dma_start3A_41] : memref<10240x128xf32, #tpu.memory_space<hbm>> -> memref<640x128xf32, #tpu.memory_space<hbm>>
        tpu.enqueue_dma source(%dma_start3A_42 : memref<640x128xf32, #tpu.memory_space<hbm>>) target(%dma_start3A_40 : memref<640x128xf32, #tpu.memory_space<vmem_shared>>) target_semaphore(%run_scoped3A_39 : memref<!tpu.dma_semaphore, #tpu.memory_space<semaphore_mem>>)
        %dma_wait3A = arith.constant 0 : i32
        %dma_wait3A_43 = tpu.memref_slice %arg11[%mul3A_38, %dma_wait3A] : memref<10240x128xf32, #tpu.memory_space<vmem_shared>> -> memref<640x128xf32, #tpu.memory_space<vmem_shared>>
        %dma_wait3A_44 = arith.constant 0 : i32
        %dma_wait3A_45 = tpu.memref_slice %arg4[%mul3A_36, %dma_wait3A_44] : memref<10240x128xf32, #tpu.memory_space<hbm>> -> memref<640x128xf32, #tpu.memory_space<hbm>>
        tpu.wait_dma2 semaphore(%run_scoped3A_39 : memref<!tpu.dma_semaphore, #tpu.memory_space<semaphore_mem>>) src(%dma_wait3A_45 : memref<640x128xf32, #tpu.memory_space<hbm>>) dst(%dma_wait3A_43 : memref<640x128xf32, #tpu.memory_space<vmem_shared>>)
        tpu.yield
      }) : () -> ()
    } else {
    }
    %ne3A = arith.constant 0 : i32
    %ne3A_5 = arith.cmpi ne, %arg0, %ne3A : i32
    %convert_element_type3A_6 = arith.extui %ne3A_5 : i1 to i32
    %cond3A_7 = arith.constant 0 : i32
    %cond3A_8 = arith.cmpi ne, %convert_element_type3A_6, %cond3A_7 : i32
    scf.if %cond3A_8 {
      %broadcast_in_dim3A = arith.constant 0.000000e+00 : f32
      %broadcast_in_dim3A_35 = vector.broadcast %broadcast_in_dim3A : f32 to vector<16xf32>
      %scan3A_36 = arith.constant 0 : i32
      %scan3A_37 = arith.constant 128 : i32
      %scan3A_38 = arith.addi %scan3A_36, %scan3A_37 : i32
      %scan3A_39 = arith.constant 1 : i32
      scf.for %scan3A_46 = %scan3A_36 to %scan3A_38 step %scan3A_39  : i32 {
        %mul3A_47 = arith.constant 1 : i32
        %mul3A_48 = arith.muli %scan3A_46, %mul3A_47 : i32
        %add3A_49 = arith.constant 0 : i32
        %add3A_50 = arith.addi %add3A_49, %mul3A_48 : i32
        %scan3A_51 = arith.constant 0 : i32
        %scan3A_52 = arith.constant 8 : i32
        %scan3A_53 = arith.addi %scan3A_51, %scan3A_52 : i32
        %scan3A_54 = arith.constant 1 : i32
        scf.for %scan3A_56 = %scan3A_51 to %scan3A_53 step %scan3A_54  : i32 {
          %mul3A_57 = arith.constant 16 : i32
          %mul3A_58 = arith.muli %scan3A_56, %mul3A_57 : i32
          %add3A_59 = arith.constant 0 : i32
          %add3A_60 = arith.addi %add3A_59, %mul3A_58 : i32
          %swap3A = arith.index_cast %add3A_50 : i32 to index
          %swap3A_61 = arith.index_cast %add3A_60 : i32 to index
          %swap3A_62 = tpu.vector_load %arg8[%swap3A, %swap3A_61] {strides = array<i32>} : memref<128x128xf32, #tpu.memory_space<vmem>>, vector<1x16xf32>,
          %swap3A_63 = vector.shape_cast %swap3A_62 : vector<1x16xf32> to vector<16xf32>
          %swap3A_64 = vector.shape_cast %broadcast_in_dim3A_35 : vector<16xf32> to vector<1x16xf32>
          tpu.vector_store %arg8[%swap3A, %swap3A_61], %swap3A_64 {strides = array<i32>} : memref<128x128xf32, #tpu.memory_space<vmem>>, vector<1x16xf32>,
        }
        %scan3A_55 = arith.constant 8 : i32
      }
      %scan3A_40 = arith.constant 128 : i32
      %scan3A_41 = arith.constant 0 : i32
      %scan3A_42 = arith.constant 5 : i32
      %scan3A_43 = arith.addi %scan3A_41, %scan3A_42 : i32
      %scan3A_44 = arith.constant 1 : i32
      scf.for %scan3A_46 = %scan3A_41 to %scan3A_43 step %scan3A_44  : i32 {
        %mul3A_47 = arith.constant 1 : i32
        %mul3A_48 = arith.muli %scan3A_46, %mul3A_47 : i32
        %add3A_49 = arith.constant 0 : i32
        %add3A_50 = arith.addi %add3A_49, %mul3A_48 : i32
        %mul3A_51 = arith.constant 640 : i32
        %mul3A_52 = arith.muli %arg1, %mul3A_51 : i32
        %mul3A_53 = arith.constant 128 : i32
        %mul3A_54 = arith.muli %add3A_50, %mul3A_53 : i32
        %add3A_55 = arith.addi %mul3A_52, %mul3A_54 : i32
        "tpu.region"() ({
          %run_scoped3A_56 = tpu.sem_alloc : memref<!tpu.dma_semaphore, #tpu.memory_space<semaphore_mem>>
          %dma_start3A = arith.constant 0 : i32
          %dma_start3A_57 = tpu.memref_slice %arg11[%add3A_55, %dma_start3A] : memref<10240x128xf32, #tpu.memory_space<vmem_shared>> -> memref<128x128xf32, #tpu.memory_space<vmem_shared>>
          %dma_start3A_58 = arith.constant 0 : i32
          %dma_start3A_59 = tpu.memref_slice %arg11[%add3A_55, %dma_start3A_58] : memref<10240x128xf32, #tpu.memory_space<vmem_shared>> -> memref<128x128xf32, #tpu.memory_space<vmem_shared>>
          tpu.enqueue_dma source(%arg8 : memref<128x128xf32, #tpu.memory_space<vmem>>) target(%dma_start3A_59 : memref<128x128xf32, #tpu.memory_space<vmem_shared>>) target_semaphore(%run_scoped3A_56 : memref<!tpu.dma_semaphore, #tpu.memory_space<semaphore_mem>>)
          %dma_wait3A = arith.constant 0 : i32
          %dma_wait3A_60 = tpu.memref_slice %arg11[%add3A_55, %dma_wait3A] : memref<10240x128xf32, #tpu.memory_space<vmem_shared>> -> memref<128x128xf32, #tpu.memory_space<vmem_shared>>
          %dma_wait3A_61 = arith.constant 0 : i32
          %dma_wait3A_62 = tpu.memref_slice %arg11[%add3A_55, %dma_wait3A_61] : memref<10240x128xf32, #tpu.memory_space<vmem_shared>> -> memref<128x128xf32, #tpu.memory_space<vmem_shared>>
          tpu.wait_dma2 semaphore(%run_scoped3A_56 : memref<!tpu.dma_semaphore, #tpu.memory_space<semaphore_mem>>) src(%arg8 : memref<128x128xf32, #tpu.memory_space<vmem>>) dst(%dma_wait3A_62 : memref<128x128xf32, #tpu.memory_space<vmem_shared>>)
          tpu.yield
        }) : () -> ()
      }
      %scan3A_45 = arith.constant 5 : i32
    } else {
    }
    %barrier3A = arith.constant 0 : index
    tpu.barrier barrier_id(%barrier3A)
    %add3A_9 = arith.constant 0 : i32
    %add3A_10 = arith.addi %add3A, %add3A_9 : i32
    "tpu.region"() ({
      %run_scoped3A_35 = tpu.sem_alloc : memref<!tpu.dma_semaphore, #tpu.memory_space<semaphore_mem>>
      %dma_start3A = arith.constant 0 : i32
      %dma_start3A_36 = tpu.memref_slice %arg2[%add3A_10, %dma_start3A] : memref<2560x128xi32, #tpu.memory_space<hbm>> -> memref<40x128xi32, #tpu.memory_space<hbm>>
      %dma_start3A_37 = arith.constant 0 : i32
      %dma_start3A_38 = tpu.memref_slice %arg2[%add3A_10, %dma_start3A_37] : memref<2560x128xi32, #tpu.memory_space<hbm>> -> memref<40x128xi32, #tpu.memory_space<hbm>>
      tpu.enqueue_dma source(%dma_start3A_38 : memref<40x128xi32, #tpu.memory_space<hbm>>) target(%arg6 : memref<40x128xi32, #tpu.memory_space<vmem>>) target_semaphore(%run_scoped3A_35 : memref<!tpu.dma_semaphore, #tpu.memory_space<semaphore_mem>>)
      %dma_wait3A = arith.constant 0 : i32
      %dma_wait3A_39 = tpu.memref_slice %arg2[%add3A_10, %dma_wait3A] : memref<2560x128xi32, #tpu.memory_space<hbm>> -> memref<40x128xi32, #tpu.memory_space<hbm>>
      %dma_wait3A_40 = arith.constant 0 : i32
      %dma_wait3A_41 = tpu.memref_slice %arg2[%add3A_10, %dma_wait3A_40] : memref<2560x128xi32, #tpu.memory_space<hbm>> -> memref<40x128xi32, #tpu.memory_space<hbm>>
      tpu.wait_dma2 semaphore(%run_scoped3A_35 : memref<!tpu.dma_semaphore, #tpu.memory_space<semaphore_mem>>) src(%dma_wait3A_41 : memref<40x128xi32, #tpu.memory_space<hbm>>) dst(%arg6 : memref<40x128xi32, #tpu.memory_space<vmem>>)
      tpu.yield
    }) : () -> ()
    %add3A_11 = arith.constant 0 : i32
    %add3A_12 = arith.addi %add3A, %add3A_11 : i32
    "tpu.region"() ({
      %run_scoped3A_35 = tpu.sem_alloc : memref<!tpu.dma_semaphore, #tpu.memory_space<semaphore_mem>>
      %dma_start3A = arith.constant 0 : i32
      %dma_start3A_36 = tpu.memref_slice %arg3[%add3A_12, %dma_start3A] : memref<2560x128xi32, #tpu.memory_space<hbm>> -> memref<40x128xi32, #tpu.memory_space<hbm>>
      %dma_start3A_37 = arith.constant 0 : i32
      %dma_start3A_38 = tpu.memref_slice %arg3[%add3A_12, %dma_start3A_37] : memref<2560x128xi32, #tpu.memory_space<hbm>> -> memref<40x128xi32, #tpu.memory_space<hbm>>
      tpu.enqueue_dma source(%dma_start3A_38 : memref<40x128xi32, #tpu.memory_space<hbm>>) target(%arg7 : memref<40x128xi32, #tpu.memory_space<vmem>>) target_semaphore(%run_scoped3A_35 : memref<!tpu.dma_semaphore, #tpu.memory_space<semaphore_mem>>)
      %dma_wait3A = arith.constant 0 : i32
      %dma_wait3A_39 = tpu.memref_slice %arg3[%add3A_12, %dma_wait3A] : memref<2560x128xi32, #tpu.memory_space<hbm>> -> memref<40x128xi32, #tpu.memory_space<hbm>>
      %dma_wait3A_40 = arith.constant 0 : i32
      %dma_wait3A_41 = tpu.memref_slice %arg3[%add3A_12, %dma_wait3A_40] : memref<2560x128xi32, #tpu.memory_space<hbm>> -> memref<40x128xi32, #tpu.memory_space<hbm>>
      tpu.wait_dma2 semaphore(%run_scoped3A_35 : memref<!tpu.dma_semaphore, #tpu.memory_space<semaphore_mem>>) src(%dma_wait3A_41 : memref<40x128xi32, #tpu.memory_space<hbm>>) dst(%arg7 : memref<40x128xi32, #tpu.memory_space<vmem>>)
      tpu.yield
    }) : () -> ()
    %run_scoped3A = arith.constant 0 : i32
    "tpu.region"() ({
      %run_scoped3A_35 = tpu.sem_alloc : memref<!tpu.dma_semaphore, #tpu.memory_space<semaphore_mem>>
      %dma_start3A = arith.constant 0 : i32
      %dma_start3A_36 = tpu.memref_slice %arg6[%run_scoped3A, %dma_start3A] : memref<40x128xi32, #tpu.memory_space<vmem>> -> memref<1x128xi32, #tpu.memory_space<vmem>>
      %dma_start3A_37 = tpu.memref_squeeze %dma_start3A_36 : memref<1x128xi32, #tpu.memory_space<vmem>> -> memref<128xi32, #tpu.memory_space<vmem>>
      %dma_start3A_38 = arith.constant 0 : i32
      %dma_start3A_39 = arith.constant 0 : i32
      %dma_start3A_40 = tpu.memref_slice %arg4[%dma_start3A_38, %dma_start3A_39] : memref<10240x128xf32, #tpu.memory_space<hbm>> -> memref<10240x128xf32, #tpu.memory_space<hbm>>
      tpu.enqueue_indirect_dma source(%dma_start3A_40 : memref<10240x128xf32, #tpu.memory_space<hbm>>) target(%arg8 : memref<128x128xf32, #tpu.memory_space<vmem>>) offsets(%dma_start3A_37 : memref<128xi32, #tpu.memory_space<vmem>>) semaphore(%run_scoped3A_35 : memref<!tpu.dma_semaphore, #tpu.memory_space<semaphore_mem>>)
      %dma_wait3A = arith.constant 0 : i32
      %dma_wait3A_41 = tpu.memref_slice %arg6[%run_scoped3A, %dma_wait3A] : memref<40x128xi32, #tpu.memory_space<vmem>> -> memref<1x128xi32, #tpu.memory_space<vmem>>
      %dma_wait3A_42 = tpu.memref_squeeze %dma_wait3A_41 : memref<1x128xi32, #tpu.memory_space<vmem>> -> memref<128xi32, #tpu.memory_space<vmem>>
      %dma_wait3A_43 = arith.constant 0 : i32
      %dma_wait3A_44 = arith.constant 0 : i32
      %dma_wait3A_45 = tpu.memref_slice %arg4[%dma_wait3A_43, %dma_wait3A_44] : memref<10240x128xf32, #tpu.memory_space<hbm>> -> memref<10240x128xf32, #tpu.memory_space<hbm>>
      tpu.wait_indirect_dma semaphore(%run_scoped3A_35 : memref<!tpu.dma_semaphore, #tpu.memory_space<semaphore_mem>>) src(%dma_wait3A_45 : memref<10240x128xf32, #tpu.memory_space<hbm>>) dst(%arg8 : memref<128x128xf32, #tpu.memory_space<vmem>>)
      tpu.yield
    }) : () -> ()
    %scan3A = arith.constant 0 : i32
    %scan3A_13 = arith.constant 20 : i32
    %scan3A_14 = arith.addi %scan3A, %scan3A_13 : i32
    %scan3A_15 = arith.constant 1 : i32
    scf.for %scan3A_35 = %scan3A to %scan3A_14 step %scan3A_15  : i32 {
      %mul3A_36 = arith.constant 1 : i32
      %mul3A_37 = arith.muli %scan3A_35, %mul3A_36 : i32
      %add3A_38 = arith.constant 0 : i32
      %add3A_39 = arith.addi %add3A_38, %mul3A_37 : i32
      %mul3A_40 = arith.constant 2 : i32
      %mul3A_41 = arith.muli %mul3A_40, %add3A_39 : i32
      %add3A_42 = arith.constant 2 : i32
      %add3A_43 = arith.addi %mul3A_41, %add3A_42 : i32
      %min3A = arith.constant 39 : i32
      %min3A_44 = arith.minsi %add3A_43, %min3A : i32
      %add3A_45 = arith.constant 1 : i32
      %add3A_46 = arith.addi %mul3A_41, %add3A_45 : i32
      %dma_start3A = arith.constant 0 : i32
      %dma_start3A_47 = tpu.memref_slice %arg6[%add3A_46, %dma_start3A] : memref<40x128xi32, #tpu.memory_space<vmem>> -> memref<1x128xi32, #tpu.memory_space<vmem>>
      %dma_start3A_48 = tpu.memref_squeeze %dma_start3A_47 : memref<1x128xi32, #tpu.memory_space<vmem>> -> memref<128xi32, #tpu.memory_space<vmem>>
      %dma_start3A_49 = arith.constant 0 : i32
      %dma_start3A_50 = arith.constant 0 : i32
      %dma_start3A_51 = tpu.memref_slice %arg4[%dma_start3A_49, %dma_start3A_50] : memref<10240x128xf32, #tpu.memory_space<hbm>> -> memref<10240x128xf32, #tpu.memory_space<hbm>>
      tpu.enqueue_indirect_dma source(%dma_start3A_51 : memref<10240x128xf32, #tpu.memory_space<hbm>>) target(%arg9 : memref<128x128xf32, #tpu.memory_space<vmem>>) offsets(%dma_start3A_48 : memref<128xi32, #tpu.memory_space<vmem>>) semaphore(%arg10 : memref<!tpu.dma_semaphore, #tpu.memory_space<semaphore_mem>>)
      "tpu.region"() ({
        %run_scoped3A_71 = tpu.sem_alloc : memref<!tpu.dma_semaphore, #tpu.memory_space<semaphore_mem>>
        %dma_start3A_72 = arith.constant 0 : i32
        %dma_start3A_73 = tpu.memref_slice %arg7[%mul3A_41, %dma_start3A_72] : memref<40x128xi32, #tpu.memory_space<vmem>> -> memref<1x128xi32, #tpu.memory_space<vmem>>
        %dma_start3A_74 = tpu.memref_squeeze %dma_start3A_73 : memref<1x128xi32, #tpu.memory_space<vmem>> -> memref<128xi32, #tpu.memory_space<vmem>>
        %dma_start3A_75 = arith.constant 0 : i32
        %dma_start3A_76 = arith.constant 0 : i32
        %dma_start3A_77 = tpu.memref_slice %arg11[%dma_start3A_75, %dma_start3A_76] : memref<10240x128xf32, #tpu.memory_space<vmem_shared>> -> memref<10240x128xf32, #tpu.memory_space<vmem_shared>>
        tpu.enqueue_indirect_dma source(%arg8 : memref<128x128xf32, #tpu.memory_space<vmem>>) target(%dma_start3A_77 : memref<10240x128xf32, #tpu.memory_space<vmem_shared>>) offsets(%dma_start3A_74 : memref<128xi32, #tpu.memory_space<vmem>>) semaphore(%run_scoped3A_71 : memref<!tpu.dma_semaphore, #tpu.memory_space<semaphore_mem>>) {add = true}
        %dma_wait3A_78 = arith.constant 0 : i32
        %dma_wait3A_79 = tpu.memref_slice %arg7[%mul3A_41, %dma_wait3A_78] : memref<40x128xi32, #tpu.memory_space<vmem>> -> memref<1x128xi32, #tpu.memory_space<vmem>>
        %dma_wait3A_80 = tpu.memref_squeeze %dma_wait3A_79 : memref<1x128xi32, #tpu.memory_space<vmem>> -> memref<128xi32, #tpu.memory_space<vmem>>
        %dma_wait3A_81 = arith.constant 0 : i32
        %dma_wait3A_82 = arith.constant 0 : i32
        %dma_wait3A_83 = tpu.memref_slice %arg11[%dma_wait3A_81, %dma_wait3A_82] : memref<10240x128xf32, #tpu.memory_space<vmem_shared>> -> memref<10240x128xf32, #tpu.memory_space<vmem_shared>>
        tpu.wait_indirect_dma semaphore(%run_scoped3A_71 : memref<!tpu.dma_semaphore, #tpu.memory_space<semaphore_mem>>) src(%arg8 : memref<128x128xf32, #tpu.memory_space<vmem>>) dst(%dma_wait3A_83 : memref<10240x128xf32, #tpu.memory_space<vmem_shared>>)
        tpu.yield
      }) : () -> ()
      %dma_wait3A = arith.constant 0 : i32
      %dma_wait3A_52 = tpu.memref_slice %arg6[%add3A_46, %dma_wait3A] : memref<40x128xi32, #tpu.memory_space<vmem>> -> memref<1x128xi32, #tpu.memory_space<vmem>>
      %dma_wait3A_53 = tpu.memref_squeeze %dma_wait3A_52 : memref<1x128xi32, #tpu.memory_space<vmem>> -> memref<128xi32, #tpu.memory_space<vmem>>
      %dma_wait3A_54 = arith.constant 0 : i32
      %dma_wait3A_55 = arith.constant 0 : i32
      %dma_wait3A_56 = tpu.memref_slice %arg4[%dma_wait3A_54, %dma_wait3A_55] : memref<10240x128xf32, #tpu.memory_space<hbm>> -> memref<10240x128xf32, #tpu.memory_space<hbm>>
      tpu.wait_indirect_dma semaphore(%arg10 : memref<!tpu.dma_semaphore, #tpu.memory_space<semaphore_mem>>) src(%dma_wait3A_56 : memref<10240x128xf32, #tpu.memory_space<hbm>>) dst(%arg9 : memref<128x128xf32, #tpu.memory_space<vmem>>)
      %dma_start3A_57 = arith.constant 0 : i32
      %dma_start3A_58 = tpu.memref_slice %arg6[%min3A_44, %dma_start3A_57] : memref<40x128xi32, #tpu.memory_space<vmem>> -> memref<1x128xi32, #tpu.memory_space<vmem>>
      %dma_start3A_59 = tpu.memref_squeeze %dma_start3A_58 : memref<1x128xi32, #tpu.memory_space<vmem>> -> memref<128xi32, #tpu.memory_space<vmem>>
      %dma_start3A_60 = arith.constant 0 : i32
      %dma_start3A_61 = arith.constant 0 : i32
      %dma_start3A_62 = tpu.memref_slice %arg4[%dma_start3A_60, %dma_start3A_61] : memref<10240x128xf32, #tpu.memory_space<hbm>> -> memref<10240x128xf32, #tpu.memory_space<hbm>>
      tpu.enqueue_indirect_dma source(%dma_start3A_62 : memref<10240x128xf32, #tpu.memory_space<hbm>>) target(%arg8 : memref<128x128xf32, #tpu.memory_space<vmem>>) offsets(%dma_start3A_59 : memref<128xi32, #tpu.memory_space<vmem>>) semaphore(%arg10 : memref<!tpu.dma_semaphore, #tpu.memory_space<semaphore_mem>>)
      %add3A_63 = arith.constant 1 : i32
      %add3A_64 = arith.addi %mul3A_41, %add3A_63 : i32
      "tpu.region"() ({
        %run_scoped3A_71 = tpu.sem_alloc : memref<!tpu.dma_semaphore, #tpu.memory_space<semaphore_mem>>
        %dma_start3A_72 = arith.constant 0 : i32
        %dma_start3A_73 = tpu.memref_slice %arg7[%add3A_64, %dma_start3A_72] : memref<40x128xi32, #tpu.memory_space<vmem>> -> memref<1x128xi32, #tpu.memory_space<vmem>>
        %dma_start3A_74 = tpu.memref_squeeze %dma_start3A_73 : memref<1x128xi32, #tpu.memory_space<vmem>> -> memref<128xi32, #tpu.memory_space<vmem>>
        %dma_start3A_75 = arith.constant 0 : i32
        %dma_start3A_76 = arith.constant 0 : i32
        %dma_start3A_77 = tpu.memref_slice %arg11[%dma_start3A_75, %dma_start3A_76] : memref<10240x128xf32, #tpu.memory_space<vmem_shared>> -> memref<10240x128xf32, #tpu.memory_space<vmem_shared>>
        tpu.enqueue_indirect_dma source(%arg9 : memref<128x128xf32, #tpu.memory_space<vmem>>) target(%dma_start3A_77 : memref<10240x128xf32, #tpu.memory_space<vmem_shared>>) offsets(%dma_start3A_74 : memref<128xi32, #tpu.memory_space<vmem>>) semaphore(%run_scoped3A_71 : memref<!tpu.dma_semaphore, #tpu.memory_space<semaphore_mem>>) {add = true}
        %dma_wait3A_78 = arith.constant 0 : i32
        %dma_wait3A_79 = tpu.memref_slice %arg7[%add3A_64, %dma_wait3A_78] : memref<40x128xi32, #tpu.memory_space<vmem>> -> memref<1x128xi32, #tpu.memory_space<vmem>>
        %dma_wait3A_80 = tpu.memref_squeeze %dma_wait3A_79 : memref<1x128xi32, #tpu.memory_space<vmem>> -> memref<128xi32, #tpu.memory_space<vmem>>
        %dma_wait3A_81 = arith.constant 0 : i32
        %dma_wait3A_82 = arith.constant 0 : i32
        %dma_wait3A_83 = tpu.memref_slice %arg11[%dma_wait3A_81, %dma_wait3A_82] : memref<10240x128xf32, #tpu.memory_space<vmem_shared>> -> memref<10240x128xf32, #tpu.memory_space<vmem_shared>>
        tpu.wait_indirect_dma semaphore(%run_scoped3A_71 : memref<!tpu.dma_semaphore, #tpu.memory_space<semaphore_mem>>) src(%arg9 : memref<128x128xf32, #tpu.memory_space<vmem>>) dst(%dma_wait3A_83 : memref<10240x128xf32, #tpu.memory_space<vmem_shared>>)
        tpu.yield
      }) : () -> ()
      %dma_wait3A_65 = arith.constant 0 : i32
      %dma_wait3A_66 = tpu.memref_slice %arg6[%min3A_44, %dma_wait3A_65] : memref<40x128xi32, #tpu.memory_space<vmem>> -> memref<1x128xi32, #tpu.memory_space<vmem>>
      %dma_wait3A_67 = tpu.memref_squeeze %dma_wait3A_66 : memref<1x128xi32, #tpu.memory_space<vmem>> -> memref<128xi32, #tpu.memory_space<vmem>>
      %dma_wait3A_68 = arith.constant 0 : i32
      %dma_wait3A_69 = arith.constant 0 : i32
      %dma_wait3A_70 = tpu.memref_slice %arg4[%dma_wait3A_68, %dma_wait3A_69] : memref<10240x128xf32, #tpu.memory_space<hbm>> -> memref<10240x128xf32, #tpu.memory_space<hbm>>
      tpu.wait_indirect_dma semaphore(%arg10 : memref<!tpu.dma_semaphore, #tpu.memory_space<semaphore_mem>>) src(%dma_wait3A_70 : memref<10240x128xf32, #tpu.memory_space<hbm>>) dst(%arg8 : memref<128x128xf32, #tpu.memory_space<vmem>>)
    }
    %scan3A_16 = arith.constant 20 : i32
    %add3A_17 = arith.constant 40 : i32
    %add3A_18 = arith.addi %add3A, %add3A_17 : i32
    "tpu.region"() ({
      %run_scoped3A_35 = tpu.sem_alloc : memref<!tpu.dma_semaphore, #tpu.memory_space<semaphore_mem>>
      %dma_start3A = arith.constant 0 : i32
      %dma_start3A_36 = tpu.memref_slice %arg2[%add3A_18, %dma_start3A] : memref<2560x128xi32, #tpu.memory_space<hbm>> -> memref<40x128xi32, #tpu.memory_space<hbm>>
      %dma_start3A_37 = arith.constant 0 : i32
      %dma_start3A_38 = tpu.memref_slice %arg2[%add3A_18, %dma_start3A_37] : memref<2560x128xi32, #tpu.memory_space<hbm>> -> memref<40x128xi32, #tpu.memory_space<hbm>>
      tpu.enqueue_dma source(%dma_start3A_38 : memref<40x128xi32, #tpu.memory_space<hbm>>) target(%arg6 : memref<40x128xi32, #tpu.memory_space<vmem>>) target_semaphore(%run_scoped3A_35 : memref<!tpu.dma_semaphore, #tpu.memory_space<semaphore_mem>>)
      %dma_wait3A = arith.constant 0 : i32
      %dma_wait3A_39 = tpu.memref_slice %arg2[%add3A_18, %dma_wait3A] : memref<2560x128xi32, #tpu.memory_space<hbm>> -> memref<40x128xi32, #tpu.memory_space<hbm>>
      %dma_wait3A_40 = arith.constant 0 : i32
      %dma_wait3A_41 = tpu.memref_slice %arg2[%add3A_18, %dma_wait3A_40] : memref<2560x128xi32, #tpu.memory_space<hbm>> -> memref<40x128xi32, #tpu.memory_space<hbm>>
      tpu.wait_dma2 semaphore(%run_scoped3A_35 : memref<!tpu.dma_semaphore, #tpu.memory_space<semaphore_mem>>) src(%dma_wait3A_41 : memref<40x128xi32, #tpu.memory_space<hbm>>) dst(%arg6 : memref<40x128xi32, #tpu.memory_space<vmem>>)
      tpu.yield
    }) : () -> ()
    %add3A_19 = arith.constant 40 : i32
    %add3A_20 = arith.addi %add3A, %add3A_19 : i32
    "tpu.region"() ({
      %run_scoped3A_35 = tpu.sem_alloc : memref<!tpu.dma_semaphore, #tpu.memory_space<semaphore_mem>>
      %dma_start3A = arith.constant 0 : i32
      %dma_start3A_36 = tpu.memref_slice %arg3[%add3A_20, %dma_start3A] : memref<2560x128xi32, #tpu.memory_space<hbm>> -> memref<40x128xi32, #tpu.memory_space<hbm>>
      %dma_start3A_37 = arith.constant 0 : i32
      %dma_start3A_38 = tpu.memref_slice %arg3[%add3A_20, %dma_start3A_37] : memref<2560x128xi32, #tpu.memory_space<hbm>> -> memref<40x128xi32, #tpu.memory_space<hbm>>
      tpu.enqueue_dma source(%dma_start3A_38 : memref<40x128xi32, #tpu.memory_space<hbm>>) target(%arg7 : memref<40x128xi32, #tpu.memory_space<vmem>>) target_semaphore(%run_scoped3A_35 : memref<!tpu.dma_semaphore, #tpu.memory_space<semaphore_mem>>)
      %dma_wait3A = arith.constant 0 : i32
      %dma_wait3A_39 = tpu.memref_slice %arg3[%add3A_20, %dma_wait3A] : memref<2560x128xi32, #tpu.memory_space<hbm>> -> memref<40x128xi32, #tpu.memory_space<hbm>>
      %dma_wait3A_40 = arith.constant 0 : i32
      %dma_wait3A_41 = tpu.memref_slice %arg3[%add3A_20, %dma_wait3A_40] : memref<2560x128xi32, #tpu.memory_space<hbm>> -> memref<40x128xi32, #tpu.memory_space<hbm>>
      tpu.wait_dma2 semaphore(%run_scoped3A_35 : memref<!tpu.dma_semaphore, #tpu.memory_space<semaphore_mem>>) src(%dma_wait3A_41 : memref<40x128xi32, #tpu.memory_space<hbm>>) dst(%arg7 : memref<40x128xi32, #tpu.memory_space<vmem>>)
      tpu.yield
    }) : () -> ()
    %run_scoped3A_21 = arith.constant 0 : i32
    "tpu.region"() ({
      %run_scoped3A_35 = tpu.sem_alloc : memref<!tpu.dma_semaphore, #tpu.memory_space<semaphore_mem>>
      %dma_start3A = arith.constant 0 : i32
      %dma_start3A_36 = tpu.memref_slice %arg6[%run_scoped3A_21, %dma_start3A] : memref<40x128xi32, #tpu.memory_space<vmem>> -> memref<1x128xi32, #tpu.memory_space<vmem>>
      %dma_start3A_37 = tpu.memref_squeeze %dma_start3A_36 : memref<1x128xi32, #tpu.memory_space<vmem>> -> memref<128xi32, #tpu.memory_space<vmem>>
      %dma_start3A_38 = arith.constant 0 : i32
      %dma_start3A_39 = arith.constant 0 : i32
      %dma_start3A_40 = tpu.memref_slice %arg4[%dma_start3A_38, %dma_start3A_39] : memref<10240x128xf32, #tpu.memory_space<hbm>> -> memref<10240x128xf32, #tpu.memory_space<hbm>>
      tpu.enqueue_indirect_dma source(%dma_start3A_40 : memref<10240x128xf32, #tpu.memory_space<hbm>>) target(%arg8 : memref<128x128xf32, #tpu.memory_space<vmem>>) offsets(%dma_start3A_37 : memref<128xi32, #tpu.memory_space<vmem>>) semaphore(%run_scoped3A_35 : memref<!tpu.dma_semaphore, #tpu.memory_space<semaphore_mem>>)
      %dma_wait3A = arith.constant 0 : i32
      %dma_wait3A_41 = tpu.memref_slice %arg6[%run_scoped3A_21, %dma_wait3A] : memref<40x128xi32, #tpu.memory_space<vmem>> -> memref<1x128xi32, #tpu.memory_space<vmem>>
      %dma_wait3A_42 = tpu.memref_squeeze %dma_wait3A_41 : memref<1x128xi32, #tpu.memory_space<vmem>> -> memref<128xi32, #tpu.memory_space<vmem>>
      %dma_wait3A_43 = arith.constant 0 : i32
      %dma_wait3A_44 = arith.constant 0 : i32
      %dma_wait3A_45 = tpu.memref_slice %arg4[%dma_wait3A_43, %dma_wait3A_44] : memref<10240x128xf32, #tpu.memory_space<hbm>> -> memref<10240x128xf32, #tpu.memory_space<hbm>>
      tpu.wait_indirect_dma semaphore(%run_scoped3A_35 : memref<!tpu.dma_semaphore, #tpu.memory_space<semaphore_mem>>) src(%dma_wait3A_45 : memref<10240x128xf32, #tpu.memory_space<hbm>>) dst(%arg8 : memref<128x128xf32, #tpu.memory_space<vmem>>)
      tpu.yield
    }) : () -> ()
    %scan3A_22 = arith.constant 0 : i32
    %scan3A_23 = arith.constant 20 : i32
    %scan3A_24 = arith.addi %scan3A_22, %scan3A_23 : i32
    %scan3A_25 = arith.constant 1 : i32
    scf.for %scan3A_35 = %scan3A_22 to %scan3A_24 step %scan3A_25  : i32 {
      %mul3A_36 = arith.constant 1 : i32
      %mul3A_37 = arith.muli %scan3A_35, %mul3A_36 : i32
      %add3A_38 = arith.constant 0 : i32
      %add3A_39 = arith.addi %add3A_38, %mul3A_37 : i32
      %mul3A_40 = arith.constant 2 : i32
      %mul3A_41 = arith.muli %mul3A_40, %add3A_39 : i32
      %add3A_42 = arith.constant 2 : i32
      %add3A_43 = arith.addi %mul3A_41, %add3A_42 : i32
      %min3A = arith.constant 39 : i32
      %min3A_44 = arith.minsi %add3A_43, %min3A : i32
      %add3A_45 = arith.constant 1 : i32
      %add3A_46 = arith.addi %mul3A_41, %add3A_45 : i32
      %dma_start3A = arith.constant 0 : i32
      %dma_start3A_47 = tpu.memref_slice %arg6[%add3A_46, %dma_start3A] : memref<40x128xi32, #tpu.memory_space<vmem>> -> memref<1x128xi32, #tpu.memory_space<vmem>>
      %dma_start3A_48 = tpu.memref_squeeze %dma_start3A_47 : memref<1x128xi32, #tpu.memory_space<vmem>> -> memref<128xi32, #tpu.memory_space<vmem>>
      %dma_start3A_49 = arith.constant 0 : i32
      %dma_start3A_50 = arith.constant 0 : i32
      %dma_start3A_51 = tpu.memref_slice %arg4[%dma_start3A_49, %dma_start3A_50] : memref<10240x128xf32, #tpu.memory_space<hbm>> -> memref<10240x128xf32, #tpu.memory_space<hbm>>
      tpu.enqueue_indirect_dma source(%dma_start3A_51 : memref<10240x128xf32, #tpu.memory_space<hbm>>) target(%arg9 : memref<128x128xf32, #tpu.memory_space<vmem>>) offsets(%dma_start3A_48 : memref<128xi32, #tpu.memory_space<vmem>>) semaphore(%arg10 : memref<!tpu.dma_semaphore, #tpu.memory_space<semaphore_mem>>)
      "tpu.region"() ({
        %run_scoped3A_71 = tpu.sem_alloc : memref<!tpu.dma_semaphore, #tpu.memory_space<semaphore_mem>>
        %dma_start3A_72 = arith.constant 0 : i32
        %dma_start3A_73 = tpu.memref_slice %arg7[%mul3A_41, %dma_start3A_72] : memref<40x128xi32, #tpu.memory_space<vmem>> -> memref<1x128xi32, #tpu.memory_space<vmem>>
        %dma_start3A_74 = tpu.memref_squeeze %dma_start3A_73 : memref<1x128xi32, #tpu.memory_space<vmem>> -> memref<128xi32, #tpu.memory_space<vmem>>
        %dma_start3A_75 = arith.constant 0 : i32
        %dma_start3A_76 = arith.constant 0 : i32
        %dma_start3A_77 = tpu.memref_slice %arg11[%dma_start3A_75, %dma_start3A_76] : memref<10240x128xf32, #tpu.memory_space<vmem_shared>> -> memref<10240x128xf32, #tpu.memory_space<vmem_shared>>
        tpu.enqueue_indirect_dma source(%arg8 : memref<128x128xf32, #tpu.memory_space<vmem>>) target(%dma_start3A_77 : memref<10240x128xf32, #tpu.memory_space<vmem_shared>>) offsets(%dma_start3A_74 : memref<128xi32, #tpu.memory_space<vmem>>) semaphore(%run_scoped3A_71 : memref<!tpu.dma_semaphore, #tpu.memory_space<semaphore_mem>>) {add = true}
        %dma_wait3A_78 = arith.constant 0 : i32
        %dma_wait3A_79 = tpu.memref_slice %arg7[%mul3A_41, %dma_wait3A_78] : memref<40x128xi32, #tpu.memory_space<vmem>> -> memref<1x128xi32, #tpu.memory_space<vmem>>
        %dma_wait3A_80 = tpu.memref_squeeze %dma_wait3A_79 : memref<1x128xi32, #tpu.memory_space<vmem>> -> memref<128xi32, #tpu.memory_space<vmem>>
        %dma_wait3A_81 = arith.constant 0 : i32
        %dma_wait3A_82 = arith.constant 0 : i32
        %dma_wait3A_83 = tpu.memref_slice %arg11[%dma_wait3A_81, %dma_wait3A_82] : memref<10240x128xf32, #tpu.memory_space<vmem_shared>> -> memref<10240x128xf32, #tpu.memory_space<vmem_shared>>
        tpu.wait_indirect_dma semaphore(%run_scoped3A_71 : memref<!tpu.dma_semaphore, #tpu.memory_space<semaphore_mem>>) src(%arg8 : memref<128x128xf32, #tpu.memory_space<vmem>>) dst(%dma_wait3A_83 : memref<10240x128xf32, #tpu.memory_space<vmem_shared>>)
        tpu.yield
      }) : () -> ()
      %dma_wait3A = arith.constant 0 : i32
      %dma_wait3A_52 = tpu.memref_slice %arg6[%add3A_46, %dma_wait3A] : memref<40x128xi32, #tpu.memory_space<vmem>> -> memref<1x128xi32, #tpu.memory_space<vmem>>
      %dma_wait3A_53 = tpu.memref_squeeze %dma_wait3A_52 : memref<1x128xi32, #tpu.memory_space<vmem>> -> memref<128xi32, #tpu.memory_space<vmem>>
      %dma_wait3A_54 = arith.constant 0 : i32
      %dma_wait3A_55 = arith.constant 0 : i32
      %dma_wait3A_56 = tpu.memref_slice %arg4[%dma_wait3A_54, %dma_wait3A_55] : memref<10240x128xf32, #tpu.memory_space<hbm>> -> memref<10240x128xf32, #tpu.memory_space<hbm>>
      tpu.wait_indirect_dma semaphore(%arg10 : memref<!tpu.dma_semaphore, #tpu.memory_space<semaphore_mem>>) src(%dma_wait3A_56 : memref<10240x128xf32, #tpu.memory_space<hbm>>) dst(%arg9 : memref<128x128xf32, #tpu.memory_space<vmem>>)
      %dma_start3A_57 = arith.constant 0 : i32
      %dma_start3A_58 = tpu.memref_slice %arg6[%min3A_44, %dma_start3A_57] : memref<40x128xi32, #tpu.memory_space<vmem>> -> memref<1x128xi32, #tpu.memory_space<vmem>>
      %dma_start3A_59 = tpu.memref_squeeze %dma_start3A_58 : memref<1x128xi32, #tpu.memory_space<vmem>> -> memref<128xi32, #tpu.memory_space<vmem>>
      %dma_start3A_60 = arith.constant 0 : i32
      %dma_start3A_61 = arith.constant 0 : i32
      %dma_start3A_62 = tpu.memref_slice %arg4[%dma_start3A_60, %dma_start3A_61] : memref<10240x128xf32, #tpu.memory_space<hbm>> -> memref<10240x128xf32, #tpu.memory_space<hbm>>
      tpu.enqueue_indirect_dma source(%dma_start3A_62 : memref<10240x128xf32, #tpu.memory_space<hbm>>) target(%arg8 : memref<128x128xf32, #tpu.memory_space<vmem>>) offsets(%dma_start3A_59 : memref<128xi32, #tpu.memory_space<vmem>>) semaphore(%arg10 : memref<!tpu.dma_semaphore, #tpu.memory_space<semaphore_mem>>)
      %add3A_63 = arith.constant 1 : i32
      %add3A_64 = arith.addi %mul3A_41, %add3A_63 : i32
      "tpu.region"() ({
        %run_scoped3A_71 = tpu.sem_alloc : memref<!tpu.dma_semaphore, #tpu.memory_space<semaphore_mem>>
        %dma_start3A_72 = arith.constant 0 : i32
        %dma_start3A_73 = tpu.memref_slice %arg7[%add3A_64, %dma_start3A_72] : memref<40x128xi32, #tpu.memory_space<vmem>> -> memref<1x128xi32, #tpu.memory_space<vmem>>
        %dma_start3A_74 = tpu.memref_squeeze %dma_start3A_73 : memref<1x128xi32, #tpu.memory_space<vmem>> -> memref<128xi32, #tpu.memory_space<vmem>>
        %dma_start3A_75 = arith.constant 0 : i32
        %dma_start3A_76 = arith.constant 0 : i32
        %dma_start3A_77 = tpu.memref_slice %arg11[%dma_start3A_75, %dma_start3A_76] : memref<10240x128xf32, #tpu.memory_space<vmem_shared>> -> memref<10240x128xf32, #tpu.memory_space<vmem_shared>>
        tpu.enqueue_indirect_dma source(%arg9 : memref<128x128xf32, #tpu.memory_space<vmem>>) target(%dma_start3A_77 : memref<10240x128xf32, #tpu.memory_space<vmem_shared>>) offsets(%dma_start3A_74 : memref<128xi32, #tpu.memory_space<vmem>>) semaphore(%run_scoped3A_71 : memref<!tpu.dma_semaphore, #tpu.memory_space<semaphore_mem>>) {add = true}
        %dma_wait3A_78 = arith.constant 0 : i32
        %dma_wait3A_79 = tpu.memref_slice %arg7[%add3A_64, %dma_wait3A_78] : memref<40x128xi32, #tpu.memory_space<vmem>> -> memref<1x128xi32, #tpu.memory_space<vmem>>
        %dma_wait3A_80 = tpu.memref_squeeze %dma_wait3A_79 : memref<1x128xi32, #tpu.memory_space<vmem>> -> memref<128xi32, #tpu.memory_space<vmem>>
        %dma_wait3A_81 = arith.constant 0 : i32
        %dma_wait3A_82 = arith.constant 0 : i32
        %dma_wait3A_83 = tpu.memref_slice %arg11[%dma_wait3A_81, %dma_wait3A_82] : memref<10240x128xf32, #tpu.memory_space<vmem_shared>> -> memref<10240x128xf32, #tpu.memory_space<vmem_shared>>
        tpu.wait_indirect_dma semaphore(%run_scoped3A_71 : memref<!tpu.dma_semaphore, #tpu.memory_space<semaphore_mem>>) src(%arg9 : memref<128x128xf32, #tpu.memory_space<vmem>>) dst(%dma_wait3A_83 : memref<10240x128xf32, #tpu.memory_space<vmem_shared>>)
        tpu.yield
      }) : () -> ()
      %dma_wait3A_65 = arith.constant 0 : i32
      %dma_wait3A_66 = tpu.memref_slice %arg6[%min3A_44, %dma_wait3A_65] : memref<40x128xi32, #tpu.memory_space<vmem>> -> memref<1x128xi32, #tpu.memory_space<vmem>>
      %dma_wait3A_67 = tpu.memref_squeeze %dma_wait3A_66 : memref<1x128xi32, #tpu.memory_space<vmem>> -> memref<128xi32, #tpu.memory_space<vmem>>
      %dma_wait3A_68 = arith.constant 0 : i32
      %dma_wait3A_69 = arith.constant 0 : i32
      %dma_wait3A_70 = tpu.memref_slice %arg4[%dma_wait3A_68, %dma_wait3A_69] : memref<10240x128xf32, #tpu.memory_space<hbm>> -> memref<10240x128xf32, #tpu.memory_space<hbm>>
      tpu.wait_indirect_dma semaphore(%arg10 : memref<!tpu.dma_semaphore, #tpu.memory_space<semaphore_mem>>) src(%dma_wait3A_70 : memref<10240x128xf32, #tpu.memory_space<hbm>>) dst(%arg8 : memref<128x128xf32, #tpu.memory_space<vmem>>)
    }
    %scan3A_26 = arith.constant 20 : i32
    %barrier3A_27 = arith.constant 0 : index
    tpu.barrier barrier_id(%barrier3A_27)
    %mul3A_28 = arith.constant 640 : i32
    %mul3A_29 = arith.muli %arg1, %mul3A_28 : i32
    %mul3A_30 = arith.constant 10240 : i32
    %mul3A_31 = arith.muli %arg0, %mul3A_30 : i32
    %mul3A_32 = arith.constant 640 : i32
    %mul3A_33 = arith.muli %arg1, %mul3A_32 : i32
    %add3A_34 = arith.addi %mul3A_31, %mul3A_33 : i32
    "tpu.region"() ({
      %run_scoped3A_35 = tpu.sem_alloc : memref<!tpu.dma_semaphore, #tpu.memory_space<semaphore_mem>>
      %dma_start3A = arith.constant 0 : i32
      %dma_start3A_36 = tpu.memref_slice %arg5[%add3A_34, %dma_start3A] : memref<20480x128xf32, #tpu.memory_space<hbm>> -> memref<640x128xf32, #tpu.memory_space<hbm>>
      %dma_start3A_37 = arith.constant 0 : i32
      %dma_start3A_38 = tpu.memref_slice %arg11[%mul3A_29, %dma_start3A_37] : memref<10240x128xf32, #tpu.memory_space<vmem_shared>> -> memref<640x128xf32, #tpu.memory_space<vmem_shared>>
      tpu.enqueue_dma source(%dma_start3A_38 : memref<640x128xf32, #tpu.memory_space<vmem_shared>>) target(%dma_start3A_36 : memref<640x128xf32, #tpu.memory_space<hbm>>) target_semaphore(%run_scoped3A_35 : memref<!tpu.dma_semaphore, #tpu.memory_space<semaphore_mem>>)
      %dma_wait3A = arith.constant 0 : i32
      %dma_wait3A_39 = tpu.memref_slice %arg5[%add3A_34, %dma_wait3A] : memref<20480x128xf32, #tpu.memory_space<hbm>> -> memref<640x128xf32, #tpu.memory_space<hbm>>
      %dma_wait3A_40 = arith.constant 0 : i32
      %dma_wait3A_41 = tpu.memref_slice %arg11[%mul3A_29, %dma_wait3A_40] : memref<10240x128xf32, #tpu.memory_space<vmem_shared>> -> memref<640x128xf32, #tpu.memory_space<vmem_shared>>
      tpu.wait_dma2 semaphore(%run_scoped3A_35 : memref<!tpu.dma_semaphore, #tpu.memory_space<semaphore_mem>>) src(%dma_wait3A_41 : memref<640x128xf32, #tpu.memory_space<vmem_shared>>) dst(%dma_wait3A_39 : memref<640x128xf32, #tpu.memory_space<hbm>>)
      tpu.yield
    }) : () -> ()
    return
  }
}

#map = affine_map<(d0, d1) -> (0, 0)>
module attributes {stable_mosaic.version = 14 : i64} {
  func.func @_prop_cs(%arg0: i32, %arg1: i32, %arg2: memref<2560x128xi32, #tpu.memory_space<hbm>>, %arg3: memref<2560x128xi32, #tpu.memory_space<hbm>>, %arg4: memref<20480x128xf32, #tpu.memory_space<hbm>>, %arg5: memref<20480x128xf32, #tpu.memory_space<hbm>>, %arg6: memref<40x128xi32, #tpu.memory_space<vmem>>, %arg7: memref<40x128xi32, #tpu.memory_space<vmem>>, %arg8: memref<128x128xf32, #tpu.memory_space<vmem>>, %arg9: memref<128x128xf32, #tpu.memory_space<vmem>>, %arg10: memref<!tpu.dma_semaphore, #tpu.memory_space<semaphore_mem>>, %arg11: memref<10240x128xf32, #tpu.memory_space<vmem_shared>>) attributes {dimension_semantics = [#tpu.dimension_semantics<core_parallel>, #tpu.dimension_semantics<subcore_parallel>], iteration_bounds = array<i64: 2, 16>, scalar_prefetch = 0 : i64, scratch_operands = 6 : i64, tpu.core_type = #tpu.core_type<sc_vector_subcore>, window_params = [{transform_indices = #map}, {transform_indices = #map}, {transform_indices = #map}, {transform_indices = #map}]} {
    %mul3A = arith.constant 10240 : i32
    %mul3A_0 = arith.muli %arg0, %mul3A : i32
    %broadcast_in_dim3A = vector.broadcast %mul3A_0 : i32 to vector<16xi32>
    %mul3A_1 = arith.constant 10240 : i32
    %mul3A_2 = arith.muli %arg0, %mul3A_1 : i32
    %mul3A_3 = arith.constant 640 : i32
    %mul3A_4 = arith.muli %arg1, %mul3A_3 : i32
    %add3A = arith.addi %mul3A_2, %mul3A_4 : i32
    %mul3A_5 = arith.constant 640 : i32
    %mul3A_6 = arith.muli %arg1, %mul3A_5 : i32
    "tpu.region"() ({
      %run_scoped3A_89 = tpu.sem_alloc : memref<!tpu.dma_semaphore, #tpu.memory_space<semaphore_mem>>
      %dma_start3A = arith.constant 0 : i32
      %dma_start3A_90 = tpu.memref_slice %arg11[%mul3A_6, %dma_start3A] : memref<10240x128xf32, #tpu.memory_space<vmem_shared>> -> memref<640x128xf32, #tpu.memory_space<vmem_shared>>
      %dma_start3A_91 = arith.constant 0 : i32
      %dma_start3A_92 = tpu.memref_slice %arg4[%add3A, %dma_start3A_91] : memref<20480x128xf32, #tpu.memory_space<hbm>> -> memref<640x128xf32, #tpu.memory_space<hbm>>
      tpu.enqueue_dma source(%dma_start3A_92 : memref<640x128xf32, #tpu.memory_space<hbm>>) target(%dma_start3A_90 : memref<640x128xf32, #tpu.memory_space<vmem_shared>>) target_semaphore(%run_scoped3A_89 : memref<!tpu.dma_semaphore, #tpu.memory_space<semaphore_mem>>)
      %dma_wait3A = arith.constant 0 : i32
      %dma_wait3A_93 = tpu.memref_slice %arg11[%mul3A_6, %dma_wait3A] : memref<10240x128xf32, #tpu.memory_space<vmem_shared>> -> memref<640x128xf32, #tpu.memory_space<vmem_shared>>
      %dma_wait3A_94 = arith.constant 0 : i32
      %dma_wait3A_95 = tpu.memref_slice %arg4[%add3A, %dma_wait3A_94] : memref<20480x128xf32, #tpu.memory_space<hbm>> -> memref<640x128xf32, #tpu.memory_space<hbm>>
      tpu.wait_dma2 semaphore(%run_scoped3A_89 : memref<!tpu.dma_semaphore, #tpu.memory_space<semaphore_mem>>) src(%dma_wait3A_95 : memref<640x128xf32, #tpu.memory_space<hbm>>) dst(%dma_wait3A_93 : memref<640x128xf32, #tpu.memory_space<vmem_shared>>)
      tpu.yield
    }) : () -> ()
    %barrier3A = arith.constant 0 : index
    tpu.barrier barrier_id(%barrier3A)
    %mul3A_7 = arith.constant 160 : i32
    %mul3A_8 = arith.muli %arg1, %mul3A_7 : i32
    %add3A_9 = arith.constant 0 : i32
    %add3A_10 = arith.addi %mul3A_8, %add3A_9 : i32
    "tpu.region"() ({
      %run_scoped3A_89 = tpu.sem_alloc : memref<!tpu.dma_semaphore, #tpu.memory_space<semaphore_mem>>
      %dma_start3A = arith.constant 0 : i32
      %dma_start3A_90 = tpu.memref_slice %arg2[%add3A_10, %dma_start3A] : memref<2560x128xi32, #tpu.memory_space<hbm>> -> memref<40x128xi32, #tpu.memory_space<hbm>>
      %dma_start3A_91 = arith.constant 0 : i32
      %dma_start3A_92 = tpu.memref_slice %arg2[%add3A_10, %dma_start3A_91] : memref<2560x128xi32, #tpu.memory_space<hbm>> -> memref<40x128xi32, #tpu.memory_space<hbm>>
      tpu.enqueue_dma source(%dma_start3A_92 : memref<40x128xi32, #tpu.memory_space<hbm>>) target(%arg6 : memref<40x128xi32, #tpu.memory_space<vmem>>) target_semaphore(%run_scoped3A_89 : memref<!tpu.dma_semaphore, #tpu.memory_space<semaphore_mem>>)
      %dma_wait3A = arith.constant 0 : i32
      %dma_wait3A_93 = tpu.memref_slice %arg2[%add3A_10, %dma_wait3A] : memref<2560x128xi32, #tpu.memory_space<hbm>> -> memref<40x128xi32, #tpu.memory_space<hbm>>
      %dma_wait3A_94 = arith.constant 0 : i32
      %dma_wait3A_95 = tpu.memref_slice %arg2[%add3A_10, %dma_wait3A_94] : memref<2560x128xi32, #tpu.memory_space<hbm>> -> memref<40x128xi32, #tpu.memory_space<hbm>>
      tpu.wait_dma2 semaphore(%run_scoped3A_89 : memref<!tpu.dma_semaphore, #tpu.memory_space<semaphore_mem>>) src(%dma_wait3A_95 : memref<40x128xi32, #tpu.memory_space<hbm>>) dst(%arg6 : memref<40x128xi32, #tpu.memory_space<vmem>>)
      tpu.yield
    }) : () -> ()
    %mul3A_11 = arith.constant 160 : i32
    %mul3A_12 = arith.muli %arg1, %mul3A_11 : i32
    %add3A_13 = arith.constant 0 : i32
    %add3A_14 = arith.addi %mul3A_12, %add3A_13 : i32
    "tpu.region"() ({
      %run_scoped3A_89 = tpu.sem_alloc : memref<!tpu.dma_semaphore, #tpu.memory_space<semaphore_mem>>
      %dma_start3A = arith.constant 0 : i32
      %dma_start3A_90 = tpu.memref_slice %arg3[%add3A_14, %dma_start3A] : memref<2560x128xi32, #tpu.memory_space<hbm>> -> memref<40x128xi32, #tpu.memory_space<hbm>>
      %dma_start3A_91 = arith.constant 0 : i32
      %dma_start3A_92 = tpu.memref_slice %arg3[%add3A_14, %dma_start3A_91] : memref<2560x128xi32, #tpu.memory_space<hbm>> -> memref<40x128xi32, #tpu.memory_space<hbm>>
      tpu.enqueue_dma source(%dma_start3A_92 : memref<40x128xi32, #tpu.memory_space<hbm>>) target(%arg7 : memref<40x128xi32, #tpu.memory_space<vmem>>) target_semaphore(%run_scoped3A_89 : memref<!tpu.dma_semaphore, #tpu.memory_space<semaphore_mem>>)
      %dma_wait3A = arith.constant 0 : i32
      %dma_wait3A_93 = tpu.memref_slice %arg3[%add3A_14, %dma_wait3A] : memref<2560x128xi32, #tpu.memory_space<hbm>> -> memref<40x128xi32, #tpu.memory_space<hbm>>
      %dma_wait3A_94 = arith.constant 0 : i32
      %dma_wait3A_95 = tpu.memref_slice %arg3[%add3A_14, %dma_wait3A_94] : memref<2560x128xi32, #tpu.memory_space<hbm>> -> memref<40x128xi32, #tpu.memory_space<hbm>>
      tpu.wait_dma2 semaphore(%run_scoped3A_89 : memref<!tpu.dma_semaphore, #tpu.memory_space<semaphore_mem>>) src(%dma_wait3A_95 : memref<40x128xi32, #tpu.memory_space<hbm>>) dst(%arg7 : memref<40x128xi32, #tpu.memory_space<vmem>>)
      tpu.yield
    }) : () -> ()
    %scan3A = arith.constant 0 : i32
    %scan3A_15 = arith.constant 40 : i32
    %scan3A_16 = arith.addi %scan3A, %scan3A_15 : i32
    %scan3A_17 = arith.constant 1 : i32
    scf.for %scan3A_89 = %scan3A to %scan3A_16 step %scan3A_17  : i32 {
      %mul3A_90 = arith.constant 1 : i32
      %mul3A_91 = arith.muli %scan3A_89, %mul3A_90 : i32
      %add3A_92 = arith.constant 0 : i32
      %add3A_93 = arith.addi %add3A_92, %mul3A_91 : i32
      %scan3A_94 = arith.constant 0 : i32
      %scan3A_95 = arith.constant 8 : i32
      %scan3A_96 = arith.addi %scan3A_94, %scan3A_95 : i32
      %scan3A_97 = arith.constant 1 : i32
      scf.for %scan3A_99 = %scan3A_94 to %scan3A_96 step %scan3A_97  : i32 {
        %mul3A_100 = arith.constant 16 : i32
        %mul3A_101 = arith.muli %scan3A_99, %mul3A_100 : i32
        %add3A_102 = arith.constant 0 : i32
        %add3A_103 = arith.addi %add3A_102, %mul3A_101 : i32
        %get3A = arith.index_cast %add3A_93 : i32 to index
        %get3A_104 = arith.index_cast %add3A_103 : i32 to index
        %get3A_105 = tpu.vector_load %arg6[%get3A, %get3A_104] {strides = array<i32>} : memref<40x128xi32, #tpu.memory_space<vmem>>, vector<1x16xi32>,
        %get3A_106 = vector.shape_cast %get3A_105 : vector<1x16xi32> to vector<16xi32>
        %add3A_107 = arith.addi %get3A_106, %broadcast_in_dim3A : vector<16xi32>
        %swap3A = arith.index_cast %add3A_93 : i32 to index
        %swap3A_108 = arith.index_cast %add3A_103 : i32 to index
        %swap3A_109 = tpu.vector_load %arg6[%swap3A, %swap3A_108] {strides = array<i32>} : memref<40x128xi32, #tpu.memory_space<vmem>>, vector<1x16xi32>,
        %swap3A_110 = vector.shape_cast %swap3A_109 : vector<1x16xi32> to vector<16xi32>
        %swap3A_111 = vector.shape_cast %add3A_107 : vector<16xi32> to vector<1x16xi32>
        tpu.vector_store %arg6[%swap3A, %swap3A_108], %swap3A_111 {strides = array<i32>} : memref<40x128xi32, #tpu.memory_space<vmem>>, vector<1x16xi32>,
      }
      %scan3A_98 = arith.constant 8 : i32
    }
    %scan3A_18 = arith.constant 40 : i32
    %run_scoped3A = arith.constant 0 : i32
    "tpu.region"() ({
      %run_scoped3A_89 = tpu.sem_alloc : memref<!tpu.dma_semaphore, #tpu.memory_space<semaphore_mem>>
      %dma_start3A = arith.constant 0 : i32
      %dma_start3A_90 = tpu.memref_slice %arg6[%run_scoped3A, %dma_start3A] : memref<40x128xi32, #tpu.memory_space<vmem>> -> memref<1x128xi32, #tpu.memory_space<vmem>>
      %dma_start3A_91 = tpu.memref_squeeze %dma_start3A_90 : memref<1x128xi32, #tpu.memory_space<vmem>> -> memref<128xi32, #tpu.memory_space<vmem>>
      %dma_start3A_92 = arith.constant 0 : i32
      %dma_start3A_93 = arith.constant 0 : i32
      %dma_start3A_94 = tpu.memref_slice %arg4[%dma_start3A_92, %dma_start3A_93] : memref<20480x128xf32, #tpu.memory_space<hbm>> -> memref<20480x128xf32, #tpu.memory_space<hbm>>
      tpu.enqueue_indirect_dma source(%dma_start3A_94 : memref<20480x128xf32, #tpu.memory_space<hbm>>) target(%arg8 : memref<128x128xf32, #tpu.memory_space<vmem>>) offsets(%dma_start3A_91 : memref<128xi32, #tpu.memory_space<vmem>>) semaphore(%run_scoped3A_89 : memref<!tpu.dma_semaphore, #tpu.memory_space<semaphore_mem>>)
      %dma_wait3A = arith.constant 0 : i32
      %dma_wait3A_95 = tpu.memref_slice %arg6[%run_scoped3A, %dma_wait3A] : memref<40x128xi32, #tpu.memory_space<vmem>> -> memref<1x128xi32, #tpu.memory_space<vmem>>
      %dma_wait3A_96 = tpu.memref_squeeze %dma_wait3A_95 : memref<1x128xi32, #tpu.memory_space<vmem>> -> memref<128xi32, #tpu.memory_space<vmem>>
      %dma_wait3A_97 = arith.constant 0 : i32
      %dma_wait3A_98 = arith.constant 0 : i32
      %dma_wait3A_99 = tpu.memref_slice %arg4[%dma_wait3A_97, %dma_wait3A_98] : memref<20480x128xf32, #tpu.memory_space<hbm>> -> memref<20480x128xf32, #tpu.memory_space<hbm>>
      tpu.wait_indirect_dma semaphore(%run_scoped3A_89 : memref<!tpu.dma_semaphore, #tpu.memory_space<semaphore_mem>>) src(%dma_wait3A_99 : memref<20480x128xf32, #tpu.memory_space<hbm>>) dst(%arg8 : memref<128x128xf32, #tpu.memory_space<vmem>>)
      tpu.yield
    }) : () -> ()
    %scan3A_19 = arith.constant 0 : i32
    %scan3A_20 = arith.constant 20 : i32
    %scan3A_21 = arith.addi %scan3A_19, %scan3A_20 : i32
    %scan3A_22 = arith.constant 1 : i32
    scf.for %scan3A_89 = %scan3A_19 to %scan3A_21 step %scan3A_22  : i32 {
      %mul3A_90 = arith.constant 1 : i32
      %mul3A_91 = arith.muli %scan3A_89, %mul3A_90 : i32
      %add3A_92 = arith.constant 0 : i32
      %add3A_93 = arith.addi %add3A_92, %mul3A_91 : i32
      %mul3A_94 = arith.constant 2 : i32
      %mul3A_95 = arith.muli %mul3A_94, %add3A_93 : i32
      %add3A_96 = arith.constant 2 : i32
      %add3A_97 = arith.addi %mul3A_95, %add3A_96 : i32
      %min3A = arith.constant 39 : i32
      %min3A_98 = arith.minsi %add3A_97, %min3A : i32
      %add3A_99 = arith.constant 1 : i32
      %add3A_100 = arith.addi %mul3A_95, %add3A_99 : i32
      %dma_start3A = arith.constant 0 : i32
      %dma_start3A_101 = tpu.memref_slice %arg6[%add3A_100, %dma_start3A] : memref<40x128xi32, #tpu.memory_space<vmem>> -> memref<1x128xi32, #tpu.memory_space<vmem>>
      %dma_start3A_102 = tpu.memref_squeeze %dma_start3A_101 : memref<1x128xi32, #tpu.memory_space<vmem>> -> memref<128xi32, #tpu.memory_space<vmem>>
      %dma_start3A_103 = arith.constant 0 : i32
      %dma_start3A_104 = arith.constant 0 : i32
      %dma_start3A_105 = tpu.memref_slice %arg4[%dma_start3A_103, %dma_start3A_104] : memref<20480x128xf32, #tpu.memory_space<hbm>> -> memref<20480x128xf32, #tpu.memory_space<hbm>>
      tpu.enqueue_indirect_dma source(%dma_start3A_105 : memref<20480x128xf32, #tpu.memory_space<hbm>>) target(%arg9 : memref<128x128xf32, #tpu.memory_space<vmem>>) offsets(%dma_start3A_102 : memref<128xi32, #tpu.memory_space<vmem>>) semaphore(%arg10 : memref<!tpu.dma_semaphore, #tpu.memory_space<semaphore_mem>>)
      "tpu.region"() ({
        %run_scoped3A_125 = tpu.sem_alloc : memref<!tpu.dma_semaphore, #tpu.memory_space<semaphore_mem>>
        %dma_start3A_126 = arith.constant 0 : i32
        %dma_start3A_127 = tpu.memref_slice %arg7[%mul3A_95, %dma_start3A_126] : memref<40x128xi32, #tpu.memory_space<vmem>> -> memref<1x128xi32, #tpu.memory_space<vmem>>
        %dma_start3A_128 = tpu.memref_squeeze %dma_start3A_127 : memref<1x128xi32, #tpu.memory_space<vmem>> -> memref<128xi32, #tpu.memory_space<vmem>>
        %dma_start3A_129 = arith.constant 0 : i32
        %dma_start3A_130 = arith.constant 0 : i32
        %dma_start3A_131 = tpu.memref_slice %arg11[%dma_start3A_129, %dma_start3A_130] : memref<10240x128xf32, #tpu.memory_space<vmem_shared>> -> memref<10240x128xf32, #tpu.memory_space<vmem_shared>>
        tpu.enqueue_indirect_dma source(%arg8 : memref<128x128xf32, #tpu.memory_space<vmem>>) target(%dma_start3A_131 : memref<10240x128xf32, #tpu.memory_space<vmem_shared>>) offsets(%dma_start3A_128 : memref<128xi32, #tpu.memory_space<vmem>>) semaphore(%run_scoped3A_125 : memref<!tpu.dma_semaphore, #tpu.memory_space<semaphore_mem>>) {add = true}
        %dma_wait3A_132 = arith.constant 0 : i32
        %dma_wait3A_133 = tpu.memref_slice %arg7[%mul3A_95, %dma_wait3A_132] : memref<40x128xi32, #tpu.memory_space<vmem>> -> memref<1x128xi32, #tpu.memory_space<vmem>>
        %dma_wait3A_134 = tpu.memref_squeeze %dma_wait3A_133 : memref<1x128xi32, #tpu.memory_space<vmem>> -> memref<128xi32, #tpu.memory_space<vmem>>
        %dma_wait3A_135 = arith.constant 0 : i32
        %dma_wait3A_136 = arith.constant 0 : i32
        %dma_wait3A_137 = tpu.memref_slice %arg11[%dma_wait3A_135, %dma_wait3A_136] : memref<10240x128xf32, #tpu.memory_space<vmem_shared>> -> memref<10240x128xf32, #tpu.memory_space<vmem_shared>>
        tpu.wait_indirect_dma semaphore(%run_scoped3A_125 : memref<!tpu.dma_semaphore, #tpu.memory_space<semaphore_mem>>) src(%arg8 : memref<128x128xf32, #tpu.memory_space<vmem>>) dst(%dma_wait3A_137 : memref<10240x128xf32, #tpu.memory_space<vmem_shared>>)
        tpu.yield
      }) : () -> ()
      %dma_wait3A = arith.constant 0 : i32
      %dma_wait3A_106 = tpu.memref_slice %arg6[%add3A_100, %dma_wait3A] : memref<40x128xi32, #tpu.memory_space<vmem>> -> memref<1x128xi32, #tpu.memory_space<vmem>>
      %dma_wait3A_107 = tpu.memref_squeeze %dma_wait3A_106 : memref<1x128xi32, #tpu.memory_space<vmem>> -> memref<128xi32, #tpu.memory_space<vmem>>
      %dma_wait3A_108 = arith.constant 0 : i32
      %dma_wait3A_109 = arith.constant 0 : i32
      %dma_wait3A_110 = tpu.memref_slice %arg4[%dma_wait3A_108, %dma_wait3A_109] : memref<20480x128xf32, #tpu.memory_space<hbm>> -> memref<20480x128xf32, #tpu.memory_space<hbm>>
      tpu.wait_indirect_dma semaphore(%arg10 : memref<!tpu.dma_semaphore, #tpu.memory_space<semaphore_mem>>) src(%dma_wait3A_110 : memref<20480x128xf32, #tpu.memory_space<hbm>>) dst(%arg9 : memref<128x128xf32, #tpu.memory_space<vmem>>)
      %dma_start3A_111 = arith.constant 0 : i32
      %dma_start3A_112 = tpu.memref_slice %arg6[%min3A_98, %dma_start3A_111] : memref<40x128xi32, #tpu.memory_space<vmem>> -> memref<1x128xi32, #tpu.memory_space<vmem>>
      %dma_start3A_113 = tpu.memref_squeeze %dma_start3A_112 : memref<1x128xi32, #tpu.memory_space<vmem>> -> memref<128xi32, #tpu.memory_space<vmem>>
      %dma_start3A_114 = arith.constant 0 : i32
      %dma_start3A_115 = arith.constant 0 : i32
      %dma_start3A_116 = tpu.memref_slice %arg4[%dma_start3A_114, %dma_start3A_115] : memref<20480x128xf32, #tpu.memory_space<hbm>> -> memref<20480x128xf32, #tpu.memory_space<hbm>>
      tpu.enqueue_indirect_dma source(%dma_start3A_116 : memref<20480x128xf32, #tpu.memory_space<hbm>>) target(%arg8 : memref<128x128xf32, #tpu.memory_space<vmem>>) offsets(%dma_start3A_113 : memref<128xi32, #tpu.memory_space<vmem>>) semaphore(%arg10 : memref<!tpu.dma_semaphore, #tpu.memory_space<semaphore_mem>>)
      %add3A_117 = arith.constant 1 : i32
      %add3A_118 = arith.addi %mul3A_95, %add3A_117 : i32
      "tpu.region"() ({
        %run_scoped3A_125 = tpu.sem_alloc : memref<!tpu.dma_semaphore, #tpu.memory_space<semaphore_mem>>
        %dma_start3A_126 = arith.constant 0 : i32
        %dma_start3A_127 = tpu.memref_slice %arg7[%add3A_118, %dma_start3A_126] : memref<40x128xi32, #tpu.memory_space<vmem>> -> memref<1x128xi32, #tpu.memory_space<vmem>>
        %dma_start3A_128 = tpu.memref_squeeze %dma_start3A_127 : memref<1x128xi32, #tpu.memory_space<vmem>> -> memref<128xi32, #tpu.memory_space<vmem>>
        %dma_start3A_129 = arith.constant 0 : i32
        %dma_start3A_130 = arith.constant 0 : i32
        %dma_start3A_131 = tpu.memref_slice %arg11[%dma_start3A_129, %dma_start3A_130] : memref<10240x128xf32, #tpu.memory_space<vmem_shared>> -> memref<10240x128xf32, #tpu.memory_space<vmem_shared>>
        tpu.enqueue_indirect_dma source(%arg9 : memref<128x128xf32, #tpu.memory_space<vmem>>) target(%dma_start3A_131 : memref<10240x128xf32, #tpu.memory_space<vmem_shared>>) offsets(%dma_start3A_128 : memref<128xi32, #tpu.memory_space<vmem>>) semaphore(%run_scoped3A_125 : memref<!tpu.dma_semaphore, #tpu.memory_space<semaphore_mem>>) {add = true}
        %dma_wait3A_132 = arith.constant 0 : i32
        %dma_wait3A_133 = tpu.memref_slice %arg7[%add3A_118, %dma_wait3A_132] : memref<40x128xi32, #tpu.memory_space<vmem>> -> memref<1x128xi32, #tpu.memory_space<vmem>>
        %dma_wait3A_134 = tpu.memref_squeeze %dma_wait3A_133 : memref<1x128xi32, #tpu.memory_space<vmem>> -> memref<128xi32, #tpu.memory_space<vmem>>
        %dma_wait3A_135 = arith.constant 0 : i32
        %dma_wait3A_136 = arith.constant 0 : i32
        %dma_wait3A_137 = tpu.memref_slice %arg11[%dma_wait3A_135, %dma_wait3A_136] : memref<10240x128xf32, #tpu.memory_space<vmem_shared>> -> memref<10240x128xf32, #tpu.memory_space<vmem_shared>>
        tpu.wait_indirect_dma semaphore(%run_scoped3A_125 : memref<!tpu.dma_semaphore, #tpu.memory_space<semaphore_mem>>) src(%arg9 : memref<128x128xf32, #tpu.memory_space<vmem>>) dst(%dma_wait3A_137 : memref<10240x128xf32, #tpu.memory_space<vmem_shared>>)
        tpu.yield
      }) : () -> ()
      %dma_wait3A_119 = arith.constant 0 : i32
      %dma_wait3A_120 = tpu.memref_slice %arg6[%min3A_98, %dma_wait3A_119] : memref<40x128xi32, #tpu.memory_space<vmem>> -> memref<1x128xi32, #tpu.memory_space<vmem>>
      %dma_wait3A_121 = tpu.memref_squeeze %dma_wait3A_120 : memref<1x128xi32, #tpu.memory_space<vmem>> -> memref<128xi32, #tpu.memory_space<vmem>>
      %dma_wait3A_122 = arith.constant 0 : i32
      %dma_wait3A_123 = arith.constant 0 : i32
      %dma_wait3A_124 = tpu.memref_slice %arg4[%dma_wait3A_122, %dma_wait3A_123] : memref<20480x128xf32, #tpu.memory_space<hbm>> -> memref<20480x128xf32, #tpu.memory_space<hbm>>
      tpu.wait_indirect_dma semaphore(%arg10 : memref<!tpu.dma_semaphore, #tpu.memory_space<semaphore_mem>>) src(%dma_wait3A_124 : memref<20480x128xf32, #tpu.memory_space<hbm>>) dst(%arg8 : memref<128x128xf32, #tpu.memory_space<vmem>>)
    }
    %scan3A_23 = arith.constant 20 : i32
    %mul3A_24 = arith.constant 160 : i32
    %mul3A_25 = arith.muli %arg1, %mul3A_24 : i32
    %add3A_26 = arith.constant 40 : i32
    %add3A_27 = arith.addi %mul3A_25, %add3A_26 : i32
    "tpu.region"() ({
      %run_scoped3A_89 = tpu.sem_alloc : memref<!tpu.dma_semaphore, #tpu.memory_space<semaphore_mem>>
      %dma_start3A = arith.constant 0 : i32
      %dma_start3A_90 = tpu.memref_slice %arg2[%add3A_27, %dma_start3A] : memref<2560x128xi32, #tpu.memory_space<hbm>> -> memref<40x128xi32, #tpu.memory_space<hbm>>
      %dma_start3A_91 = arith.constant 0 : i32
      %dma_start3A_92 = tpu.memref_slice %arg2[%add3A_27, %dma_start3A_91] : memref<2560x128xi32, #tpu.memory_space<hbm>> -> memref<40x128xi32, #tpu.memory_space<hbm>>
      tpu.enqueue_dma source(%dma_start3A_92 : memref<40x128xi32, #tpu.memory_space<hbm>>) target(%arg6 : memref<40x128xi32, #tpu.memory_space<vmem>>) target_semaphore(%run_scoped3A_89 : memref<!tpu.dma_semaphore, #tpu.memory_space<semaphore_mem>>)
      %dma_wait3A = arith.constant 0 : i32
      %dma_wait3A_93 = tpu.memref_slice %arg2[%add3A_27, %dma_wait3A] : memref<2560x128xi32, #tpu.memory_space<hbm>> -> memref<40x128xi32, #tpu.memory_space<hbm>>
      %dma_wait3A_94 = arith.constant 0 : i32
      %dma_wait3A_95 = tpu.memref_slice %arg2[%add3A_27, %dma_wait3A_94] : memref<2560x128xi32, #tpu.memory_space<hbm>> -> memref<40x128xi32, #tpu.memory_space<hbm>>
      tpu.wait_dma2 semaphore(%run_scoped3A_89 : memref<!tpu.dma_semaphore, #tpu.memory_space<semaphore_mem>>) src(%dma_wait3A_95 : memref<40x128xi32, #tpu.memory_space<hbm>>) dst(%arg6 : memref<40x128xi32, #tpu.memory_space<vmem>>)
      tpu.yield
    }) : () -> ()
    %mul3A_28 = arith.constant 160 : i32
    %mul3A_29 = arith.muli %arg1, %mul3A_28 : i32
    %add3A_30 = arith.constant 40 : i32
    %add3A_31 = arith.addi %mul3A_29, %add3A_30 : i32
    "tpu.region"() ({
      %run_scoped3A_89 = tpu.sem_alloc : memref<!tpu.dma_semaphore, #tpu.memory_space<semaphore_mem>>
      %dma_start3A = arith.constant 0 : i32
      %dma_start3A_90 = tpu.memref_slice %arg3[%add3A_31, %dma_start3A] : memref<2560x128xi32, #tpu.memory_space<hbm>> -> memref<40x128xi32, #tpu.memory_space<hbm>>
      %dma_start3A_91 = arith.constant 0 : i32
      %dma_start3A_92 = tpu.memref_slice %arg3[%add3A_31, %dma_start3A_91] : memref<2560x128xi32, #tpu.memory_space<hbm>> -> memref<40x128xi32, #tpu.memory_space<hbm>>
      tpu.enqueue_dma source(%dma_start3A_92 : memref<40x128xi32, #tpu.memory_space<hbm>>) target(%arg7 : memref<40x128xi32, #tpu.memory_space<vmem>>) target_semaphore(%run_scoped3A_89 : memref<!tpu.dma_semaphore, #tpu.memory_space<semaphore_mem>>)
      %dma_wait3A = arith.constant 0 : i32
      %dma_wait3A_93 = tpu.memref_slice %arg3[%add3A_31, %dma_wait3A] : memref<2560x128xi32, #tpu.memory_space<hbm>> -> memref<40x128xi32, #tpu.memory_space<hbm>>
      %dma_wait3A_94 = arith.constant 0 : i32
      %dma_wait3A_95 = tpu.memref_slice %arg3[%add3A_31, %dma_wait3A_94] : memref<2560x128xi32, #tpu.memory_space<hbm>> -> memref<40x128xi32, #tpu.memory_space<hbm>>
      tpu.wait_dma2 semaphore(%run_scoped3A_89 : memref<!tpu.dma_semaphore, #tpu.memory_space<semaphore_mem>>) src(%dma_wait3A_95 : memref<40x128xi32, #tpu.memory_space<hbm>>) dst(%arg7 : memref<40x128xi32, #tpu.memory_space<vmem>>)
      tpu.yield
    }) : () -> ()
    %scan3A_32 = arith.constant 0 : i32
    %scan3A_33 = arith.constant 40 : i32
    %scan3A_34 = arith.addi %scan3A_32, %scan3A_33 : i32
    %scan3A_35 = arith.constant 1 : i32
    scf.for %scan3A_89 = %scan3A_32 to %scan3A_34 step %scan3A_35  : i32 {
      %mul3A_90 = arith.constant 1 : i32
      %mul3A_91 = arith.muli %scan3A_89, %mul3A_90 : i32
      %add3A_92 = arith.constant 0 : i32
      %add3A_93 = arith.addi %add3A_92, %mul3A_91 : i32
      %scan3A_94 = arith.constant 0 : i32
      %scan3A_95 = arith.constant 8 : i32
      %scan3A_96 = arith.addi %scan3A_94, %scan3A_95 : i32
      %scan3A_97 = arith.constant 1 : i32
      scf.for %scan3A_99 = %scan3A_94 to %scan3A_96 step %scan3A_97  : i32 {
        %mul3A_100 = arith.constant 16 : i32
        %mul3A_101 = arith.muli %scan3A_99, %mul3A_100 : i32
        %add3A_102 = arith.constant 0 : i32
        %add3A_103 = arith.addi %add3A_102, %mul3A_101 : i32
        %get3A = arith.index_cast %add3A_93 : i32 to index
        %get3A_104 = arith.index_cast %add3A_103 : i32 to index
        %get3A_105 = tpu.vector_load %arg6[%get3A, %get3A_104] {strides = array<i32>} : memref<40x128xi32, #tpu.memory_space<vmem>>, vector<1x16xi32>,
        %get3A_106 = vector.shape_cast %get3A_105 : vector<1x16xi32> to vector<16xi32>
        %add3A_107 = arith.addi %get3A_106, %broadcast_in_dim3A : vector<16xi32>
        %swap3A = arith.index_cast %add3A_93 : i32 to index
        %swap3A_108 = arith.index_cast %add3A_103 : i32 to index
        %swap3A_109 = tpu.vector_load %arg6[%swap3A, %swap3A_108] {strides = array<i32>} : memref<40x128xi32, #tpu.memory_space<vmem>>, vector<1x16xi32>,
        %swap3A_110 = vector.shape_cast %swap3A_109 : vector<1x16xi32> to vector<16xi32>
        %swap3A_111 = vector.shape_cast %add3A_107 : vector<16xi32> to vector<1x16xi32>
        tpu.vector_store %arg6[%swap3A, %swap3A_108], %swap3A_111 {strides = array<i32>} : memref<40x128xi32, #tpu.memory_space<vmem>>, vector<1x16xi32>,
      }
      %scan3A_98 = arith.constant 8 : i32
    }
    %scan3A_36 = arith.constant 40 : i32
    %run_scoped3A_37 = arith.constant 0 : i32
    "tpu.region"() ({
      %run_scoped3A_89 = tpu.sem_alloc : memref<!tpu.dma_semaphore, #tpu.memory_space<semaphore_mem>>
      %dma_start3A = arith.constant 0 : i32
      %dma_start3A_90 = tpu.memref_slice %arg6[%run_scoped3A_37, %dma_start3A] : memref<40x128xi32, #tpu.memory_space<vmem>> -> memref<1x128xi32, #tpu.memory_space<vmem>>
      %dma_start3A_91 = tpu.memref_squeeze %dma_start3A_90 : memref<1x128xi32, #tpu.memory_space<vmem>> -> memref<128xi32, #tpu.memory_space<vmem>>
      %dma_start3A_92 = arith.constant 0 : i32
      %dma_start3A_93 = arith.constant 0 : i32
      %dma_start3A_94 = tpu.memref_slice %arg4[%dma_start3A_92, %dma_start3A_93] : memref<20480x128xf32, #tpu.memory_space<hbm>> -> memref<20480x128xf32, #tpu.memory_space<hbm>>
      tpu.enqueue_indirect_dma source(%dma_start3A_94 : memref<20480x128xf32, #tpu.memory_space<hbm>>) target(%arg8 : memref<128x128xf32, #tpu.memory_space<vmem>>) offsets(%dma_start3A_91 : memref<128xi32, #tpu.memory_space<vmem>>) semaphore(%run_scoped3A_89 : memref<!tpu.dma_semaphore, #tpu.memory_space<semaphore_mem>>)
      %dma_wait3A = arith.constant 0 : i32
      %dma_wait3A_95 = tpu.memref_slice %arg6[%run_scoped3A_37, %dma_wait3A] : memref<40x128xi32, #tpu.memory_space<vmem>> -> memref<1x128xi32, #tpu.memory_space<vmem>>
      %dma_wait3A_96 = tpu.memref_squeeze %dma_wait3A_95 : memref<1x128xi32, #tpu.memory_space<vmem>> -> memref<128xi32, #tpu.memory_space<vmem>>
      %dma_wait3A_97 = arith.constant 0 : i32
      %dma_wait3A_98 = arith.constant 0 : i32
      %dma_wait3A_99 = tpu.memref_slice %arg4[%dma_wait3A_97, %dma_wait3A_98] : memref<20480x128xf32, #tpu.memory_space<hbm>> -> memref<20480x128xf32, #tpu.memory_space<hbm>>
      tpu.wait_indirect_dma semaphore(%run_scoped3A_89 : memref<!tpu.dma_semaphore, #tpu.memory_space<semaphore_mem>>) src(%dma_wait3A_99 : memref<20480x128xf32, #tpu.memory_space<hbm>>) dst(%arg8 : memref<128x128xf32, #tpu.memory_space<vmem>>)
      tpu.yield
    }) : () -> ()
    %scan3A_38 = arith.constant 0 : i32
    %scan3A_39 = arith.constant 20 : i32
    %scan3A_40 = arith.addi %scan3A_38, %scan3A_39 : i32
    %scan3A_41 = arith.constant 1 : i32
    scf.for %scan3A_89 = %scan3A_38 to %scan3A_40 step %scan3A_41  : i32 {
      %mul3A_90 = arith.constant 1 : i32
      %mul3A_91 = arith.muli %scan3A_89, %mul3A_90 : i32
      %add3A_92 = arith.constant 0 : i32
      %add3A_93 = arith.addi %add3A_92, %mul3A_91 : i32
      %mul3A_94 = arith.constant 2 : i32
      %mul3A_95 = arith.muli %mul3A_94, %add3A_93 : i32
      %add3A_96 = arith.constant 2 : i32
      %add3A_97 = arith.addi %mul3A_95, %add3A_96 : i32
      %min3A = arith.constant 39 : i32
      %min3A_98 = arith.minsi %add3A_97, %min3A : i32
      %add3A_99 = arith.constant 1 : i32
      %add3A_100 = arith.addi %mul3A_95, %add3A_99 : i32
      %dma_start3A = arith.constant 0 : i32
      %dma_start3A_101 = tpu.memref_slice %arg6[%add3A_100, %dma_start3A] : memref<40x128xi32, #tpu.memory_space<vmem>> -> memref<1x128xi32, #tpu.memory_space<vmem>>
      %dma_start3A_102 = tpu.memref_squeeze %dma_start3A_101 : memref<1x128xi32, #tpu.memory_space<vmem>> -> memref<128xi32, #tpu.memory_space<vmem>>
      %dma_start3A_103 = arith.constant 0 : i32
      %dma_start3A_104 = arith.constant 0 : i32
      %dma_start3A_105 = tpu.memref_slice %arg4[%dma_start3A_103, %dma_start3A_104] : memref<20480x128xf32, #tpu.memory_space<hbm>> -> memref<20480x128xf32, #tpu.memory_space<hbm>>
      tpu.enqueue_indirect_dma source(%dma_start3A_105 : memref<20480x128xf32, #tpu.memory_space<hbm>>) target(%arg9 : memref<128x128xf32, #tpu.memory_space<vmem>>) offsets(%dma_start3A_102 : memref<128xi32, #tpu.memory_space<vmem>>) semaphore(%arg10 : memref<!tpu.dma_semaphore, #tpu.memory_space<semaphore_mem>>)
      "tpu.region"() ({
        %run_scoped3A_125 = tpu.sem_alloc : memref<!tpu.dma_semaphore, #tpu.memory_space<semaphore_mem>>
        %dma_start3A_126 = arith.constant 0 : i32
        %dma_start3A_127 = tpu.memref_slice %arg7[%mul3A_95, %dma_start3A_126] : memref<40x128xi32, #tpu.memory_space<vmem>> -> memref<1x128xi32, #tpu.memory_space<vmem>>
        %dma_start3A_128 = tpu.memref_squeeze %dma_start3A_127 : memref<1x128xi32, #tpu.memory_space<vmem>> -> memref<128xi32, #tpu.memory_space<vmem>>
        %dma_start3A_129 = arith.constant 0 : i32
        %dma_start3A_130 = arith.constant 0 : i32
        %dma_start3A_131 = tpu.memref_slice %arg11[%dma_start3A_129, %dma_start3A_130] : memref<10240x128xf32, #tpu.memory_space<vmem_shared>> -> memref<10240x128xf32, #tpu.memory_space<vmem_shared>>
        tpu.enqueue_indirect_dma source(%arg8 : memref<128x128xf32, #tpu.memory_space<vmem>>) target(%dma_start3A_131 : memref<10240x128xf32, #tpu.memory_space<vmem_shared>>) offsets(%dma_start3A_128 : memref<128xi32, #tpu.memory_space<vmem>>) semaphore(%run_scoped3A_125 : memref<!tpu.dma_semaphore, #tpu.memory_space<semaphore_mem>>) {add = true}
        %dma_wait3A_132 = arith.constant 0 : i32
        %dma_wait3A_133 = tpu.memref_slice %arg7[%mul3A_95, %dma_wait3A_132] : memref<40x128xi32, #tpu.memory_space<vmem>> -> memref<1x128xi32, #tpu.memory_space<vmem>>
        %dma_wait3A_134 = tpu.memref_squeeze %dma_wait3A_133 : memref<1x128xi32, #tpu.memory_space<vmem>> -> memref<128xi32, #tpu.memory_space<vmem>>
        %dma_wait3A_135 = arith.constant 0 : i32
        %dma_wait3A_136 = arith.constant 0 : i32
        %dma_wait3A_137 = tpu.memref_slice %arg11[%dma_wait3A_135, %dma_wait3A_136] : memref<10240x128xf32, #tpu.memory_space<vmem_shared>> -> memref<10240x128xf32, #tpu.memory_space<vmem_shared>>
        tpu.wait_indirect_dma semaphore(%run_scoped3A_125 : memref<!tpu.dma_semaphore, #tpu.memory_space<semaphore_mem>>) src(%arg8 : memref<128x128xf32, #tpu.memory_space<vmem>>) dst(%dma_wait3A_137 : memref<10240x128xf32, #tpu.memory_space<vmem_shared>>)
        tpu.yield
      }) : () -> ()
      %dma_wait3A = arith.constant 0 : i32
      %dma_wait3A_106 = tpu.memref_slice %arg6[%add3A_100, %dma_wait3A] : memref<40x128xi32, #tpu.memory_space<vmem>> -> memref<1x128xi32, #tpu.memory_space<vmem>>
      %dma_wait3A_107 = tpu.memref_squeeze %dma_wait3A_106 : memref<1x128xi32, #tpu.memory_space<vmem>> -> memref<128xi32, #tpu.memory_space<vmem>>
      %dma_wait3A_108 = arith.constant 0 : i32
      %dma_wait3A_109 = arith.constant 0 : i32
      %dma_wait3A_110 = tpu.memref_slice %arg4[%dma_wait3A_108, %dma_wait3A_109] : memref<20480x128xf32, #tpu.memory_space<hbm>> -> memref<20480x128xf32, #tpu.memory_space<hbm>>
      tpu.wait_indirect_dma semaphore(%arg10 : memref<!tpu.dma_semaphore, #tpu.memory_space<semaphore_mem>>) src(%dma_wait3A_110 : memref<20480x128xf32, #tpu.memory_space<hbm>>) dst(%arg9 : memref<128x128xf32, #tpu.memory_space<vmem>>)
      %dma_start3A_111 = arith.constant 0 : i32
      %dma_start3A_112 = tpu.memref_slice %arg6[%min3A_98, %dma_start3A_111] : memref<40x128xi32, #tpu.memory_space<vmem>> -> memref<1x128xi32, #tpu.memory_space<vmem>>
      %dma_start3A_113 = tpu.memref_squeeze %dma_start3A_112 : memref<1x128xi32, #tpu.memory_space<vmem>> -> memref<128xi32, #tpu.memory_space<vmem>>
      %dma_start3A_114 = arith.constant 0 : i32
      %dma_start3A_115 = arith.constant 0 : i32
      %dma_start3A_116 = tpu.memref_slice %arg4[%dma_start3A_114, %dma_start3A_115] : memref<20480x128xf32, #tpu.memory_space<hbm>> -> memref<20480x128xf32, #tpu.memory_space<hbm>>
      tpu.enqueue_indirect_dma source(%dma_start3A_116 : memref<20480x128xf32, #tpu.memory_space<hbm>>) target(%arg8 : memref<128x128xf32, #tpu.memory_space<vmem>>) offsets(%dma_start3A_113 : memref<128xi32, #tpu.memory_space<vmem>>) semaphore(%arg10 : memref<!tpu.dma_semaphore, #tpu.memory_space<semaphore_mem>>)
      %add3A_117 = arith.constant 1 : i32
      %add3A_118 = arith.addi %mul3A_95, %add3A_117 : i32
      "tpu.region"() ({
        %run_scoped3A_125 = tpu.sem_alloc : memref<!tpu.dma_semaphore, #tpu.memory_space<semaphore_mem>>
        %dma_start3A_126 = arith.constant 0 : i32
        %dma_start3A_127 = tpu.memref_slice %arg7[%add3A_118, %dma_start3A_126] : memref<40x128xi32, #tpu.memory_space<vmem>> -> memref<1x128xi32, #tpu.memory_space<vmem>>
        %dma_start3A_128 = tpu.memref_squeeze %dma_start3A_127 : memref<1x128xi32, #tpu.memory_space<vmem>> -> memref<128xi32, #tpu.memory_space<vmem>>
        %dma_start3A_129 = arith.constant 0 : i32
        %dma_start3A_130 = arith.constant 0 : i32
        %dma_start3A_131 = tpu.memref_slice %arg11[%dma_start3A_129, %dma_start3A_130] : memref<10240x128xf32, #tpu.memory_space<vmem_shared>> -> memref<10240x128xf32, #tpu.memory_space<vmem_shared>>
        tpu.enqueue_indirect_dma source(%arg9 : memref<128x128xf32, #tpu.memory_space<vmem>>) target(%dma_start3A_131 : memref<10240x128xf32, #tpu.memory_space<vmem_shared>>) offsets(%dma_start3A_128 : memref<128xi32, #tpu.memory_space<vmem>>) semaphore(%run_scoped3A_125 : memref<!tpu.dma_semaphore, #tpu.memory_space<semaphore_mem>>) {add = true}
        %dma_wait3A_132 = arith.constant 0 : i32
        %dma_wait3A_133 = tpu.memref_slice %arg7[%add3A_118, %dma_wait3A_132] : memref<40x128xi32, #tpu.memory_space<vmem>> -> memref<1x128xi32, #tpu.memory_space<vmem>>
        %dma_wait3A_134 = tpu.memref_squeeze %dma_wait3A_133 : memref<1x128xi32, #tpu.memory_space<vmem>> -> memref<128xi32, #tpu.memory_space<vmem>>
        %dma_wait3A_135 = arith.constant 0 : i32
        %dma_wait3A_136 = arith.constant 0 : i32
        %dma_wait3A_137 = tpu.memref_slice %arg11[%dma_wait3A_135, %dma_wait3A_136] : memref<10240x128xf32, #tpu.memory_space<vmem_shared>> -> memref<10240x128xf32, #tpu.memory_space<vmem_shared>>
        tpu.wait_indirect_dma semaphore(%run_scoped3A_125 : memref<!tpu.dma_semaphore, #tpu.memory_space<semaphore_mem>>) src(%arg9 : memref<128x128xf32, #tpu.memory_space<vmem>>) dst(%dma_wait3A_137 : memref<10240x128xf32, #tpu.memory_space<vmem_shared>>)
        tpu.yield
      }) : () -> ()
      %dma_wait3A_119 = arith.constant 0 : i32
      %dma_wait3A_120 = tpu.memref_slice %arg6[%min3A_98, %dma_wait3A_119] : memref<40x128xi32, #tpu.memory_space<vmem>> -> memref<1x128xi32, #tpu.memory_space<vmem>>
      %dma_wait3A_121 = tpu.memref_squeeze %dma_wait3A_120 : memref<1x128xi32, #tpu.memory_space<vmem>> -> memref<128xi32, #tpu.memory_space<vmem>>
      %dma_wait3A_122 = arith.constant 0 : i32
      %dma_wait3A_123 = arith.constant 0 : i32
      %dma_wait3A_124 = tpu.memref_slice %arg4[%dma_wait3A_122, %dma_wait3A_123] : memref<20480x128xf32, #tpu.memory_space<hbm>> -> memref<20480x128xf32, #tpu.memory_space<hbm>>
      tpu.wait_indirect_dma semaphore(%arg10 : memref<!tpu.dma_semaphore, #tpu.memory_space<semaphore_mem>>) src(%dma_wait3A_124 : memref<20480x128xf32, #tpu.memory_space<hbm>>) dst(%arg8 : memref<128x128xf32, #tpu.memory_space<vmem>>)
    }
    %scan3A_42 = arith.constant 20 : i32
    %mul3A_43 = arith.constant 160 : i32
    %mul3A_44 = arith.muli %arg1, %mul3A_43 : i32
    %add3A_45 = arith.constant 80 : i32
    %add3A_46 = arith.addi %mul3A_44, %add3A_45 : i32
    "tpu.region"() ({
      %run_scoped3A_89 = tpu.sem_alloc : memref<!tpu.dma_semaphore, #tpu.memory_space<semaphore_mem>>
      %dma_start3A = arith.constant 0 : i32
      %dma_start3A_90 = tpu.memref_slice %arg2[%add3A_46, %dma_start3A] : memref<2560x128xi32, #tpu.memory_space<hbm>> -> memref<40x128xi32, #tpu.memory_space<hbm>>
      %dma_start3A_91 = arith.constant 0 : i32
      %dma_start3A_92 = tpu.memref_slice %arg2[%add3A_46, %dma_start3A_91] : memref<2560x128xi32, #tpu.memory_space<hbm>> -> memref<40x128xi32, #tpu.memory_space<hbm>>
      tpu.enqueue_dma source(%dma_start3A_92 : memref<40x128xi32, #tpu.memory_space<hbm>>) target(%arg6 : memref<40x128xi32, #tpu.memory_space<vmem>>) target_semaphore(%run_scoped3A_89 : memref<!tpu.dma_semaphore, #tpu.memory_space<semaphore_mem>>)
      %dma_wait3A = arith.constant 0 : i32
      %dma_wait3A_93 = tpu.memref_slice %arg2[%add3A_46, %dma_wait3A] : memref<2560x128xi32, #tpu.memory_space<hbm>> -> memref<40x128xi32, #tpu.memory_space<hbm>>
      %dma_wait3A_94 = arith.constant 0 : i32
      %dma_wait3A_95 = tpu.memref_slice %arg2[%add3A_46, %dma_wait3A_94] : memref<2560x128xi32, #tpu.memory_space<hbm>> -> memref<40x128xi32, #tpu.memory_space<hbm>>
      tpu.wait_dma2 semaphore(%run_scoped3A_89 : memref<!tpu.dma_semaphore, #tpu.memory_space<semaphore_mem>>) src(%dma_wait3A_95 : memref<40x128xi32, #tpu.memory_space<hbm>>) dst(%arg6 : memref<40x128xi32, #tpu.memory_space<vmem>>)
      tpu.yield
    }) : () -> ()
    %mul3A_47 = arith.constant 160 : i32
    %mul3A_48 = arith.muli %arg1, %mul3A_47 : i32
    %add3A_49 = arith.constant 80 : i32
    %add3A_50 = arith.addi %mul3A_48, %add3A_49 : i32
    "tpu.region"() ({
      %run_scoped3A_89 = tpu.sem_alloc : memref<!tpu.dma_semaphore, #tpu.memory_space<semaphore_mem>>
      %dma_start3A = arith.constant 0 : i32
      %dma_start3A_90 = tpu.memref_slice %arg3[%add3A_50, %dma_start3A] : memref<2560x128xi32, #tpu.memory_space<hbm>> -> memref<40x128xi32, #tpu.memory_space<hbm>>
      %dma_start3A_91 = arith.constant 0 : i32
      %dma_start3A_92 = tpu.memref_slice %arg3[%add3A_50, %dma_start3A_91] : memref<2560x128xi32, #tpu.memory_space<hbm>> -> memref<40x128xi32, #tpu.memory_space<hbm>>
      tpu.enqueue_dma source(%dma_start3A_92 : memref<40x128xi32, #tpu.memory_space<hbm>>) target(%arg7 : memref<40x128xi32, #tpu.memory_space<vmem>>) target_semaphore(%run_scoped3A_89 : memref<!tpu.dma_semaphore, #tpu.memory_space<semaphore_mem>>)
      %dma_wait3A = arith.constant 0 : i32
      %dma_wait3A_93 = tpu.memref_slice %arg3[%add3A_50, %dma_wait3A] : memref<2560x128xi32, #tpu.memory_space<hbm>> -> memref<40x128xi32, #tpu.memory_space<hbm>>
      %dma_wait3A_94 = arith.constant 0 : i32
      %dma_wait3A_95 = tpu.memref_slice %arg3[%add3A_50, %dma_wait3A_94] : memref<2560x128xi32, #tpu.memory_space<hbm>> -> memref<40x128xi32, #tpu.memory_space<hbm>>
      tpu.wait_dma2 semaphore(%run_scoped3A_89 : memref<!tpu.dma_semaphore, #tpu.memory_space<semaphore_mem>>) src(%dma_wait3A_95 : memref<40x128xi32, #tpu.memory_space<hbm>>) dst(%arg7 : memref<40x128xi32, #tpu.memory_space<vmem>>)
      tpu.yield
    }) : () -> ()
    %scan3A_51 = arith.constant 0 : i32
    %scan3A_52 = arith.constant 40 : i32
    %scan3A_53 = arith.addi %scan3A_51, %scan3A_52 : i32
    %scan3A_54 = arith.constant 1 : i32
    scf.for %scan3A_89 = %scan3A_51 to %scan3A_53 step %scan3A_54  : i32 {
      %mul3A_90 = arith.constant 1 : i32
      %mul3A_91 = arith.muli %scan3A_89, %mul3A_90 : i32
      %add3A_92 = arith.constant 0 : i32
      %add3A_93 = arith.addi %add3A_92, %mul3A_91 : i32
      %scan3A_94 = arith.constant 0 : i32
      %scan3A_95 = arith.constant 8 : i32
      %scan3A_96 = arith.addi %scan3A_94, %scan3A_95 : i32
      %scan3A_97 = arith.constant 1 : i32
      scf.for %scan3A_99 = %scan3A_94 to %scan3A_96 step %scan3A_97  : i32 {
        %mul3A_100 = arith.constant 16 : i32
        %mul3A_101 = arith.muli %scan3A_99, %mul3A_100 : i32
        %add3A_102 = arith.constant 0 : i32
        %add3A_103 = arith.addi %add3A_102, %mul3A_101 : i32
        %get3A = arith.index_cast %add3A_93 : i32 to index
        %get3A_104 = arith.index_cast %add3A_103 : i32 to index
        %get3A_105 = tpu.vector_load %arg6[%get3A, %get3A_104] {strides = array<i32>} : memref<40x128xi32, #tpu.memory_space<vmem>>, vector<1x16xi32>,
        %get3A_106 = vector.shape_cast %get3A_105 : vector<1x16xi32> to vector<16xi32>
        %add3A_107 = arith.addi %get3A_106, %broadcast_in_dim3A : vector<16xi32>
        %swap3A = arith.index_cast %add3A_93 : i32 to index
        %swap3A_108 = arith.index_cast %add3A_103 : i32 to index
        %swap3A_109 = tpu.vector_load %arg6[%swap3A, %swap3A_108] {strides = array<i32>} : memref<40x128xi32, #tpu.memory_space<vmem>>, vector<1x16xi32>,
        %swap3A_110 = vector.shape_cast %swap3A_109 : vector<1x16xi32> to vector<16xi32>
        %swap3A_111 = vector.shape_cast %add3A_107 : vector<16xi32> to vector<1x16xi32>
        tpu.vector_store %arg6[%swap3A, %swap3A_108], %swap3A_111 {strides = array<i32>} : memref<40x128xi32, #tpu.memory_space<vmem>>, vector<1x16xi32>,
      }
      %scan3A_98 = arith.constant 8 : i32
    }
    %scan3A_55 = arith.constant 40 : i32
    %run_scoped3A_56 = arith.constant 0 : i32
    "tpu.region"() ({
      %run_scoped3A_89 = tpu.sem_alloc : memref<!tpu.dma_semaphore, #tpu.memory_space<semaphore_mem>>
      %dma_start3A = arith.constant 0 : i32
      %dma_start3A_90 = tpu.memref_slice %arg6[%run_scoped3A_56, %dma_start3A] : memref<40x128xi32, #tpu.memory_space<vmem>> -> memref<1x128xi32, #tpu.memory_space<vmem>>
      %dma_start3A_91 = tpu.memref_squeeze %dma_start3A_90 : memref<1x128xi32, #tpu.memory_space<vmem>> -> memref<128xi32, #tpu.memory_space<vmem>>
      %dma_start3A_92 = arith.constant 0 : i32
      %dma_start3A_93 = arith.constant 0 : i32
      %dma_start3A_94 = tpu.memref_slice %arg4[%dma_start3A_92, %dma_start3A_93] : memref<20480x128xf32, #tpu.memory_space<hbm>> -> memref<20480x128xf32, #tpu.memory_space<hbm>>
      tpu.enqueue_indirect_dma source(%dma_start3A_94 : memref<20480x128xf32, #tpu.memory_space<hbm>>) target(%arg8 : memref<128x128xf32, #tpu.memory_space<vmem>>) offsets(%dma_start3A_91 : memref<128xi32, #tpu.memory_space<vmem>>) semaphore(%run_scoped3A_89 : memref<!tpu.dma_semaphore, #tpu.memory_space<semaphore_mem>>)
      %dma_wait3A = arith.constant 0 : i32
      %dma_wait3A_95 = tpu.memref_slice %arg6[%run_scoped3A_56, %dma_wait3A] : memref<40x128xi32, #tpu.memory_space<vmem>> -> memref<1x128xi32, #tpu.memory_space<vmem>>
      %dma_wait3A_96 = tpu.memref_squeeze %dma_wait3A_95 : memref<1x128xi32, #tpu.memory_space<vmem>> -> memref<128xi32, #tpu.memory_space<vmem>>
      %dma_wait3A_97 = arith.constant 0 : i32
      %dma_wait3A_98 = arith.constant 0 : i32
      %dma_wait3A_99 = tpu.memref_slice %arg4[%dma_wait3A_97, %dma_wait3A_98] : memref<20480x128xf32, #tpu.memory_space<hbm>> -> memref<20480x128xf32, #tpu.memory_space<hbm>>
      tpu.wait_indirect_dma semaphore(%run_scoped3A_89 : memref<!tpu.dma_semaphore, #tpu.memory_space<semaphore_mem>>) src(%dma_wait3A_99 : memref<20480x128xf32, #tpu.memory_space<hbm>>) dst(%arg8 : memref<128x128xf32, #tpu.memory_space<vmem>>)
      tpu.yield
    }) : () -> ()
    %scan3A_57 = arith.constant 0 : i32
    %scan3A_58 = arith.constant 20 : i32
    %scan3A_59 = arith.addi %scan3A_57, %scan3A_58 : i32
    %scan3A_60 = arith.constant 1 : i32
    scf.for %scan3A_89 = %scan3A_57 to %scan3A_59 step %scan3A_60  : i32 {
      %mul3A_90 = arith.constant 1 : i32
      %mul3A_91 = arith.muli %scan3A_89, %mul3A_90 : i32
      %add3A_92 = arith.constant 0 : i32
      %add3A_93 = arith.addi %add3A_92, %mul3A_91 : i32
      %mul3A_94 = arith.constant 2 : i32
      %mul3A_95 = arith.muli %mul3A_94, %add3A_93 : i32
      %add3A_96 = arith.constant 2 : i32
      %add3A_97 = arith.addi %mul3A_95, %add3A_96 : i32
      %min3A = arith.constant 39 : i32
      %min3A_98 = arith.minsi %add3A_97, %min3A : i32
      %add3A_99 = arith.constant 1 : i32
      %add3A_100 = arith.addi %mul3A_95, %add3A_99 : i32
      %dma_start3A = arith.constant 0 : i32
      %dma_start3A_101 = tpu.memref_slice %arg6[%add3A_100, %dma_start3A] : memref<40x128xi32, #tpu.memory_space<vmem>> -> memref<1x128xi32, #tpu.memory_space<vmem>>
      %dma_start3A_102 = tpu.memref_squeeze %dma_start3A_101 : memref<1x128xi32, #tpu.memory_space<vmem>> -> memref<128xi32, #tpu.memory_space<vmem>>
      %dma_start3A_103 = arith.constant 0 : i32
      %dma_start3A_104 = arith.constant 0 : i32
      %dma_start3A_105 = tpu.memref_slice %arg4[%dma_start3A_103, %dma_start3A_104] : memref<20480x128xf32, #tpu.memory_space<hbm>> -> memref<20480x128xf32, #tpu.memory_space<hbm>>
      tpu.enqueue_indirect_dma source(%dma_start3A_105 : memref<20480x128xf32, #tpu.memory_space<hbm>>) target(%arg9 : memref<128x128xf32, #tpu.memory_space<vmem>>) offsets(%dma_start3A_102 : memref<128xi32, #tpu.memory_space<vmem>>) semaphore(%arg10 : memref<!tpu.dma_semaphore, #tpu.memory_space<semaphore_mem>>)
      "tpu.region"() ({
        %run_scoped3A_125 = tpu.sem_alloc : memref<!tpu.dma_semaphore, #tpu.memory_space<semaphore_mem>>
        %dma_start3A_126 = arith.constant 0 : i32
        %dma_start3A_127 = tpu.memref_slice %arg7[%mul3A_95, %dma_start3A_126] : memref<40x128xi32, #tpu.memory_space<vmem>> -> memref<1x128xi32, #tpu.memory_space<vmem>>
        %dma_start3A_128 = tpu.memref_squeeze %dma_start3A_127 : memref<1x128xi32, #tpu.memory_space<vmem>> -> memref<128xi32, #tpu.memory_space<vmem>>
        %dma_start3A_129 = arith.constant 0 : i32
        %dma_start3A_130 = arith.constant 0 : i32
        %dma_start3A_131 = tpu.memref_slice %arg11[%dma_start3A_129, %dma_start3A_130] : memref<10240x128xf32, #tpu.memory_space<vmem_shared>> -> memref<10240x128xf32, #tpu.memory_space<vmem_shared>>
        tpu.enqueue_indirect_dma source(%arg8 : memref<128x128xf32, #tpu.memory_space<vmem>>) target(%dma_start3A_131 : memref<10240x128xf32, #tpu.memory_space<vmem_shared>>) offsets(%dma_start3A_128 : memref<128xi32, #tpu.memory_space<vmem>>) semaphore(%run_scoped3A_125 : memref<!tpu.dma_semaphore, #tpu.memory_space<semaphore_mem>>) {add = true}
        %dma_wait3A_132 = arith.constant 0 : i32
        %dma_wait3A_133 = tpu.memref_slice %arg7[%mul3A_95, %dma_wait3A_132] : memref<40x128xi32, #tpu.memory_space<vmem>> -> memref<1x128xi32, #tpu.memory_space<vmem>>
        %dma_wait3A_134 = tpu.memref_squeeze %dma_wait3A_133 : memref<1x128xi32, #tpu.memory_space<vmem>> -> memref<128xi32, #tpu.memory_space<vmem>>
        %dma_wait3A_135 = arith.constant 0 : i32
        %dma_wait3A_136 = arith.constant 0 : i32
        %dma_wait3A_137 = tpu.memref_slice %arg11[%dma_wait3A_135, %dma_wait3A_136] : memref<10240x128xf32, #tpu.memory_space<vmem_shared>> -> memref<10240x128xf32, #tpu.memory_space<vmem_shared>>
        tpu.wait_indirect_dma semaphore(%run_scoped3A_125 : memref<!tpu.dma_semaphore, #tpu.memory_space<semaphore_mem>>) src(%arg8 : memref<128x128xf32, #tpu.memory_space<vmem>>) dst(%dma_wait3A_137 : memref<10240x128xf32, #tpu.memory_space<vmem_shared>>)
        tpu.yield
      }) : () -> ()
      %dma_wait3A = arith.constant 0 : i32
      %dma_wait3A_106 = tpu.memref_slice %arg6[%add3A_100, %dma_wait3A] : memref<40x128xi32, #tpu.memory_space<vmem>> -> memref<1x128xi32, #tpu.memory_space<vmem>>
      %dma_wait3A_107 = tpu.memref_squeeze %dma_wait3A_106 : memref<1x128xi32, #tpu.memory_space<vmem>> -> memref<128xi32, #tpu.memory_space<vmem>>
      %dma_wait3A_108 = arith.constant 0 : i32
      %dma_wait3A_109 = arith.constant 0 : i32
      %dma_wait3A_110 = tpu.memref_slice %arg4[%dma_wait3A_108, %dma_wait3A_109] : memref<20480x128xf32, #tpu.memory_space<hbm>> -> memref<20480x128xf32, #tpu.memory_space<hbm>>
      tpu.wait_indirect_dma semaphore(%arg10 : memref<!tpu.dma_semaphore, #tpu.memory_space<semaphore_mem>>) src(%dma_wait3A_110 : memref<20480x128xf32, #tpu.memory_space<hbm>>) dst(%arg9 : memref<128x128xf32, #tpu.memory_space<vmem>>)
      %dma_start3A_111 = arith.constant 0 : i32
      %dma_start3A_112 = tpu.memref_slice %arg6[%min3A_98, %dma_start3A_111] : memref<40x128xi32, #tpu.memory_space<vmem>> -> memref<1x128xi32, #tpu.memory_space<vmem>>
      %dma_start3A_113 = tpu.memref_squeeze %dma_start3A_112 : memref<1x128xi32, #tpu.memory_space<vmem>> -> memref<128xi32, #tpu.memory_space<vmem>>
      %dma_start3A_114 = arith.constant 0 : i32
      %dma_start3A_115 = arith.constant 0 : i32
      %dma_start3A_116 = tpu.memref_slice %arg4[%dma_start3A_114, %dma_start3A_115] : memref<20480x128xf32, #tpu.memory_space<hbm>> -> memref<20480x128xf32, #tpu.memory_space<hbm>>
      tpu.enqueue_indirect_dma source(%dma_start3A_116 : memref<20480x128xf32, #tpu.memory_space<hbm>>) target(%arg8 : memref<128x128xf32, #tpu.memory_space<vmem>>) offsets(%dma_start3A_113 : memref<128xi32, #tpu.memory_space<vmem>>) semaphore(%arg10 : memref<!tpu.dma_semaphore, #tpu.memory_space<semaphore_mem>>)
      %add3A_117 = arith.constant 1 : i32
      %add3A_118 = arith.addi %mul3A_95, %add3A_117 : i32
      "tpu.region"() ({
        %run_scoped3A_125 = tpu.sem_alloc : memref<!tpu.dma_semaphore, #tpu.memory_space<semaphore_mem>>
        %dma_start3A_126 = arith.constant 0 : i32
        %dma_start3A_127 = tpu.memref_slice %arg7[%add3A_118, %dma_start3A_126] : memref<40x128xi32, #tpu.memory_space<vmem>> -> memref<1x128xi32, #tpu.memory_space<vmem>>
        %dma_start3A_128 = tpu.memref_squeeze %dma_start3A_127 : memref<1x128xi32, #tpu.memory_space<vmem>> -> memref<128xi32, #tpu.memory_space<vmem>>
        %dma_start3A_129 = arith.constant 0 : i32
        %dma_start3A_130 = arith.constant 0 : i32
        %dma_start3A_131 = tpu.memref_slice %arg11[%dma_start3A_129, %dma_start3A_130] : memref<10240x128xf32, #tpu.memory_space<vmem_shared>> -> memref<10240x128xf32, #tpu.memory_space<vmem_shared>>
        tpu.enqueue_indirect_dma source(%arg9 : memref<128x128xf32, #tpu.memory_space<vmem>>) target(%dma_start3A_131 : memref<10240x128xf32, #tpu.memory_space<vmem_shared>>) offsets(%dma_start3A_128 : memref<128xi32, #tpu.memory_space<vmem>>) semaphore(%run_scoped3A_125 : memref<!tpu.dma_semaphore, #tpu.memory_space<semaphore_mem>>) {add = true}
        %dma_wait3A_132 = arith.constant 0 : i32
        %dma_wait3A_133 = tpu.memref_slice %arg7[%add3A_118, %dma_wait3A_132] : memref<40x128xi32, #tpu.memory_space<vmem>> -> memref<1x128xi32, #tpu.memory_space<vmem>>
        %dma_wait3A_134 = tpu.memref_squeeze %dma_wait3A_133 : memref<1x128xi32, #tpu.memory_space<vmem>> -> memref<128xi32, #tpu.memory_space<vmem>>
        %dma_wait3A_135 = arith.constant 0 : i32
        %dma_wait3A_136 = arith.constant 0 : i32
        %dma_wait3A_137 = tpu.memref_slice %arg11[%dma_wait3A_135, %dma_wait3A_136] : memref<10240x128xf32, #tpu.memory_space<vmem_shared>> -> memref<10240x128xf32, #tpu.memory_space<vmem_shared>>
        tpu.wait_indirect_dma semaphore(%run_scoped3A_125 : memref<!tpu.dma_semaphore, #tpu.memory_space<semaphore_mem>>) src(%arg9 : memref<128x128xf32, #tpu.memory_space<vmem>>) dst(%dma_wait3A_137 : memref<10240x128xf32, #tpu.memory_space<vmem_shared>>)
        tpu.yield
      }) : () -> ()
      %dma_wait3A_119 = arith.constant 0 : i32
      %dma_wait3A_120 = tpu.memref_slice %arg6[%min3A_98, %dma_wait3A_119] : memref<40x128xi32, #tpu.memory_space<vmem>> -> memref<1x128xi32, #tpu.memory_space<vmem>>
      %dma_wait3A_121 = tpu.memref_squeeze %dma_wait3A_120 : memref<1x128xi32, #tpu.memory_space<vmem>> -> memref<128xi32, #tpu.memory_space<vmem>>
      %dma_wait3A_122 = arith.constant 0 : i32
      %dma_wait3A_123 = arith.constant 0 : i32
      %dma_wait3A_124 = tpu.memref_slice %arg4[%dma_wait3A_122, %dma_wait3A_123] : memref<20480x128xf32, #tpu.memory_space<hbm>> -> memref<20480x128xf32, #tpu.memory_space<hbm>>
      tpu.wait_indirect_dma semaphore(%arg10 : memref<!tpu.dma_semaphore, #tpu.memory_space<semaphore_mem>>) src(%dma_wait3A_124 : memref<20480x128xf32, #tpu.memory_space<hbm>>) dst(%arg8 : memref<128x128xf32, #tpu.memory_space<vmem>>)
    }
    %scan3A_61 = arith.constant 20 : i32
    %mul3A_62 = arith.constant 160 : i32
    %mul3A_63 = arith.muli %arg1, %mul3A_62 : i32
    %add3A_64 = arith.constant 120 : i32
    %add3A_65 = arith.addi %mul3A_63, %add3A_64 : i32
    "tpu.region"() ({
      %run_scoped3A_89 = tpu.sem_alloc : memref<!tpu.dma_semaphore, #tpu.memory_space<semaphore_mem>>
      %dma_start3A = arith.constant 0 : i32
      %dma_start3A_90 = tpu.memref_slice %arg2[%add3A_65, %dma_start3A] : memref<2560x128xi32, #tpu.memory_space<hbm>> -> memref<40x128xi32, #tpu.memory_space<hbm>>
      %dma_start3A_91 = arith.constant 0 : i32
      %dma_start3A_92 = tpu.memref_slice %arg2[%add3A_65, %dma_start3A_91] : memref<2560x128xi32, #tpu.memory_space<hbm>> -> memref<40x128xi32, #tpu.memory_space<hbm>>
      tpu.enqueue_dma source(%dma_start3A_92 : memref<40x128xi32, #tpu.memory_space<hbm>>) target(%arg6 : memref<40x128xi32, #tpu.memory_space<vmem>>) target_semaphore(%run_scoped3A_89 : memref<!tpu.dma_semaphore, #tpu.memory_space<semaphore_mem>>)
      %dma_wait3A = arith.constant 0 : i32
      %dma_wait3A_93 = tpu.memref_slice %arg2[%add3A_65, %dma_wait3A] : memref<2560x128xi32, #tpu.memory_space<hbm>> -> memref<40x128xi32, #tpu.memory_space<hbm>>
      %dma_wait3A_94 = arith.constant 0 : i32
      %dma_wait3A_95 = tpu.memref_slice %arg2[%add3A_65, %dma_wait3A_94] : memref<2560x128xi32, #tpu.memory_space<hbm>> -> memref<40x128xi32, #tpu.memory_space<hbm>>
      tpu.wait_dma2 semaphore(%run_scoped3A_89 : memref<!tpu.dma_semaphore, #tpu.memory_space<semaphore_mem>>) src(%dma_wait3A_95 : memref<40x128xi32, #tpu.memory_space<hbm>>) dst(%arg6 : memref<40x128xi32, #tpu.memory_space<vmem>>)
      tpu.yield
    }) : () -> ()
    %mul3A_66 = arith.constant 160 : i32
    %mul3A_67 = arith.muli %arg1, %mul3A_66 : i32
    %add3A_68 = arith.constant 120 : i32
    %add3A_69 = arith.addi %mul3A_67, %add3A_68 : i32
    "tpu.region"() ({
      %run_scoped3A_89 = tpu.sem_alloc : memref<!tpu.dma_semaphore, #tpu.memory_space<semaphore_mem>>
      %dma_start3A = arith.constant 0 : i32
      %dma_start3A_90 = tpu.memref_slice %arg3[%add3A_69, %dma_start3A] : memref<2560x128xi32, #tpu.memory_space<hbm>> -> memref<40x128xi32, #tpu.memory_space<hbm>>
      %dma_start3A_91 = arith.constant 0 : i32
      %dma_start3A_92 = tpu.memref_slice %arg3[%add3A_69, %dma_start3A_91] : memref<2560x128xi32, #tpu.memory_space<hbm>> -> memref<40x128xi32, #tpu.memory_space<hbm>>
      tpu.enqueue_dma source(%dma_start3A_92 : memref<40x128xi32, #tpu.memory_space<hbm>>) target(%arg7 : memref<40x128xi32, #tpu.memory_space<vmem>>) target_semaphore(%run_scoped3A_89 : memref<!tpu.dma_semaphore, #tpu.memory_space<semaphore_mem>>)
      %dma_wait3A = arith.constant 0 : i32
      %dma_wait3A_93 = tpu.memref_slice %arg3[%add3A_69, %dma_wait3A] : memref<2560x128xi32, #tpu.memory_space<hbm>> -> memref<40x128xi32, #tpu.memory_space<hbm>>
      %dma_wait3A_94 = arith.constant 0 : i32
      %dma_wait3A_95 = tpu.memref_slice %arg3[%add3A_69, %dma_wait3A_94] : memref<2560x128xi32, #tpu.memory_space<hbm>> -> memref<40x128xi32, #tpu.memory_space<hbm>>
      tpu.wait_dma2 semaphore(%run_scoped3A_89 : memref<!tpu.dma_semaphore, #tpu.memory_space<semaphore_mem>>) src(%dma_wait3A_95 : memref<40x128xi32, #tpu.memory_space<hbm>>) dst(%arg7 : memref<40x128xi32, #tpu.memory_space<vmem>>)
      tpu.yield
    }) : () -> ()
    %scan3A_70 = arith.constant 0 : i32
    %scan3A_71 = arith.constant 40 : i32
    %scan3A_72 = arith.addi %scan3A_70, %scan3A_71 : i32
    %scan3A_73 = arith.constant 1 : i32
    scf.for %scan3A_89 = %scan3A_70 to %scan3A_72 step %scan3A_73  : i32 {
      %mul3A_90 = arith.constant 1 : i32
      %mul3A_91 = arith.muli %scan3A_89, %mul3A_90 : i32
      %add3A_92 = arith.constant 0 : i32
      %add3A_93 = arith.addi %add3A_92, %mul3A_91 : i32
      %scan3A_94 = arith.constant 0 : i32
      %scan3A_95 = arith.constant 8 : i32
      %scan3A_96 = arith.addi %scan3A_94, %scan3A_95 : i32
      %scan3A_97 = arith.constant 1 : i32
      scf.for %scan3A_99 = %scan3A_94 to %scan3A_96 step %scan3A_97  : i32 {
        %mul3A_100 = arith.constant 16 : i32
        %mul3A_101 = arith.muli %scan3A_99, %mul3A_100 : i32
        %add3A_102 = arith.constant 0 : i32
        %add3A_103 = arith.addi %add3A_102, %mul3A_101 : i32
        %get3A = arith.index_cast %add3A_93 : i32 to index
        %get3A_104 = arith.index_cast %add3A_103 : i32 to index
        %get3A_105 = tpu.vector_load %arg6[%get3A, %get3A_104] {strides = array<i32>} : memref<40x128xi32, #tpu.memory_space<vmem>>, vector<1x16xi32>,
        %get3A_106 = vector.shape_cast %get3A_105 : vector<1x16xi32> to vector<16xi32>
        %add3A_107 = arith.addi %get3A_106, %broadcast_in_dim3A : vector<16xi32>
        %swap3A = arith.index_cast %add3A_93 : i32 to index
        %swap3A_108 = arith.index_cast %add3A_103 : i32 to index
        %swap3A_109 = tpu.vector_load %arg6[%swap3A, %swap3A_108] {strides = array<i32>} : memref<40x128xi32, #tpu.memory_space<vmem>>, vector<1x16xi32>,
        %swap3A_110 = vector.shape_cast %swap3A_109 : vector<1x16xi32> to vector<16xi32>
        %swap3A_111 = vector.shape_cast %add3A_107 : vector<16xi32> to vector<1x16xi32>
        tpu.vector_store %arg6[%swap3A, %swap3A_108], %swap3A_111 {strides = array<i32>} : memref<40x128xi32, #tpu.memory_space<vmem>>, vector<1x16xi32>,
      }
      %scan3A_98 = arith.constant 8 : i32
    }
    %scan3A_74 = arith.constant 40 : i32
    %run_scoped3A_75 = arith.constant 0 : i32
    "tpu.region"() ({
      %run_scoped3A_89 = tpu.sem_alloc : memref<!tpu.dma_semaphore, #tpu.memory_space<semaphore_mem>>
      %dma_start3A = arith.constant 0 : i32
      %dma_start3A_90 = tpu.memref_slice %arg6[%run_scoped3A_75, %dma_start3A] : memref<40x128xi32, #tpu.memory_space<vmem>> -> memref<1x128xi32, #tpu.memory_space<vmem>>
      %dma_start3A_91 = tpu.memref_squeeze %dma_start3A_90 : memref<1x128xi32, #tpu.memory_space<vmem>> -> memref<128xi32, #tpu.memory_space<vmem>>
      %dma_start3A_92 = arith.constant 0 : i32
      %dma_start3A_93 = arith.constant 0 : i32
      %dma_start3A_94 = tpu.memref_slice %arg4[%dma_start3A_92, %dma_start3A_93] : memref<20480x128xf32, #tpu.memory_space<hbm>> -> memref<20480x128xf32, #tpu.memory_space<hbm>>
      tpu.enqueue_indirect_dma source(%dma_start3A_94 : memref<20480x128xf32, #tpu.memory_space<hbm>>) target(%arg8 : memref<128x128xf32, #tpu.memory_space<vmem>>) offsets(%dma_start3A_91 : memref<128xi32, #tpu.memory_space<vmem>>) semaphore(%run_scoped3A_89 : memref<!tpu.dma_semaphore, #tpu.memory_space<semaphore_mem>>)
      %dma_wait3A = arith.constant 0 : i32
      %dma_wait3A_95 = tpu.memref_slice %arg6[%run_scoped3A_75, %dma_wait3A] : memref<40x128xi32, #tpu.memory_space<vmem>> -> memref<1x128xi32, #tpu.memory_space<vmem>>
      %dma_wait3A_96 = tpu.memref_squeeze %dma_wait3A_95 : memref<1x128xi32, #tpu.memory_space<vmem>> -> memref<128xi32, #tpu.memory_space<vmem>>
      %dma_wait3A_97 = arith.constant 0 : i32
      %dma_wait3A_98 = arith.constant 0 : i32
      %dma_wait3A_99 = tpu.memref_slice %arg4[%dma_wait3A_97, %dma_wait3A_98] : memref<20480x128xf32, #tpu.memory_space<hbm>> -> memref<20480x128xf32, #tpu.memory_space<hbm>>
      tpu.wait_indirect_dma semaphore(%run_scoped3A_89 : memref<!tpu.dma_semaphore, #tpu.memory_space<semaphore_mem>>) src(%dma_wait3A_99 : memref<20480x128xf32, #tpu.memory_space<hbm>>) dst(%arg8 : memref<128x128xf32, #tpu.memory_space<vmem>>)
      tpu.yield
    }) : () -> ()
    %scan3A_76 = arith.constant 0 : i32
    %scan3A_77 = arith.constant 20 : i32
    %scan3A_78 = arith.addi %scan3A_76, %scan3A_77 : i32
    %scan3A_79 = arith.constant 1 : i32
    scf.for %scan3A_89 = %scan3A_76 to %scan3A_78 step %scan3A_79  : i32 {
      %mul3A_90 = arith.constant 1 : i32
      %mul3A_91 = arith.muli %scan3A_89, %mul3A_90 : i32
      %add3A_92 = arith.constant 0 : i32
      %add3A_93 = arith.addi %add3A_92, %mul3A_91 : i32
      %mul3A_94 = arith.constant 2 : i32
      %mul3A_95 = arith.muli %mul3A_94, %add3A_93 : i32
      %add3A_96 = arith.constant 2 : i32
      %add3A_97 = arith.addi %mul3A_95, %add3A_96 : i32
      %min3A = arith.constant 39 : i32
      %min3A_98 = arith.minsi %add3A_97, %min3A : i32
      %add3A_99 = arith.constant 1 : i32
      %add3A_100 = arith.addi %mul3A_95, %add3A_99 : i32
      %dma_start3A = arith.constant 0 : i32
      %dma_start3A_101 = tpu.memref_slice %arg6[%add3A_100, %dma_start3A] : memref<40x128xi32, #tpu.memory_space<vmem>> -> memref<1x128xi32, #tpu.memory_space<vmem>>
      %dma_start3A_102 = tpu.memref_squeeze %dma_start3A_101 : memref<1x128xi32, #tpu.memory_space<vmem>> -> memref<128xi32, #tpu.memory_space<vmem>>
      %dma_start3A_103 = arith.constant 0 : i32
      %dma_start3A_104 = arith.constant 0 : i32
      %dma_start3A_105 = tpu.memref_slice %arg4[%dma_start3A_103, %dma_start3A_104] : memref<20480x128xf32, #tpu.memory_space<hbm>> -> memref<20480x128xf32, #tpu.memory_space<hbm>>
      tpu.enqueue_indirect_dma source(%dma_start3A_105 : memref<20480x128xf32, #tpu.memory_space<hbm>>) target(%arg9 : memref<128x128xf32, #tpu.memory_space<vmem>>) offsets(%dma_start3A_102 : memref<128xi32, #tpu.memory_space<vmem>>) semaphore(%arg10 : memref<!tpu.dma_semaphore, #tpu.memory_space<semaphore_mem>>)
      "tpu.region"() ({
        %run_scoped3A_125 = tpu.sem_alloc : memref<!tpu.dma_semaphore, #tpu.memory_space<semaphore_mem>>
        %dma_start3A_126 = arith.constant 0 : i32
        %dma_start3A_127 = tpu.memref_slice %arg7[%mul3A_95, %dma_start3A_126] : memref<40x128xi32, #tpu.memory_space<vmem>> -> memref<1x128xi32, #tpu.memory_space<vmem>>
        %dma_start3A_128 = tpu.memref_squeeze %dma_start3A_127 : memref<1x128xi32, #tpu.memory_space<vmem>> -> memref<128xi32, #tpu.memory_space<vmem>>
        %dma_start3A_129 = arith.constant 0 : i32
        %dma_start3A_130 = arith.constant 0 : i32
        %dma_start3A_131 = tpu.memref_slice %arg11[%dma_start3A_129, %dma_start3A_130] : memref<10240x128xf32, #tpu.memory_space<vmem_shared>> -> memref<10240x128xf32, #tpu.memory_space<vmem_shared>>
        tpu.enqueue_indirect_dma source(%arg8 : memref<128x128xf32, #tpu.memory_space<vmem>>) target(%dma_start3A_131 : memref<10240x128xf32, #tpu.memory_space<vmem_shared>>) offsets(%dma_start3A_128 : memref<128xi32, #tpu.memory_space<vmem>>) semaphore(%run_scoped3A_125 : memref<!tpu.dma_semaphore, #tpu.memory_space<semaphore_mem>>) {add = true}
        %dma_wait3A_132 = arith.constant 0 : i32
        %dma_wait3A_133 = tpu.memref_slice %arg7[%mul3A_95, %dma_wait3A_132] : memref<40x128xi32, #tpu.memory_space<vmem>> -> memref<1x128xi32, #tpu.memory_space<vmem>>
        %dma_wait3A_134 = tpu.memref_squeeze %dma_wait3A_133 : memref<1x128xi32, #tpu.memory_space<vmem>> -> memref<128xi32, #tpu.memory_space<vmem>>
        %dma_wait3A_135 = arith.constant 0 : i32
        %dma_wait3A_136 = arith.constant 0 : i32
        %dma_wait3A_137 = tpu.memref_slice %arg11[%dma_wait3A_135, %dma_wait3A_136] : memref<10240x128xf32, #tpu.memory_space<vmem_shared>> -> memref<10240x128xf32, #tpu.memory_space<vmem_shared>>
        tpu.wait_indirect_dma semaphore(%run_scoped3A_125 : memref<!tpu.dma_semaphore, #tpu.memory_space<semaphore_mem>>) src(%arg8 : memref<128x128xf32, #tpu.memory_space<vmem>>) dst(%dma_wait3A_137 : memref<10240x128xf32, #tpu.memory_space<vmem_shared>>)
        tpu.yield
      }) : () -> ()
      %dma_wait3A = arith.constant 0 : i32
      %dma_wait3A_106 = tpu.memref_slice %arg6[%add3A_100, %dma_wait3A] : memref<40x128xi32, #tpu.memory_space<vmem>> -> memref<1x128xi32, #tpu.memory_space<vmem>>
      %dma_wait3A_107 = tpu.memref_squeeze %dma_wait3A_106 : memref<1x128xi32, #tpu.memory_space<vmem>> -> memref<128xi32, #tpu.memory_space<vmem>>
      %dma_wait3A_108 = arith.constant 0 : i32
      %dma_wait3A_109 = arith.constant 0 : i32
      %dma_wait3A_110 = tpu.memref_slice %arg4[%dma_wait3A_108, %dma_wait3A_109] : memref<20480x128xf32, #tpu.memory_space<hbm>> -> memref<20480x128xf32, #tpu.memory_space<hbm>>
      tpu.wait_indirect_dma semaphore(%arg10 : memref<!tpu.dma_semaphore, #tpu.memory_space<semaphore_mem>>) src(%dma_wait3A_110 : memref<20480x128xf32, #tpu.memory_space<hbm>>) dst(%arg9 : memref<128x128xf32, #tpu.memory_space<vmem>>)
      %dma_start3A_111 = arith.constant 0 : i32
      %dma_start3A_112 = tpu.memref_slice %arg6[%min3A_98, %dma_start3A_111] : memref<40x128xi32, #tpu.memory_space<vmem>> -> memref<1x128xi32, #tpu.memory_space<vmem>>
      %dma_start3A_113 = tpu.memref_squeeze %dma_start3A_112 : memref<1x128xi32, #tpu.memory_space<vmem>> -> memref<128xi32, #tpu.memory_space<vmem>>
      %dma_start3A_114 = arith.constant 0 : i32
      %dma_start3A_115 = arith.constant 0 : i32
      %dma_start3A_116 = tpu.memref_slice %arg4[%dma_start3A_114, %dma_start3A_115] : memref<20480x128xf32, #tpu.memory_space<hbm>> -> memref<20480x128xf32, #tpu.memory_space<hbm>>
      tpu.enqueue_indirect_dma source(%dma_start3A_116 : memref<20480x128xf32, #tpu.memory_space<hbm>>) target(%arg8 : memref<128x128xf32, #tpu.memory_space<vmem>>) offsets(%dma_start3A_113 : memref<128xi32, #tpu.memory_space<vmem>>) semaphore(%arg10 : memref<!tpu.dma_semaphore, #tpu.memory_space<semaphore_mem>>)
      %add3A_117 = arith.constant 1 : i32
      %add3A_118 = arith.addi %mul3A_95, %add3A_117 : i32
      "tpu.region"() ({
        %run_scoped3A_125 = tpu.sem_alloc : memref<!tpu.dma_semaphore, #tpu.memory_space<semaphore_mem>>
        %dma_start3A_126 = arith.constant 0 : i32
        %dma_start3A_127 = tpu.memref_slice %arg7[%add3A_118, %dma_start3A_126] : memref<40x128xi32, #tpu.memory_space<vmem>> -> memref<1x128xi32, #tpu.memory_space<vmem>>
        %dma_start3A_128 = tpu.memref_squeeze %dma_start3A_127 : memref<1x128xi32, #tpu.memory_space<vmem>> -> memref<128xi32, #tpu.memory_space<vmem>>
        %dma_start3A_129 = arith.constant 0 : i32
        %dma_start3A_130 = arith.constant 0 : i32
        %dma_start3A_131 = tpu.memref_slice %arg11[%dma_start3A_129, %dma_start3A_130] : memref<10240x128xf32, #tpu.memory_space<vmem_shared>> -> memref<10240x128xf32, #tpu.memory_space<vmem_shared>>
        tpu.enqueue_indirect_dma source(%arg9 : memref<128x128xf32, #tpu.memory_space<vmem>>) target(%dma_start3A_131 : memref<10240x128xf32, #tpu.memory_space<vmem_shared>>) offsets(%dma_start3A_128 : memref<128xi32, #tpu.memory_space<vmem>>) semaphore(%run_scoped3A_125 : memref<!tpu.dma_semaphore, #tpu.memory_space<semaphore_mem>>) {add = true}
        %dma_wait3A_132 = arith.constant 0 : i32
        %dma_wait3A_133 = tpu.memref_slice %arg7[%add3A_118, %dma_wait3A_132] : memref<40x128xi32, #tpu.memory_space<vmem>> -> memref<1x128xi32, #tpu.memory_space<vmem>>
        %dma_wait3A_134 = tpu.memref_squeeze %dma_wait3A_133 : memref<1x128xi32, #tpu.memory_space<vmem>> -> memref<128xi32, #tpu.memory_space<vmem>>
        %dma_wait3A_135 = arith.constant 0 : i32
        %dma_wait3A_136 = arith.constant 0 : i32
        %dma_wait3A_137 = tpu.memref_slice %arg11[%dma_wait3A_135, %dma_wait3A_136] : memref<10240x128xf32, #tpu.memory_space<vmem_shared>> -> memref<10240x128xf32, #tpu.memory_space<vmem_shared>>
        tpu.wait_indirect_dma semaphore(%run_scoped3A_125 : memref<!tpu.dma_semaphore, #tpu.memory_space<semaphore_mem>>) src(%arg9 : memref<128x128xf32, #tpu.memory_space<vmem>>) dst(%dma_wait3A_137 : memref<10240x128xf32, #tpu.memory_space<vmem_shared>>)
        tpu.yield
      }) : () -> ()
      %dma_wait3A_119 = arith.constant 0 : i32
      %dma_wait3A_120 = tpu.memref_slice %arg6[%min3A_98, %dma_wait3A_119] : memref<40x128xi32, #tpu.memory_space<vmem>> -> memref<1x128xi32, #tpu.memory_space<vmem>>
      %dma_wait3A_121 = tpu.memref_squeeze %dma_wait3A_120 : memref<1x128xi32, #tpu.memory_space<vmem>> -> memref<128xi32, #tpu.memory_space<vmem>>
      %dma_wait3A_122 = arith.constant 0 : i32
      %dma_wait3A_123 = arith.constant 0 : i32
      %dma_wait3A_124 = tpu.memref_slice %arg4[%dma_wait3A_122, %dma_wait3A_123] : memref<20480x128xf32, #tpu.memory_space<hbm>> -> memref<20480x128xf32, #tpu.memory_space<hbm>>
      tpu.wait_indirect_dma semaphore(%arg10 : memref<!tpu.dma_semaphore, #tpu.memory_space<semaphore_mem>>) src(%dma_wait3A_124 : memref<20480x128xf32, #tpu.memory_space<hbm>>) dst(%arg8 : memref<128x128xf32, #tpu.memory_space<vmem>>)
    }
    %scan3A_80 = arith.constant 20 : i32
    %barrier3A_81 = arith.constant 0 : index
    tpu.barrier barrier_id(%barrier3A_81)
    %mul3A_82 = arith.constant 640 : i32
    %mul3A_83 = arith.muli %arg1, %mul3A_82 : i32
    %mul3A_84 = arith.constant 10240 : i32
    %mul3A_85 = arith.muli %arg0, %mul3A_84 : i32
    %mul3A_86 = arith.constant 640 : i32
    %mul3A_87 = arith.muli %arg1, %mul3A_86 : i32
    %add3A_88 = arith.addi %mul3A_85, %mul3A_87 : i32
    "tpu.region"() ({
      %run_scoped3A_89 = tpu.sem_alloc : memref<!tpu.dma_semaphore, #tpu.memory_space<semaphore_mem>>
      %dma_start3A = arith.constant 0 : i32
      %dma_start3A_90 = tpu.memref_slice %arg5[%add3A_88, %dma_start3A] : memref<20480x128xf32, #tpu.memory_space<hbm>> -> memref<640x128xf32, #tpu.memory_space<hbm>>
      %dma_start3A_91 = arith.constant 0 : i32
      %dma_start3A_92 = tpu.memref_slice %arg11[%mul3A_83, %dma_start3A_91] : memref<10240x128xf32, #tpu.memory_space<vmem_shared>> -> memref<640x128xf32, #tpu.memory_space<vmem_shared>>
      tpu.enqueue_dma source(%dma_start3A_92 : memref<640x128xf32, #tpu.memory_space<vmem_shared>>) target(%dma_start3A_90 : memref<640x128xf32, #tpu.memory_space<hbm>>) target_semaphore(%run_scoped3A_89 : memref<!tpu.dma_semaphore, #tpu.memory_space<semaphore_mem>>)
      %dma_wait3A = arith.constant 0 : i32
      %dma_wait3A_93 = tpu.memref_slice %arg5[%add3A_88, %dma_wait3A] : memref<20480x128xf32, #tpu.memory_space<hbm>> -> memref<640x128xf32, #tpu.memory_space<hbm>>
      %dma_wait3A_94 = arith.constant 0 : i32
      %dma_wait3A_95 = tpu.memref_slice %arg11[%mul3A_83, %dma_wait3A_94] : memref<10240x128xf32, #tpu.memory_space<vmem_shared>> -> memref<640x128xf32, #tpu.memory_space<vmem_shared>>
      tpu.wait_dma2 semaphore(%run_scoped3A_89 : memref<!tpu.dma_semaphore, #tpu.memory_space<semaphore_mem>>) src(%dma_wait3A_95 : memref<640x128xf32, #tpu.memory_space<vmem_shared>>) dst(%dma_wait3A_93 : memref<640x128xf32, #tpu.memory_space<hbm>>)
      tpu.yield
    }) : () -> ()
    return
  }
}

module attributes {stable_mosaic.version = 14 : i64} {
  func.func @_mm1_body(%arg0: i32, %arg1: memref<2x2048x128xf32, #tpu.memory_space<vmem>>, %arg2: memref<128x256xf32, #tpu.memory_space<vmem>>, %arg3: memref<2048x1xf32, #tpu.memory_space<vmem>>, %arg4: memref<1x256xf32, #tpu.memory_space<vmem>>, %arg5: memref<2x2048x128xf32, #tpu.memory_space<vmem>>) attributes {dimension_semantics = [#tpu.dimension_semantics<arbitrary>], iteration_bounds = array<i64: 5>, scalar_prefetch = 0 : i64, scratch_operands = 0 : i64, tpu.core_type = #tpu.core_type<tc>, window_params = [{transform_indices = @transform_0, window_bounds = array<i64: 2, 2048, 128>}, {pipeline_mode = #tpu.pipeline_mode<synchronous>, transform_indices = @transform_1, window_bounds = array<i64: 128, 256>}, {transform_indices = @transform_2, window_bounds = array<i64: 2048, 1>}, {pipeline_mode = #tpu.pipeline_mode<synchronous>, transform_indices = @transform_3, window_bounds = array<i64: 1, 256>}, {transform_indices = @transform_4, window_bounds = array<i64: 2, 2048, 128>}]} {
    %get3A = arith.constant 0 : index
    %get3A_0 = arith.constant 0 : index
    %get3A_1 = arith.constant 0 : index
    %get3A_2 = vector.load %arg1[%get3A, %get3A_0, %get3A_1] : memref<2x2048x128xf32, #tpu.memory_space<vmem>>, vector<1x2048x128xf32>
    %get3A_3 = vector.shape_cast %get3A_2 : vector<1x2048x128xf32> to vector<2048x128xf32>
    %get3A_4 = arith.constant 1 : index
    %get3A_5 = arith.constant 0 : index
    %get3A_6 = arith.constant 0 : index
    %get3A_7 = vector.load %arg1[%get3A_4, %get3A_5, %get3A_6] : memref<2x2048x128xf32, #tpu.memory_space<vmem>>, vector<1x2048x128xf32>
    %get3A_8 = vector.shape_cast %get3A_7 : vector<1x2048x128xf32> to vector<2048x128xf32>
    %add3A = arith.addf %get3A_3, %get3A_8 : vector<2048x128xf32>
    %convert_element_type3A = arith.truncf %add3A : vector<2048x128xf32> to vector<2048x128xbf16>
    %get3A_9 = arith.constant 0 : index
    %get3A_10 = arith.constant 0 : index
    %get3A_11 = vector.load %arg2[%get3A_9, %get3A_10] : memref<128x256xf32, #tpu.memory_space<vmem>>, vector<128x256xf32>
    %convert_element_type3A_12 = arith.truncf %get3A_11 : vector<128x256xf32> to vector<128x256xbf16>
    %dot_general3A = arith.constant dense<0.000000e+00> : vector<2048x256xf32>
    %dot_general3A_13 = tpu.matmul %convert_element_type3A, %convert_element_type3A_12, %dot_general3A {dimension_numbers = #tpu.dot_dimension_numbers<[1], [0], [0], [1], [0, 0, 1, 1], [], []>, transpose_lhs_hint = false} : vector<2048x128xbf16>, vector<128x256xbf16>, vector<2048x256xf32> -> vector<2048x256xf32>
    %get3A_14 = arith.constant 0 : index
    %get3A_15 = arith.constant 0 : index
    %get3A_16 = vector.load %arg3[%get3A_14, %get3A_15] : memref<2048x1xf32, #tpu.memory_space<vmem>>, vector<2048x1xf32>
    %mul3A = vector.broadcast %get3A_16 : vector<2048x1xf32> to vector<2048x256xf32>
    %mul3A_17 = arith.mulf %dot_general3A_13, %mul3A : vector<2048x256xf32>
    %get3A_18 = arith.constant 0 : index
    %get3A_19 = arith.constant 0 : index
    %get3A_20 = vector.load %arg4[%get3A_18, %get3A_19] : memref<1x256xf32, #tpu.memory_space<vmem>>, vector<1x256xf32>
    %add3A_21 = vector.broadcast %get3A_20 : vector<1x256xf32> to vector<2048x256xf32>
    %add3A_22 = arith.addf %mul3A_17, %add3A_21 : vector<2048x256xf32>
    %max3A = arith.constant 0.000000e+00 : f32
    %max3A_23 = vector.broadcast %max3A : f32 to vector<2048x256xf32>
    %max3A_24 = arith.maximumf %add3A_22, %max3A_23 : vector<2048x256xf32>
    %mul3A_25 = vector.broadcast %get3A_16 : vector<2048x1xf32> to vector<2048x256xf32>
    %mul3A_26 = arith.mulf %max3A_24, %mul3A_25 : vector<2048x256xf32>
    %slice3A = vector.extract_strided_slice %mul3A_26 {offsets = [0, 0], sizes = [2048, 128], strides = [1, 1]} : vector<2048x256xf32> to vector<2048x128xf32>
    %swap3A = arith.constant 0 : index
    %swap3A_27 = arith.constant 0 : index
    %swap3A_28 = arith.constant 0 : index
    %swap3A_29 = vector.load %arg5[%swap3A, %swap3A_27, %swap3A_28] : memref<2x2048x128xf32, #tpu.memory_space<vmem>>, vector<1x2048x128xf32>
    %swap3A_30 = vector.shape_cast %swap3A_29 : vector<1x2048x128xf32> to vector<2048x128xf32>
    %swap3A_31 = vector.shape_cast %slice3A : vector<2048x128xf32> to vector<1x2048x128xf32>
    tpu.vector_store %arg5[%swap3A, %swap3A_27, %swap3A_28], %swap3A_31 {strides = array<i32>} : memref<2x2048x128xf32, #tpu.memory_space<vmem>>, vector<1x2048x128xf32>,
    %slice3A_32 = vector.extract_strided_slice %mul3A_26 {offsets = [0, 128], sizes = [2048, 128], strides = [1, 1]} : vector<2048x256xf32> to vector<2048x128xf32>
    %swap3A_33 = arith.constant 1 : index
    %swap3A_34 = arith.constant 0 : index
    %swap3A_35 = arith.constant 0 : index
    %swap3A_36 = vector.load %arg5[%swap3A_33, %swap3A_34, %swap3A_35] : memref<2x2048x128xf32, #tpu.memory_space<vmem>>, vector<1x2048x128xf32>
    %swap3A_37 = vector.shape_cast %swap3A_36 : vector<1x2048x128xf32> to vector<2048x128xf32>
    %swap3A_38 = vector.shape_cast %slice3A_32 : vector<2048x128xf32> to vector<1x2048x128xf32>
    tpu.vector_store %arg5[%swap3A_33, %swap3A_34, %swap3A_35], %swap3A_38 {strides = array<i32>} : memref<2x2048x128xf32, #tpu.memory_space<vmem>>, vector<1x2048x128xf32>,
    return
  }
  func.func @transform_0(%arg0: i32) -> (i32, i32, i32) {
    %c0_i32 = arith.constant 0 : i32
    %c0_i32_0 = arith.constant 0 : i32
    %c0_i32_1 = arith.constant 0 : i32
    return %c0_i32, %arg0, %c0_i32_0 : i32, i32, i32
  }
  func.func @transform_1(%arg0: i32) -> (i32, i32) {
    %c0_i32 = arith.constant 0 : i32
    %c0_i32_0 = arith.constant 0 : i32
    %c0_i32_1 = arith.constant 0 : i32
    return %c0_i32, %c0_i32_0 : i32, i32
  }
  func.func @transform_2(%arg0: i32) -> (i32, i32) {
    %c0_i32 = arith.constant 0 : i32
    %c0_i32_0 = arith.constant 0 : i32
    return %arg0, %c0_i32 : i32, i32
  }
  func.func @transform_3(%arg0: i32) -> (i32, i32) {
    %c0_i32 = arith.constant 0 : i32
    %c0_i32_0 = arith.constant 0 : i32
    %c0_i32_1 = arith.constant 0 : i32
    return %c0_i32, %c0_i32_0 : i32, i32
  }
  func.func @transform_4(%arg0: i32) -> (i32, i32, i32) {
    %c0_i32 = arith.constant 0 : i32
    %c0_i32_0 = arith.constant 0 : i32
    %c0_i32_1 = arith.constant 0 : i32
    return %c0_i32, %arg0, %c0_i32_0 : i32, i32, i32
  }
}

module attributes {stable_mosaic.version = 14 : i64} {
  func.func @_mm2_body(%arg0: i32, %arg1: memref<2x2000x128xf32, #tpu.memory_space<vmem>>, %arg2: memref<2x128x1024xf32, #tpu.memory_space<vmem>>, %arg3: memref<2000x1xf32, #tpu.memory_space<vmem>>, %arg4: memref<1x1024xf32, #tpu.memory_space<vmem>>, %arg5: memref<2000x1024xf32, #tpu.memory_space<vmem>>) attributes {dimension_semantics = [#tpu.dimension_semantics<arbitrary>], iteration_bounds = array<i64: 5>, scalar_prefetch = 0 : i64, scratch_operands = 0 : i64, tpu.core_type = #tpu.core_type<tc>, window_params = [{transform_indices = @transform_0, window_bounds = array<i64: 2, 2000, 128>}, {pipeline_mode = #tpu.pipeline_mode<synchronous>, transform_indices = @transform_1, window_bounds = array<i64: 2, 128, 1024>}, {transform_indices = @transform_2, window_bounds = array<i64: 2000, 1>}, {pipeline_mode = #tpu.pipeline_mode<synchronous>, transform_indices = @transform_3, window_bounds = array<i64: 1, 1024>}, {transform_indices = @transform_4, window_bounds = array<i64: 2000, 1024>}]} {
    %get3A = arith.constant 0 : index
    %get3A_0 = arith.constant 0 : index
    %get3A_1 = arith.constant 0 : index
    %get3A_2 = vector.load %arg1[%get3A, %get3A_0, %get3A_1] : memref<2x2000x128xf32, #tpu.memory_space<vmem>>, vector<1x2000x128xf32>
    %get3A_3 = vector.shape_cast %get3A_2 : vector<1x2000x128xf32> to vector<2000x128xf32>
    %convert_element_type3A = arith.truncf %get3A_3 : vector<2000x128xf32> to vector<2000x128xbf16>
    %get3A_4 = arith.constant 0 : index
    %get3A_5 = arith.constant 0 : index
    %get3A_6 = arith.constant 0 : index
    %get3A_7 = vector.load %arg2[%get3A_4, %get3A_5, %get3A_6] : memref<2x128x1024xf32, #tpu.memory_space<vmem>>, vector<1x128x1024xf32>
    %get3A_8 = vector.shape_cast %get3A_7 : vector<1x128x1024xf32> to vector<128x1024xf32>
    %convert_element_type3A_9 = arith.truncf %get3A_8 : vector<128x1024xf32> to vector<128x1024xbf16>
    %dot_general3A = arith.constant dense<0.000000e+00> : vector<2000x1024xf32>
    %dot_general3A_10 = tpu.matmul %convert_element_type3A, %convert_element_type3A_9, %dot_general3A {dimension_numbers = #tpu.dot_dimension_numbers<[1], [0], [0], [1], [0, 0, 1, 1], [], []>, transpose_lhs_hint = false} : vector<2000x128xbf16>, vector<128x1024xbf16>, vector<2000x1024xf32> -> vector<2000x1024xf32>
    %get3A_11 = arith.constant 1 : index
    %get3A_12 = arith.constant 0 : index
    %get3A_13 = arith.constant 0 : index
    %get3A_14 = vector.load %arg1[%get3A_11, %get3A_12, %get3A_13] : memref<2x2000x128xf32, #tpu.memory_space<vmem>>, vector<1x2000x128xf32>
    %get3A_15 = vector.shape_cast %get3A_14 : vector<1x2000x128xf32> to vector<2000x128xf32>
    %convert_element_type3A_16 = arith.truncf %get3A_15 : vector<2000x128xf32> to vector<2000x128xbf16>
    %get3A_17 = arith.constant 1 : index
    %get3A_18 = arith.constant 0 : index
    %get3A_19 = arith.constant 0 : index
    %get3A_20 = vector.load %arg2[%get3A_17, %get3A_18, %get3A_19] : memref<2x128x1024xf32, #tpu.memory_space<vmem>>, vector<1x128x1024xf32>
    %get3A_21 = vector.shape_cast %get3A_20 : vector<1x128x1024xf32> to vector<128x1024xf32>
    %convert_element_type3A_22 = arith.truncf %get3A_21 : vector<128x1024xf32> to vector<128x1024xbf16>
    %dot_general3A_23 = arith.constant dense<0.000000e+00> : vector<2000x1024xf32>
    %dot_general3A_24 = tpu.matmul %convert_element_type3A_16, %convert_element_type3A_22, %dot_general3A_23 {dimension_numbers = #tpu.dot_dimension_numbers<[1], [0], [0], [1], [0, 0, 1, 1], [], []>, transpose_lhs_hint = false} : vector<2000x128xbf16>, vector<128x1024xbf16>, vector<2000x1024xf32> -> vector<2000x1024xf32>
    %add3A = arith.addf %dot_general3A_10, %dot_general3A_24 : vector<2000x1024xf32>
    %get3A_25 = arith.constant 0 : index
    %get3A_26 = arith.constant 0 : index
    %get3A_27 = vector.load %arg3[%get3A_25, %get3A_26] : memref<2000x1xf32, #tpu.memory_space<vmem>>, vector<2000x1xf32>
    %mul3A = vector.broadcast %get3A_27 : vector<2000x1xf32> to vector<2000x1024xf32>
    %mul3A_28 = arith.mulf %add3A, %mul3A : vector<2000x1024xf32>
    %get3A_29 = arith.constant 0 : index
    %get3A_30 = arith.constant 0 : index
    %get3A_31 = vector.load %arg4[%get3A_29, %get3A_30] : memref<1x1024xf32, #tpu.memory_space<vmem>>, vector<1x1024xf32>
    %add3A_32 = vector.broadcast %get3A_31 : vector<1x1024xf32> to vector<2000x1024xf32>
    %add3A_33 = arith.addf %mul3A_28, %add3A_32 : vector<2000x1024xf32>
    %max3A = arith.constant 0.000000e+00 : f32
    %max3A_34 = vector.broadcast %max3A : f32 to vector<2000x1024xf32>
    %max3A_35 = arith.maximumf %add3A_33, %max3A_34 : vector<2000x1024xf32>
    %swap3A = arith.constant 0 : index
    %swap3A_36 = arith.constant 0 : index
    %swap3A_37 = vector.load %arg5[%swap3A, %swap3A_36] : memref<2000x1024xf32, #tpu.memory_space<vmem>>, vector<2000x1024xf32>
    tpu.vector_store %arg5[%swap3A, %swap3A_36], %max3A_35 {strides = array<i32>} : memref<2000x1024xf32, #tpu.memory_space<vmem>>, vector<2000x1024xf32>,
    return
  }
  func.func @transform_0(%arg0: i32) -> (i32, i32, i32) {
    %c0_i32 = arith.constant 0 : i32
    %c0_i32_0 = arith.constant 0 : i32
    %c0_i32_1 = arith.constant 0 : i32
    return %c0_i32, %arg0, %c0_i32_0 : i32, i32, i32
  }
  func.func @transform_1(%arg0: i32) -> (i32, i32, i32) {
    %c0_i32 = arith.constant 0 : i32
    %c0_i32_0 = arith.constant 0 : i32
    %c0_i32_1 = arith.constant 0 : i32
    %c0_i32_2 = arith.constant 0 : i32
    return %c0_i32, %c0_i32_0, %c0_i32_1 : i32, i32, i32
  }
  func.func @transform_2(%arg0: i32) -> (i32, i32) {
    %c0_i32 = arith.constant 0 : i32
    %c0_i32_0 = arith.constant 0 : i32
    return %arg0, %c0_i32 : i32, i32
  }
  func.func @transform_3(%arg0: i32) -> (i32, i32) {
    %c0_i32 = arith.constant 0 : i32
    %c0_i32_0 = arith.constant 0 : i32
    %c0_i32_1 = arith.constant 0 : i32
    return %c0_i32, %c0_i32_0 : i32, i32
  }
  func.func @transform_4(%arg0: i32) -> (i32, i32) {
    %c0_i32 = arith.constant 0 : i32
    %c0_i32_0 = arith.constant 0 : i32
    return %arg0, %c0_i32 : i32, i32
  }
}

</mosaic_0001>

<sc_bundles>
// kernel: kernel.10.cloned.1.call-start
scs
__scs_entry_jumppad:
0x0: {  	(pc) =	sbr.rel $0x88, $3  }
0x1: {  	(tag) =	ssettag $0x0;
	lr =	simm.s32 $0x1  }
0x2: {  	[smem:$0x3F9B] =	sst lr;
	_ =	strace $0xD0000000  }
0x3: {  	_ = 	snop  }
0x4: {  	_ = 	snop  }
0x5: {  	_ = 	snop  }
0x6: {  	_ = 	snop  }
0x7: {  	_ = 	snop  }
__scs_overlays_trampoline_lowered:
0x8: {  	[smem:$0x3FAA] =	sst s0  }
0x9: {  	[smem:$0x3FAB] =	sst s1  }
0xa: {  	[smem:$0x3FAC] =	sst s2  }
0xb: {  	[smem:$0x3FAD] =	sst s3  }
0xc: {  	[smem:$0x3FAE] =	sst s4  }
0xd: {  	[smem:$0x3FAF] =	sst s5  }
0xe: {  	[smem:$0x3FB0] =	sst s6  }
0xf: {  	[smem:$0x3FB1] =	sst s7  }
0x10: {  	[smem:$0x3FB2] =	sst s8  }
0x11: {  	[smem:$0x3FB3] =	sst s9;
	s0 =	simm.s32 @!p0 $0x0  }
0x12: {  	s1 =	sld [smem:$0x3F99];
	s0 =	simm.s32 @p0 $0x1  }
0x13: {  	[smem:$0x3FB4] =	sst s0;
	s0 =	simm.s32 @!p1 $0x0  }
0x14: {  	s2 =	sld [smem:$0x3F98];
	s0 =	simm.s32 @p1 $0x1  }
0x15: {  	[smem:$0x3FB5] =	sst s0;
	s0 =	simm.s32 @!p2 $0x0  }
0x16: {  	s3 =	sld [smem:$0x3FDB];
	s0 =	simm.s32 @p2 $0x1  }
0x17: {  	s4 =	simm.s32 $0x1BF5;
	[smem:$0x3FB7] =	sst s0  }
0x18: {  	s0 =	sld [smem:$0x3F9A];
	_ =	swait.ge [sflag:s4], $0x0  }
0x19: {  	s7 =	sld [smem:$0x3F9B]  }
0x1a: {  	s8 =	sadd.s32 $0xFFFFE003, lr  }
0x1b: {  	s9 =	sadd.s32 $0xFFFFFEF7, lr;
	s5 =	simm.s32 $0xFFFFFFFF;
	p2 =	slt.u32 s8, $0xFFFFF086  }
0x1c: {  	p1 =	slt.u32 s9, $0xF7A;
	s5 =	simm.s32 @!p2 $0x0  }
0x1d: {  	s5 =	simm.s32 @p1 $0x1;
	p0 =	seq.s32 s7, s2  }
0x1e: {  	s7 =	smul.u32 @!p0 $0xF7A, s2;
	p2 =	seq.s32 @!p0 s5, $0x0  }
0x1f: {  	s9 =	smul.u32 $0xF7A, s1;
	s8 =	simm.s32 @!p0 $0x1BF5;
	p2 =	por !p2, p0  }
0x20: {  	[sflag:s8] =	ssyncset.s32 @!p0 $0xFFFFF086;
	s6 =	sadd.s32 @!p0 s3, s7;
	s7 =	simm.s32 @!p0 $0x108  }
0x21: {  	s3 =	sadd.s32 s3, s9;
	s6 =	sadd.s32 @!p0 $0x88, s6;
	s7 =	simm.s32 @p2 $0x1082  }
0x22: {  	[simem:s7], [sflag:s8] =	dma.local @!p0 [hbm:s6], $0xF7A  }
0x23: {  	s9 =	sor.u32 $0xD0000000, s2;
	s6 =	simm.s32 $0x108;
	_ =	swait.ge @!p0 [sflag:s8], $0x0  }
0x24: {  	s3 =	sadd.s32 $0x88, s3;
	s6 =	simm.s32 @!p1 $0x1082;
	[sflag:s4] =	ssyncset.s32 $0xFFFFF086  }
0x25: {  	[simem:s6], [sflag:s4] =	dma.local [hbm:s3], $0xF7A  }
0x26: {  	[smem:$0x3F9B] =	sst s1;
	(tag) =	ssettag s2;
	_ =	strace s9  }
0x27: {  	s1 =	sld [smem:$0x3FAB]  }
0x28: {  	s2 =	sld [smem:$0x3FAC]  }
0x29: {  	s4 =	sld [smem:$0x3FAE]  }
0x2a: {  	p0 =	seq.s32 s5, $0x0;
	s5 =	sld [smem:$0x3FAF]  }
0x2b: {  	s6 =	sld [smem:$0x3FB0]  }
0x2c: {  	s7 =	sld [smem:$0x3FB1]  }
0x2d: {  	s3 =	simm.s32 $0x108;
	s8 =	sld [smem:$0x3FB2]  }
0x2e: {  	s3 =	simm.s32 @!p0 $0x1082;
	s9 =	sld [smem:$0x3FB3]  }
0x2f: {  	lr =	sadd.s32 s0, s3;
	s0 =	sld [smem:$0x3FAA]  }
0x30: {  	s3 =	sld [smem:$0x3FAD]  }
0x31: {  	[smem:$0x3FB6] =	sst s10  }
0x32: {  	s10 =	sld [smem:$0x3FB4];
	_ =	sdelay $0x3  }
0x33: {  	p0 =	seq.s32 s10, $0x1;
	s10 =	sld [smem:$0x3FB6];
	_ =	sdelay $0x3  }
0x34: {  	[smem:$0x3FB6] =	sst s10  }
0x35: {  	s10 =	sld [smem:$0x3FB5];
	_ =	sdelay $0x3  }
0x36: {  	p1 =	seq.s32 s10, $0x1;
	s10 =	sld [smem:$0x3FB6];
	_ =	sdelay $0x3  }
0x37: {  	[smem:$0x3FB6] =	sst s10  }
0x38: {  	s10 =	sld [smem:$0x3FB7]  }
0x39: {  	_ = 	snop;
	(pc) =	sbr.ind lr, $3  }
0x3a: {  	_ = 	snop  }
0x3b: {  	_ = 	snop  }
0x3c: {  	p2 =	seq.s32 s10, $0x1;
	s10 =	sld [smem:$0x3FB6]  }
0x3d: {  	_ =	shalt  }
0x3e: {  	_ =	shalt  }
0x3f: {  	_ =	shalt  }
0x40: {  	_ =	shalt  }
0x41: {  	_ =	shalt  }
0x42: {  	_ =	shalt  }
0x43: {  	_ =	shalt  }
0x44: {  	_ =	shalt  }
0x45: {  	_ =	shalt  }
0x46: {  	_ =	shalt  }
0x47: {  	_ =	shalt  }
0x48: {  	_ =	shalt  }
0x49: {  	_ =	shalt  }
0x4a: {  	_ =	shalt  }
0x4b: {  	_ =	shalt  }
0x4c: {  	_ =	shalt  }
0x4d: {  	_ =	shalt  }
0x4e: {  	_ =	shalt  }
0x4f: {  	_ =	shalt  }
0x50: {  	_ =	shalt  }
0x51: {  	_ =	shalt  }
0x52: {  	_ =	shalt  }
0x53: {  	_ =	shalt  }
0x54: {  	_ =	shalt  }
0x55: {  	_ =	shalt  }
0x56: {  	_ =	shalt  }
0x57: {  	_ =	shalt  }
0x58: {  	_ =	shalt  }
0x59: {  	_ =	shalt  }
0x5a: {  	_ =	shalt  }
0x5b: {  	_ =	shalt  }
0x5c: {  	_ =	shalt  }
0x5d: {  	_ =	shalt  }
0x5e: {  	_ =	shalt  }
0x5f: {  	_ =	shalt  }
0x60: {  	_ =	shalt  }
0x61: {  	_ =	shalt  }
0x62: {  	_ =	shalt  }
0x63: {  	_ =	shalt  }
0x64: {  	_ =	shalt  }
0x65: {  	_ =	shalt  }
0x66: {  	_ =	shalt  }
0x67: {  	_ =	shalt  }
0x68: {  	_ =	shalt  }
0x69: {  	_ =	shalt  }
0x6a: {  	_ =	shalt  }
0x6b: {  	_ =	shalt  }
0x6c: {  	_ =	shalt  }
0x6d: {  	_ =	shalt  }
0x6e: {  	_ =	shalt  }
0x6f: {  	_ =	shalt  }
0x70: {  	_ =	shalt  }
0x71: {  	_ =	shalt  }
0x72: {  	_ =	shalt  }
0x73: {  	_ =	shalt  }
0x74: {  	_ =	shalt  }
0x75: {  	_ =	shalt  }
0x76: {  	_ =	shalt  }
0x77: {  	_ =	shalt  }
0x78: {  	_ =	shalt  }
0x79: {  	_ =	shalt  }
0x7a: {  	_ =	shalt  }
0x7b: {  	_ =	shalt  }
0x7c: {  	_ =	shalt  }
0x7d: {  	_ =	shalt  }
0x7e: {  	_ =	shalt  }
0x7f: {  	_ =	shalt  }
0x80: {  	_ =	shalt  }
0x81: {  	_ =	shalt  }
0x82: {  	_ =	shalt  }
0x83: {  	_ =	shalt  }
0x84: {  	_ =	shalt  }
0x85: {  	_ =	shalt  }
0x86: {  	_ =	shalt  }
0x87: {  	_ =	shalt  }
.Lfunc_end0:
.L_simem_size_0:
called_computation.1_lowered:
.L_overlay_start_0:
0x88: {  	s2 =	sld [smem:$0x3FD9]  }
0x89: {  	s3 =	sld [smem:$0x3FFE];
	_ =	sdelay $0x1  }
0x8a: {  	s1 =	srdreg.scid  }
0x8b: {  	s0 =	sand.u32 $0x1, s1  }
0x8c: {  	s17 =	sshll.u32 s0, $0xA;
	s2 =	sadd.s32 s3, s2  }
0x8d: {  	s2 =	sadd.s32 s2, s17  }
0x8e: {  	[smem:$0x3FC2] =	sst s2  }
0x8f: {  	_ = 	snop  }
0x90: {  	s2 =	sld [smem:$0x3FD0];
	(tm) =	ssettm $0x1  }
0x91: {  	s18 =	sld [smem:$0x3FFB];
	_ =	sdelay $0x3  }
0x92: {  	_ =	strace s18  }
0x93: {  	s3 =	sld [smem:$0x3FFC];
	_ =	sdelay $0x3  }
0x94: {  	_ =	strace s3  }
0x95: {  	s3 =	sld [smem:$0x3FFD];
	_ =	sdelay $0x3  }
0x96: {  	_ =	strace s3  }
0x97: {  	_ =	strace $0x8FFFFFFF  }
0x98: {  	s19 =	sld [smem:$0x3FDB];
	_ =	sdelay $0x1  }
0x99: {  	s4 =	simm.s32 $_scs_section_size  }
0x9a: {  	s5 =	simm.s32 $_size__tile_overlayer_lowered;
	s6 =	simm.s32 $_tile_overlayer_lowered  }
0x9b: {  	s22 =	simm.s32 $0x1BFF;
	s21 =	sshll.u32 s6, $0x1;
	s3 =	sadd.s32 s4, s19  }
0x9c: {  	s7 =	simm.s32 $0x0;
	s20 =	sshll.u32 s5, $0x1;
	s5 =	sadd.s32 s21, s3  }
0x9d: {  	[timem:s7], [sflag:s22] =	dma.local [hbm:s5], s20  }
0x9e: {  	_ =	swait.ge [sflag:s22], s20  }
0x9f: {  	s4 =	ssub.s32 $0x0, s20;
	[sflag:s22] =	ssyncset.done $0x0  }
0xa0: {  	[sflag:s22] =	ssyncadd.s32 s4;
	_ =	sdelay $0x1  }
0xa1: {  	s23 =	simm.s32 $0x1B8B  }
0xa2: {  	_ =	swait.ge [sflag:s23], $0x1  }
0xa3: {  	[sflag:s23] =	ssyncset.done $0x0  }
0xa4: {  	s25 =	simm.s32 $0x1B8E;
	s24 =	sld [smem:$0x3FFE];
	[sflag:s23] =	ssyncadd.s32 $0xFFFFFFFF  }
0xa5: {  	s26 =	simm.s32 $execute0_lowered;
	[smem:$0x3FD2] =	sst s25  }
0xa6: {  	s5 =	sshll.u32 s26, $0x1;
	_ =	strace $0x80000049;
	[dreg:$0x1] =	wrdreg $0xFFFFFFFF  }
0xa7: {  	s28 =	simm.s32 $_size_execute0_lowered;
	s3 =	sadd.s32 s3, s5;
	[dreg:$0x0] =	wrdreg $0x0  }
0xa8: {  	s5 =	sshll.u32 s28, $0x1;
	[dreg:$0x2] =	wrdreg s3  }
0xa9: {  	[dreg:$0x3] =	wrdreg s5  }
0xaa: {  	[dreg:$0x4] =	wrdreg $0xC0  }
0xab: {  	_ =	task [dreg:s7], $0x5FFFF  }
0xac: {  	[dreg:$0x1] =	wrdreg $0xFFFFFFFF  }
0xad: {  	[dreg:$0x0] =	wrdreg $0x60  }
0xae: {  	[dreg:$0x2] =	wrdreg s24  }
0xaf: {  	[dreg:$0x3] =	wrdreg s2  }
0xb0: {  	[dreg:$0x4] =	wrdreg $0xA8000  }
0xb1: {  	[dreg:$0x5] =	wrdreg $0x9  }
0xb2: {  	_ =	task.clear_ibuf [dreg:s7], $0x6FFFF;
	_ =	strace $0x90000049  }
0xb3: {  	s29 =	simm.s32 $0x9;
	_ =	strace $0x8000004B  }
0xb4: {  	_ =	swait.ge [sflag:s29], $0x1  }
0xb5: {  	[sflag:s29] =	ssyncadd.s32 $0xFFFFFFFF  }
0xb6: {  	_ =	strace $0x9000004B  }
0xb7: {  	_ =	sfence  }
0xb8: {  	s30 =	sld [smem:$0x0];
	_ =	sdelay $0x2  }
0xb9: {  	s31 =	sshll.u32 s1, $0xD;
	s1 =	sshrl.u32 s1, $0x2  }
0xba: {  	s3 =	sand.u32 $0x4000, s31;
	s1 =	sadd.s32 s1, s30  }
0xbb: {  	s0 =	sor.u32 s3, s0;
	s1 =	sshll.u32 s1, $0x11  }
0xbc: {  	s0 =	sor.u32 s1, s0  }
0xbd: {  	s0 =	sadd.s32 $0x8F2B, s0  }
0xbe: {  	[sflag:s0] =	ssyncadd.remote.s32 $0x1  }
0xbf: {  	_ =	sfence.sel $0xFFFF  }
0xc0: {  	[dreg:$0x0] =	wrdreg $0xFFFFFFFF;
	(pc) =	sbr.abs _section_cstart, $3  }
0xc1: {  	[dreg:$0x1] =	wrdreg $0xFFFFFFFF  }
0xc2: {  	_ =	task.clear_ibuf [dreg:s7], $0x2FFFF;
	_ =	strace $0x9FFFFFFF  }
0xc3: {  	(tm) =	ssettm $0x7FFFFFFF  }
tec
execute0_lowered:
.L_overlay_start_1:
0x0: {  	(tag) =	ssettag $0x1  }
0x1: {  	s4 =	rddreg [dreg:$0x0]  }
0x2: {  	s11 =	rddreg [dreg:$0x1]  }
0x3: {  	s1 =	rddreg [dreg:$0x2]  }
0x4: {  	s0 =	simm.s32 $0x0;
	s2 =	srdreg.scid;
	s23 =	stileid.u32  }
0x5: {  	s19 =	simm.s32 $0x2;
	s20 =	simm.s32 $0x1400;
	s21 =	simm.s32 $0x80  }
0x6: {  	s22 =	simm.s32 $0x2800;
	s28 =	simm.s32 $0x2780;
	s29 =	simm.s32 $0x0  }
0x7: {  	[smem:$0x7FF] =	sst s0;
	s17 =	sand.u32 $0x1, s2;
	s7 =	smul.u32 $0x50, s23  }
0x8: {  	s9 =	sadd.s32 $0x1600, s4;
	s10 =	smul.u32 $0x50000, s23;
	s12 =	sadd.s32 $0xB600, s4  }
0x9: {  	s4 =	sadd.s32 $0x15600, s4;
	s26 =	smul.u32 $0x2800, s23;
	s31 =	sshll.u32 s23, $0x6  }
0xa: {  	s23 =	simm.s32 $0x6800;
	s5 =	smul.u32 $0x500, s17;
	_ =	strace $0x8000004A  }
0xb: {  	s6 =	ssub.s32 $0x2, s17;
	s14 =	smul.u32 $0x28000, s17;
	p0 =	sne.s32 s17, $0x0  }
0xc: {  	s17 =	sor.u32 $0x1C02, s31;
	s8 =	sshrl.u32 s6, $0x1;
	s25 =	sshrl.u32 s10, $0x2  }
0xd: {  	s13 =	ssub.s32 s6, s8;
	s24 =	sadd.s32 s7, s5;
	s5 =	sadd.s32 s25, s1  }
0xe: {  	s6 =	sadd.s32 s4, s26;
	s14 =	sadd.s32 s26, s14;
	s25 =	simm.s32 $0x1380  }
0xf: {  	s26 =	simm.s32 $0x2700;
	s30 =	sshll.u32 s24, $0x4;
	s11 =	sadd.s32 s11, s14  }
0x10: {  	s14 =	sadd.s32 $0x8000, s5;
	s16 =	sadd.s32 $0x10000, s5;
	s18 =	sshrl.u32 s5, $0x3  }
0x11: {  	s24 =	simm.s32 $0x1;
	s7 =	sadd.s32 s9, s30;
	s15 =	sadd.s32 $0x280, s30  }
0x12: {  	s8 =	sadd.s32 s12, s30;
	s9 =	sadd.s32 s9, s15;
	s10 =	sadd.s32 s12, s15  }
0x13: {  	v0 =	vimm.f32 $0.0e+00;
	s12 =	smax.u32 s13, $0x1;
	s13 =	sadd.s32 $0x4000, s5;
	s15 =	sadd.s32 $0xC000, s5  }
.LBB2_1:
.Ltmp0:
0x14: {  	(pc) =	sbr.rel @p0 .LBB2_3-.Ltmp0, $1  }
0x15: {  	_ =	sdelay $0x3  }
.Ltmp1:
0x16: {  	(pc) =	sbr.rel .LBB2_6-.Ltmp1, $4  }
0x17: {  	[spmem:s18], [sflag:s17] =	dma.local [hbm:s6], $0x2800  }
0x18: {  	_ =	swait.ge [sflag:s19], $0x2800  }
0x19: {  	[sflag:s19] =	ssyncset.done $0x0  }
0x1a: {  	[sflag:s19] =	ssyncadd.s32 $0xFFFFD800  }
.LBB2_3:
0x1b: {  	s0 =	simm.s32 $0x0  }
0x1c: {  	s30 =	sshra.s32 s0, $0x2;
	s31 =	sadd.s32 $0x200, s0  }
.LBB2_4:
0x1d: {  	p1 =	seq.s32 s31, $0xFE00;
	[tilespmem:s30+$0x2870] =	vst v0  }
0x1e: {  	[tilespmem:s30+$0x2800] =	vst v0  }
0x1f: {  	[tilespmem:s30+$0x2810] =	vst v0  }
.Ltmp2:
0x20: {  	[tilespmem:s30+$0x2820] =	vst v0;
	(pc) =	sbr.rel @!p1 .LBB2_4-.Ltmp2, $4  }
0x21: {  	[tilespmem:s30+$0x2830] =	vst v0  }
0x22: {  	[tilespmem:s30+$0x2840] =	vst v0  }
0x23: {  	[tilespmem:s30+$0x2850] =	vst v0  }
0x24: {  	[tilespmem:s30+$0x2860] =	vst v0;
	s30 =	sshra.s32 s31, $0x2;
	s31 =	sadd.s32 $0x200, s31  }
0x25: {  	[tilespmem:s30+$0x2870] =	vst v0  }
0x26: {  	[tilespmem:s30+$0x2800] =	vst v0  }
0x27: {  	[tilespmem:s30+$0x2810] =	vst v0  }
0x28: {  	[tilespmem:s30+$0x2820] =	vst v0  }
0x29: {  	[tilespmem:s30+$0x2830] =	vst v0  }
0x2a: {  	[tilespmem:s30+$0x2840] =	vst v0  }
0x2b: {  	[tilespmem:s30+$0x2850] =	vst v0  }
0x2c: {  	[tilespmem:s30+$0x2860] =	vst v0  }
0x2d: {  	[spmem:s5] =	stream.linear.scatter [tilespmem:s22], [sflag:$0x2], $0x4000, $0x38;
	[tilespmem:$0x1E800] =	vst v63  }
0x2e: {  	_ =	swait.ge [sflag:s19], $0x4000  }
0x2f: {  	[sflag:s19] =	ssyncset.done $0x0  }
0x30: {  	[sflag:s19] =	ssyncadd.s32 $0xFFFFC000  }
0x31: {  	[spmem:s13] =	stream.linear.scatter [tilespmem:s22], [sflag:$0x2], $0x4000, $0x38;
	[tilespmem:$0x1E800] =	vst v63  }
0x32: {  	_ =	swait.ge [sflag:s19], $0x4000  }
0x33: {  	[sflag:s19] =	ssyncset.done $0x0  }
0x34: {  	[sflag:s19] =	ssyncadd.s32 $0xFFFFC000  }
0x35: {  	[spmem:s14] =	stream.linear.scatter [tilespmem:s22], [sflag:$0x2], $0x4000, $0x38;
	[tilespmem:$0x1E800] =	vst v63  }
0x36: {  	_ =	swait.ge [sflag:s19], $0x4000  }
0x37: {  	[sflag:s19] =	ssyncset.done $0x0  }
0x38: {  	[sflag:s19] =	ssyncadd.s32 $0xFFFFC000  }
0x39: {  	[spmem:s15] =	stream.linear.scatter [tilespmem:s22], [sflag:$0x2], $0x4000, $0x38;
	[tilespmem:$0x1E800] =	vst v63  }
0x3a: {  	_ =	swait.ge [sflag:s19], $0x4000  }
0x3b: {  	[sflag:s19] =	ssyncset.done $0x0  }
0x3c: {  	[sflag:s19] =	ssyncadd.s32 $0xFFFFC000  }
0x3d: {  	[spmem:s16] =	stream.linear.scatter [tilespmem:s22], [sflag:$0x2], $0x4000, $0x38;
	[tilespmem:$0x1E800] =	vst v63  }
0x3e: {  	_ =	swait.ge [sflag:s19], $0x4000  }
0x3f: {  	[sflag:s19] =	ssyncset.done $0x0  }
0x40: {  	[sflag:s19] =	ssyncadd.s32 $0xFFFFC000  }
.LBB2_6:
0x41: {  	[bflag:$0x0] =	sbarrier.arrive $0xFFFF;
	s30 =	simm.s32 $0x0  }
0x42: {  	[tilespmem:s30], [sflag:$0x2] =	stream.linear.gather [hbm4b:s7+s30], $0x1400, $0x38;
	[tilespmem:$0x1E800] =	vst v63  }
0x43: {  	_ =	swait.ge [sflag:s19], $0x1400  }
0x44: {  	[sflag:s19] =	ssyncset.done $0x0  }
0x45: {  	[sflag:s19] =	ssyncadd.s32 $0xFFFFEC00  }
0x46: {  	[tilespmem:s20], [sflag:$0x2] =	stream.linear.gather [hbm4b:s8+s30], $0x1400, $0x38;
	[tilespmem:$0x1E800] =	vst v63  }
0x47: {  	_ =	swait.ge [sflag:s19], $0x1400  }
0x48: {  	[sflag:s19] =	ssyncset.done $0x0  }
0x49: {  	[sflag:s19] =	ssyncadd.s32 $0xFFFFEC00  }
0x4a: {  	[tilespmem:s22], [sflag:$0x2] =	stream.indirect.gather [hbm4b:s4+s21], $0x80, s30, s21, $0xb8;
	[tilespmem:$0x1E800] =	vst v63  }
0x4b: {  	_ =	swait.ge [sflag:s19], $0x4000  }
0x4c: {  	[sflag:s19] =	ssyncset.done $0x0  }
0x4d: {  	s30 =	simm.s32 $0x80;
	[sflag:s19] =	ssyncadd.s32 $0xFFFFC000  }
0x4e: {  	[tilespmem:s23], [sflag:$0x1] =	stream.indirect.gather [hbm4b:s4+s21], $0x80, s30, s21, $0xb8;
	[tilespmem:$0x1E800] =	vst v63  }
0x4f: {  	s30 =	simm.s32 $0x1400  }
0x50: {  	[spmem:s1] =	stream.indirect.scatter.add.f32 [tilespmem:s22], [sflag:$0x2], $0x80, s30, s21, $0xb8;
	[tilespmem:$0x1E800] =	vst v63  }
0x51: {  	_ =	swait.ge [sflag:s19], $0x4000  }
0x52: {  	[sflag:s19] =	ssyncset.done $0x0  }
0x53: {  	[sflag:s19] =	ssyncadd.s32 $0xFFFFC000  }
0x54: {  	_ =	swait.ge [sflag:s24], $0x4000  }
0x55: {  	[sflag:s24] =	ssyncset.done $0x0  }
0x56: {  	s30 =	simm.s32 $0x100;
	[sflag:s24] =	ssyncadd.s32 $0xFFFFC000  }
0x57: {  	[tilespmem:s22], [sflag:$0x1] =	stream.indirect.gather [hbm4b:s4+s21], $0x80, s30, s21, $0xb8;
	[tilespmem:$0x1E800] =	vst v63  }
0x58: {  	s30 =	simm.s32 $0x1480  }
0x59: {  	[spmem:s1] =	stream.indirect.scatter.add.f32 [tilespmem:s23], [sflag:$0x2], $0x80, s30, s21, $0xb8;
	[tilespmem:$0x1E800] =	vst v63  }
0x5a: {  	_ =	swait.ge [sflag:s19], $0x4000  }
0x5b: {  	[sflag:s19] =	ssyncset.done $0x0  }
0x5c: {  	[sflag:s19] =	ssyncadd.s32 $0xFFFFC000  }
0x5d: {  	_ =	swait.ge [sflag:s24], $0x4000  }
0x5e: {  	s31 =	simm.s32 $0x800;
	s30 =	simm.s32 $0x100;
	[sflag:s24] =	ssyncset.done $0x0  }
.LBB2_7:
0x5f: {  	s0 =	sadd.s32 $0x80, s30  }
0x60: {  	[sflag:s24] =	ssyncadd.s32 $0xFFFFC000;
	s2 =	smov.u32 s31;
	s3 =	sadd.s32 $0x400, s31  }
0x61: {  	[tilespmem:s23], [sflag:$0x1] =	stream.indirect.gather [hbm4b:s4+s21], $0x80, s0, s21, $0xb8;
	[tilespmem:$0x1E800] =	vst v63  }
0x62: {  	p1 =	sne.s32 s31, $0x4800;
	s0 =	sadd.s32 $0x1400, s30  }
0x63: {  	[spmem:s1] =	stream.indirect.scatter.add.f32 [tilespmem:s22], [sflag:$0x2], $0x80, s0, s21, $0xb8;
	[tilespmem:$0x1E800] =	vst v63  }
0x64: {  	_ =	swait.ge [sflag:s19], $0x4000  }
0x65: {  	[sflag:s19] =	ssyncset.done $0x0  }
0x66: {  	[sflag:s19] =	ssyncadd.s32 $0xFFFFC000  }
0x67: {  	_ =	swait.ge [sflag:s24], $0x4000  }
0x68: {  	[sflag:s24] =	ssyncset.done $0x0  }
0x69: {  	s0 =	sadd.s32 $0x100, s30;
	[sflag:s24] =	ssyncadd.s32 $0xFFFFC000  }
0x6a: {  	[tilespmem:s22], [sflag:$0x1] =	stream.indirect.gather [hbm4b:s4+s21], $0x80, s0, s21, $0xb8;
	[tilespmem:$0x1E800] =	vst v63  }
0x6b: {  	s0 =	sadd.s32 $0x1480, s30  }
0x6c: {  	[spmem:s1] =	stream.indirect.scatter.add.f32 [tilespmem:s23], [sflag:$0x2], $0x80, s0, s21, $0xb8;
	[tilespmem:$0x1E800] =	vst v63  }
.Ltmp3:
0x6d: {  	_ =	swait.ge [sflag:s19], $0x4000;
	(pc) =	sbr.rel @p1 .LBB2_7-.Ltmp3, $4  }
0x6e: {  	[sflag:s19] =	ssyncset.done $0x0  }
0x6f: {  	[sflag:s19] =	ssyncadd.s32 $0xFFFFC000  }
0x70: {  	_ =	swait.ge [sflag:s24], $0x4000  }
0x71: {  	s31 =	smov.u32 s3;
	s30 =	sshra.s32 s2, $0x2;
	[sflag:s24] =	ssyncset.done $0x0  }
0x72: {  	s0 =	sadd.s32 $0x80, s30;
	[sflag:s24] =	ssyncadd.s32 $0xFFFFC000  }
0x73: {  	[tilespmem:s23], [sflag:$0x1] =	stream.indirect.gather [hbm4b:s4+s21], $0x80, s0, s21, $0xb8;
	[tilespmem:$0x1E800] =	vst v63  }
0x74: {  	s2 =	sadd.s32 $0x1400, s30  }
0x75: {  	[spmem:s1] =	stream.indirect.scatter.add.f32 [tilespmem:s22], [sflag:$0x2], $0x80, s2, s21, $0xb8;
	[tilespmem:$0x1E800] =	vst v63  }
0x76: {  	_ =	swait.ge [sflag:s19], $0x4000  }
0x77: {  	[sflag:s19] =	ssyncset.done $0x0  }
0x78: {  	[sflag:s19] =	ssyncadd.s32 $0xFFFFC000  }
0x79: {  	_ =	swait.ge [sflag:s24], $0x4000  }
0x7a: {  	[sflag:s24] =	ssyncset.done $0x0  }
0x7b: {  	s3 =	sadd.s32 $0x100, s30;
	[sflag:s24] =	ssyncadd.s32 $0xFFFFC000  }
0x7c: {  	[tilespmem:s22], [sflag:$0x1] =	stream.indirect.gather [hbm4b:s4+s21], $0x80, s3, s21, $0xb8;
	[tilespmem:$0x1E800] =	vst v63  }
0x7d: {  	s2 =	sadd.s32 $0x1480, s30  }
0x7e: {  	[spmem:s1] =	stream.indirect.scatter.add.f32 [tilespmem:s23], [sflag:$0x2], $0x80, s2, s21, $0xb8;
	[tilespmem:$0x1E800] =	vst v63  }
0x7f: {  	_ =	swait.ge [sflag:s19], $0x4000  }
0x80: {  	[sflag:s19] =	ssyncset.done $0x0  }
0x81: {  	[sflag:s19] =	ssyncadd.s32 $0xFFFFC000  }
0x82: {  	_ =	swait.ge [sflag:s24], $0x4000  }
0x83: {  	[sflag:s24] =	ssyncset.done $0x0  }
0x84: {  	[sflag:s24] =	ssyncadd.s32 $0xFFFFC000  }
0x85: {  	[tilespmem:s23], [sflag:$0x1] =	stream.indirect.gather [hbm4b:s4+s21], $0x80, s25, s21, $0xb8;
	[tilespmem:$0x1E800] =	vst v63  }
0x86: {  	_ = 	snop  }
0x87: {  	[spmem:s1] =	stream.indirect.scatter.add.f32 [tilespmem:s22], [sflag:$0x2], $0x80, s26, s21, $0xb8;
	[tilespmem:$0x1E800] =	vst v63  }
0x88: {  	_ =	swait.ge [sflag:s19], $0x4000  }
0x89: {  	[sflag:s19] =	ssyncset.done $0x0  }
0x8a: {  	[sflag:s19] =	ssyncadd.s32 $0xFFFFC000  }
0x8b: {  	_ =	swait.ge [sflag:s24], $0x4000  }
0x8c: {  	[sflag:s24] =	ssyncset.done $0x0  }
0x8d: {  	[sflag:s24] =	ssyncadd.s32 $0xFFFFC000  }
0x8e: {  	[tilespmem:s22], [sflag:$0x1] =	stream.indirect.gather [hbm4b:s4+s21], $0x80, s25, s21, $0xb8;
	[tilespmem:$0x1E800] =	vst v63  }
0x8f: {  	_ = 	snop  }
0x90: {  	[spmem:s1] =	stream.indirect.scatter.add.f32 [tilespmem:s23], [sflag:$0x2], $0x80, s28, s21, $0xb8;
	[tilespmem:$0x1E800] =	vst v63  }
0x91: {  	_ =	swait.ge [sflag:s19], $0x4000  }
0x92: {  	[sflag:s19] =	ssyncset.done $0x0  }
0x93: {  	[sflag:s19] =	ssyncadd.s32 $0xFFFFC000  }
0x94: {  	_ =	swait.ge [sflag:s24], $0x4000  }
0x95: {  	[sflag:s24] =	ssyncset.done $0x0  }
0x96: {  	s3 =	simm.s32 $0x0;
	[sflag:s24] =	ssyncadd.s32 $0xFFFFC000  }
0x97: {  	[tilespmem:s3], [sflag:$0x2] =	stream.linear.gather [hbm4b:s9+s3], $0x1400, $0x38;
	[tilespmem:$0x1E800] =	vst v63  }
0x98: {  	_ =	swait.ge [sflag:s19], $0x1400  }
0x99: {  	[sflag:s19] =	ssyncset.done $0x0  }
0x9a: {  	[sflag:s19] =	ssyncadd.s32 $0xFFFFEC00  }
0x9b: {  	[tilespmem:s20], [sflag:$0x2] =	stream.linear.gather [hbm4b:s10+s3], $0x1400, $0x38;
	[tilespmem:$0x1E800] =	vst v63  }
0x9c: {  	_ =	swait.ge [sflag:s19], $0x1400  }
0x9d: {  	[sflag:s19] =	ssyncset.done $0x0  }
0x9e: {  	[sflag:s19] =	ssyncadd.s32 $0xFFFFEC00  }
0x9f: {  	[tilespmem:s22], [sflag:$0x2] =	stream.indirect.gather [hbm4b:s4+s21], $0x80, s3, s21, $0xb8;
	[tilespmem:$0x1E800] =	vst v63  }
0xa0: {  	_ =	swait.ge [sflag:s19], $0x4000  }
0xa1: {  	[sflag:s19] =	ssyncset.done $0x0  }
0xa2: {  	s2 =	simm.s32 $0x80;
	[sflag:s19] =	ssyncadd.s32 $0xFFFFC000  }
0xa3: {  	[tilespmem:s23], [sflag:$0x1] =	stream.indirect.gather [hbm4b:s4+s21], $0x80, s2, s21, $0xb8;
	[tilespmem:$0x1E800] =	vst v63  }
0xa4: {  	s3 =	simm.s32 $0x1400  }
0xa5: {  	[spmem:s1] =	stream.indirect.scatter.add.f32 [tilespmem:s22], [sflag:$0x2], $0x80, s3, s21, $0xb8;
	[tilespmem:$0x1E800] =	vst v63  }
0xa6: {  	_ =	swait.ge [sflag:s19], $0x4000  }
0xa7: {  	[sflag:s19] =	ssyncset.done $0x0  }
0xa8: {  	[sflag:s19] =	ssyncadd.s32 $0xFFFFC000  }
0xa9: {  	_ =	swait.ge [sflag:s24], $0x4000  }
0xaa: {  	[sflag:s24] =	ssyncset.done $0x0  }
0xab: {  	s2 =	simm.s32 $0x100;
	[sflag:s24] =	ssyncadd.s32 $0xFFFFC000  }
0xac: {  	[tilespmem:s22], [sflag:$0x1] =	stream.indirect.gather [hbm4b:s4+s21], $0x80, s2, s21, $0xb8;
	[tilespmem:$0x1E800] =	vst v63  }
0xad: {  	s3 =	simm.s32 $0x1480  }
0xae: {  	[spmem:s1] =	stream.indirect.scatter.add.f32 [tilespmem:s23], [sflag:$0x2], $0x80, s3, s21, $0xb8;
	[tilespmem:$0x1E800] =	vst v63  }
0xaf: {  	_ =	swait.ge [sflag:s19], $0x4000  }
0xb0: {  	[sflag:s19] =	ssyncset.done $0x0  }
0xb1: {  	[sflag:s19] =	ssyncadd.s32 $0xFFFFC000  }
0xb2: {  	_ =	swait.ge [sflag:s24], $0x4000  }
0xb3: {  	s31 =	simm.s32 $0x800;
	s30 =	simm.s32 $0x100;
	[sflag:s24] =	ssyncset.done $0x0  }
.LBB2_9:
0xb4: {  	s0 =	sadd.s32 $0x80, s30  }
0xb5: {  	[sflag:s24] =	ssyncadd.s32 $0xFFFFC000;
	s2 =	smov.u32 s31;
	s3 =	sadd.s32 $0x400, s31  }
0xb6: {  	[tilespmem:s23], [sflag:$0x1] =	stream.indirect.gather [hbm4b:s4+s21], $0x80, s0, s21, $0xb8;
	[tilespmem:$0x1E800] =	vst v63  }
0xb7: {  	p1 =	sne.s32 s31, $0x4800;
	s0 =	sadd.s32 $0x1400, s30  }
0xb8: {  	[spmem:s1] =	stream.indirect.scatter.add.f32 [tilespmem:s22], [sflag:$0x2], $0x80, s0, s21, $0xb8;
	[tilespmem:$0x1E800] =	vst v63  }
0xb9: {  	_ =	swait.ge [sflag:s19], $0x4000  }
0xba: {  	[sflag:s19] =	ssyncset.done $0x0  }
0xbb: {  	[sflag:s19] =	ssyncadd.s32 $0xFFFFC000  }
0xbc: {  	_ =	swait.ge [sflag:s24], $0x4000  }
0xbd: {  	[sflag:s24] =	ssyncset.done $0x0  }
0xbe: {  	s0 =	sadd.s32 $0x100, s30;
	[sflag:s24] =	ssyncadd.s32 $0xFFFFC000  }
0xbf: {  	[tilespmem:s22], [sflag:$0x1] =	stream.indirect.gather [hbm4b:s4+s21], $0x80, s0, s21, $0xb8;
	[tilespmem:$0x1E800] =	vst v63  }
0xc0: {  	s0 =	sadd.s32 $0x1480, s30  }
0xc1: {  	[spmem:s1] =	stream.indirect.scatter.add.f32 [tilespmem:s23], [sflag:$0x2], $0x80, s0, s21, $0xb8;
	[tilespmem:$0x1E800] =	vst v63  }
.Ltmp4:
0xc2: {  	_ =	swait.ge [sflag:s19], $0x4000;
	(pc) =	sbr.rel @p1 .LBB2_9-.Ltmp4, $4  }
0xc3: {  	[sflag:s19] =	ssyncset.done $0x0  }
0xc4: {  	[sflag:s19] =	ssyncadd.s32 $0xFFFFC000  }
0xc5: {  	_ =	swait.ge [sflag:s24], $0x4000  }
0xc6: {  	s31 =	smov.u32 s3;
	s30 =	sshra.s32 s2, $0x2;
	[sflag:s24] =	ssyncset.done $0x0  }
0xc7: {  	s0 =	sadd.s32 $0x80, s30;
	[sflag:s24] =	ssyncadd.s32 $0xFFFFC000  }
0xc8: {  	[tilespmem:s23], [sflag:$0x1] =	stream.indirect.gather [hbm4b:s4+s21], $0x80, s0, s21, $0xb8;
	[tilespmem:$0x1E800] =	vst v63  }
0xc9: {  	s2 =	sadd.s32 $0x1400, s30  }
0xca: {  	[spmem:s1] =	stream.indirect.scatter.add.f32 [tilespmem:s22], [sflag:$0x2], $0x80, s2, s21, $0xb8;
	[tilespmem:$0x1E800] =	vst v63  }
0xcb: {  	_ =	swait.ge [sflag:s19], $0x4000  }
0xcc: {  	[sflag:s19] =	ssyncset.done $0x0  }
0xcd: {  	[sflag:s19] =	ssyncadd.s32 $0xFFFFC000  }
0xce: {  	_ =	swait.ge [sflag:s24], $0x4000  }
0xcf: {  	[sflag:s24] =	ssyncset.done $0x0  }
0xd0: {  	s3 =	sadd.s32 $0x100, s30;
	[sflag:s24] =	ssyncadd.s32 $0xFFFFC000  }
0xd1: {  	[tilespmem:s22], [sflag:$0x1] =	stream.indirect.gather [hbm4b:s4+s21], $0x80, s3, s21, $0xb8;
	[tilespmem:$0x1E800] =	vst v63  }
0xd2: {  	s31 =	sadd.s32 $0x1480, s30  }
0xd3: {  	[spmem:s1] =	stream.indirect.scatter.add.f32 [tilespmem:s23], [sflag:$0x2], $0x80, s31, s21, $0xb8;
	[tilespmem:$0x1E800] =	vst v63  }
0xd4: {  	_ =	swait.ge [sflag:s19], $0x4000  }
0xd5: {  	[sflag:s19] =	ssyncset.done $0x0  }
0xd6: {  	[sflag:s19] =	ssyncadd.s32 $0xFFFFC000  }
0xd7: {  	_ =	swait.ge [sflag:s24], $0x4000  }
0xd8: {  	[sflag:s24] =	ssyncset.done $0x0  }
0xd9: {  	[sflag:s24] =	ssyncadd.s32 $0xFFFFC000  }
0xda: {  	[tilespmem:s23], [sflag:$0x1] =	stream.indirect.gather [hbm4b:s4+s21], $0x80, s25, s21, $0xb8;
	[tilespmem:$0x1E800] =	vst v63  }
0xdb: {  	_ = 	snop  }
0xdc: {  	[spmem:s1] =	stream.indirect.scatter.add.f32 [tilespmem:s22], [sflag:$0x2], $0x80, s26, s21, $0xb8;
	[tilespmem:$0x1E800] =	vst v63  }
0xdd: {  	_ =	swait.ge [sflag:s19], $0x4000  }
0xde: {  	[sflag:s19] =	ssyncset.done $0x0  }
0xdf: {  	[sflag:s19] =	ssyncadd.s32 $0xFFFFC000  }
0xe0: {  	_ =	swait.ge [sflag:s24], $0x4000  }
0xe1: {  	[sflag:s24] =	ssyncset.done $0x0  }
0xe2: {  	[sflag:s24] =	ssyncadd.s32 $0xFFFFC000  }
0xe3: {  	[tilespmem:s22], [sflag:$0x1] =	stream.indirect.gather [hbm4b:s4+s21], $0x80, s25, s21, $0xb8;
	[tilespmem:$0x1E800] =	vst v63  }
0xe4: {  	_ = 	snop  }
0xe5: {  	[spmem:s1] =	stream.indirect.scatter.add.f32 [tilespmem:s23], [sflag:$0x2], $0x80, s28, s21, $0xb8;
	[tilespmem:$0x1E800] =	vst v63  }
0xe6: {  	_ =	swait.ge [sflag:s19], $0x4000  }
0xe7: {  	[sflag:s19] =	ssyncset.done $0x0  }
0xe8: {  	[sflag:s19] =	ssyncadd.s32 $0xFFFFC000  }
0xe9: {  	_ =	swait.ge [sflag:s24], $0x4000  }
0xea: {  	s29 =	sadd.s32 $0x1, s29;
	[sflag:s24] =	ssyncset.done $0x0  }
0xeb: {  	p1 =	sne.s32 s29, s12;
	[sflag:s24] =	ssyncadd.s32 $0xFFFFC000  }
.Ltmp5:
0xec: {  	[bflag:$0x0] =	sbarrier.arrive $0xFFFF;
	(pc) =	sbr.rel @p1 .LBB2_1-.Ltmp5, $4  }
0xed: {  	[hbm:s11], [sflag:s17] =	dma.local [spmem:s18], $0x2800  }
0xee: {  	_ =	swait.ge [sflag:s19], $0x2800  }
0xef: {  	[sflag:s19] =	ssyncset.done $0x0  }
0xf0: {  	[sflag:s19] =	ssyncadd.s32 $0xFFFFD800  }
0xf1: {  	_ =	sfence.sel $0x180000  }
0xf2: {  	[bflag:$0x0] =	sbarrier.arrive $0xFFFF  }
0xf3: {  	_ =	strace $0x9000004A  }
0xf4: {  	s0 =	stileid.u32;
	[bflag:$0x2] =	sbarrier.arrive $0xFFFF  }
0xf5: {  	p0 =	sne.s32 s0, $0x0;
	s0 =	rddreg [dreg:$0x3]  }
0xf6: {  	s0 =	sadd.s32 @!p0 $0x100000, s0  }
0xf7: {  	[sflag:s0] =	ssyncadd.tile.s32 @!p0 $0x1;
	_ =	shalt  }
.Lfunc_end2:
_tile_overlayer_lowered:
.L_overlay_start_2:
0xf8: {  	(tag) =	ssettag $0x2  }
0xf9: {  	s0 =	rddreg [dreg:$0x0];
	s2 =	stileid.u32  }
0xfa: {  	s1 =	rddreg [dreg:$0x1];
	p0 =	sne.s32 s2, $0x0  }
0xfb: {  	s3 =	rddreg [dreg:$0x2];
	[bflag:$0x3] =	sbarrier.arrive $0xFFFF;
	s2 =	simm.s32 @!p0 $0x1C02  }
0xfc: {  	[timem:s3], [sflag:s2] =	dma.local @!p0 [hbm:s0], s1  }
0xfd: {  	s0 =	simm.s32 @!p0 $0x2  }
0xfe: {  	_ =	swait.ge @!p0 [sflag:s0], s1  }
0xff: {  	s1 =	ssub.s32 @!p0 $0x0, s1;
	[sflag:s0] =	ssyncset.done @!p0 $0x0  }
0x100: {  	[sflag:s0] =	ssyncadd.s32 @!p0 s1  }
0x101: {  	[bflag:$0x3] =	sbarrier.arrive $0xFFFF  }
0x102: {  	_ =	shalt  }

// kernel: kernel.13.cloned.1.call-start
scs
__scs_entry_jumppad:
0x0: {  	(pc) =	sbr.rel $0x88, $3  }
0x1: {  	(tag) =	ssettag $0x0;
	lr =	simm.s32 $0x1  }
0x2: {  	[smem:$0x3F9B] =	sst lr;
	_ =	strace $0xD0000000  }
0x3: {  	_ = 	snop  }
0x4: {  	_ = 	snop  }
0x5: {  	_ = 	snop  }
0x6: {  	_ = 	snop  }
0x7: {  	_ = 	snop  }
__scs_overlays_trampoline_lowered:
0x8: {  	[smem:$0x3FAA] =	sst s0  }
0x9: {  	[smem:$0x3FAB] =	sst s1  }
0xa: {  	[smem:$0x3FAC] =	sst s2  }
0xb: {  	[smem:$0x3FAD] =	sst s3  }
0xc: {  	[smem:$0x3FAE] =	sst s4  }
0xd: {  	[smem:$0x3FAF] =	sst s5  }
0xe: {  	[smem:$0x3FB0] =	sst s6  }
0xf: {  	[smem:$0x3FB1] =	sst s7  }
0x10: {  	[smem:$0x3FB2] =	sst s8  }
0x11: {  	[smem:$0x3FB3] =	sst s9;
	s0 =	simm.s32 @!p0 $0x0  }
0x12: {  	s1 =	sld [smem:$0x3F99];
	s0 =	simm.s32 @p0 $0x1  }
0x13: {  	[smem:$0x3FB4] =	sst s0;
	s0 =	simm.s32 @!p1 $0x0  }
0x14: {  	s2 =	sld [smem:$0x3F98];
	s0 =	simm.s32 @p1 $0x1  }
0x15: {  	[smem:$0x3FB5] =	sst s0;
	s0 =	simm.s32 @!p2 $0x0  }
0x16: {  	s3 =	sld [smem:$0x3FDB];
	s0 =	simm.s32 @p2 $0x1  }
0x17: {  	s4 =	simm.s32 $0x1BF5;
	[smem:$0x3FB7] =	sst s0  }
0x18: {  	s0 =	sld [smem:$0x3F9A];
	_ =	swait.ge [sflag:s4], $0x0  }
0x19: {  	s7 =	sld [smem:$0x3F9B]  }
0x1a: {  	s8 =	sadd.s32 $0xFFFFE003, lr  }
0x1b: {  	s9 =	sadd.s32 $0xFFFFFEF7, lr;
	s5 =	simm.s32 $0xFFFFFFFF;
	p2 =	slt.u32 s8, $0xFFFFF086  }
0x1c: {  	p1 =	slt.u32 s9, $0xF7A;
	s5 =	simm.s32 @!p2 $0x0  }
0x1d: {  	s5 =	simm.s32 @p1 $0x1;
	p0 =	seq.s32 s7, s2  }
0x1e: {  	s7 =	smul.u32 @!p0 $0xF7A, s2;
	p2 =	seq.s32 @!p0 s5, $0x0  }
0x1f: {  	s9 =	smul.u32 $0xF7A, s1;
	s8 =	simm.s32 @!p0 $0x1BF5;
	p2 =	por !p2, p0  }
0x20: {  	[sflag:s8] =	ssyncset.s32 @!p0 $0xFFFFF086;
	s6 =	sadd.s32 @!p0 s3, s7;
	s7 =	simm.s32 @!p0 $0x108  }
0x21: {  	s3 =	sadd.s32 s3, s9;
	s6 =	sadd.s32 @!p0 $0x88, s6;
	s7 =	simm.s32 @p2 $0x1082  }
0x22: {  	[simem:s7], [sflag:s8] =	dma.local @!p0 [hbm:s6], $0xF7A  }
0x23: {  	s9 =	sor.u32 $0xD0000000, s2;
	s6 =	simm.s32 $0x108;
	_ =	swait.ge @!p0 [sflag:s8], $0x0  }
0x24: {  	s3 =	sadd.s32 $0x88, s3;
	s6 =	simm.s32 @!p1 $0x1082;
	[sflag:s4] =	ssyncset.s32 $0xFFFFF086  }
0x25: {  	[simem:s6], [sflag:s4] =	dma.local [hbm:s3], $0xF7A  }
0x26: {  	[smem:$0x3F9B] =	sst s1;
	(tag) =	ssettag s2;
	_ =	strace s9  }
0x27: {  	s1 =	sld [smem:$0x3FAB]  }
0x28: {  	s2 =	sld [smem:$0x3FAC]  }
0x29: {  	s4 =	sld [smem:$0x3FAE]  }
0x2a: {  	p0 =	seq.s32 s5, $0x0;
	s5 =	sld [smem:$0x3FAF]  }
0x2b: {  	s6 =	sld [smem:$0x3FB0]  }
0x2c: {  	s7 =	sld [smem:$0x3FB1]  }
0x2d: {  	s3 =	simm.s32 $0x108;
	s8 =	sld [smem:$0x3FB2]  }
0x2e: {  	s3 =	simm.s32 @!p0 $0x1082;
	s9 =	sld [smem:$0x3FB3]  }
0x2f: {  	lr =	sadd.s32 s0, s3;
	s0 =	sld [smem:$0x3FAA]  }
0x30: {  	s3 =	sld [smem:$0x3FAD]  }
0x31: {  	[smem:$0x3FB6] =	sst s10  }
0x32: {  	s10 =	sld [smem:$0x3FB4];
	_ =	sdelay $0x3  }
0x33: {  	p0 =	seq.s32 s10, $0x1;
	s10 =	sld [smem:$0x3FB6];
	_ =	sdelay $0x3  }
0x34: {  	[smem:$0x3FB6] =	sst s10  }
0x35: {  	s10 =	sld [smem:$0x3FB5];
	_ =	sdelay $0x3  }
0x36: {  	p1 =	seq.s32 s10, $0x1;
	s10 =	sld [smem:$0x3FB6];
	_ =	sdelay $0x3  }
0x37: {  	[smem:$0x3FB6] =	sst s10  }
0x38: {  	s10 =	sld [smem:$0x3FB7]  }
0x39: {  	_ = 	snop;
	(pc) =	sbr.ind lr, $3  }
0x3a: {  	_ = 	snop  }
0x3b: {  	_ = 	snop  }
0x3c: {  	p2 =	seq.s32 s10, $0x1;
	s10 =	sld [smem:$0x3FB6]  }
0x3d: {  	_ =	shalt  }
0x3e: {  	_ =	shalt  }
0x3f: {  	_ =	shalt  }
0x40: {  	_ =	shalt  }
0x41: {  	_ =	shalt  }
0x42: {  	_ =	shalt  }
0x43: {  	_ =	shalt  }
0x44: {  	_ =	shalt  }
0x45: {  	_ =	shalt  }
0x46: {  	_ =	shalt  }
0x47: {  	_ =	shalt  }
0x48: {  	_ =	shalt  }
0x49: {  	_ =	shalt  }
0x4a: {  	_ =	shalt  }
0x4b: {  	_ =	shalt  }
0x4c: {  	_ =	shalt  }
0x4d: {  	_ =	shalt  }
0x4e: {  	_ =	shalt  }
0x4f: {  	_ =	shalt  }
0x50: {  	_ =	shalt  }
0x51: {  	_ =	shalt  }
0x52: {  	_ =	shalt  }
0x53: {  	_ =	shalt  }
0x54: {  	_ =	shalt  }
0x55: {  	_ =	shalt  }
0x56: {  	_ =	shalt  }
0x57: {  	_ =	shalt  }
0x58: {  	_ =	shalt  }
0x59: {  	_ =	shalt  }
0x5a: {  	_ =	shalt  }
0x5b: {  	_ =	shalt  }
0x5c: {  	_ =	shalt  }
0x5d: {  	_ =	shalt  }
0x5e: {  	_ =	shalt  }
0x5f: {  	_ =	shalt  }
0x60: {  	_ =	shalt  }
0x61: {  	_ =	shalt  }
0x62: {  	_ =	shalt  }
0x63: {  	_ =	shalt  }
0x64: {  	_ =	shalt  }
0x65: {  	_ =	shalt  }
0x66: {  	_ =	shalt  }
0x67: {  	_ =	shalt  }
0x68: {  	_ =	shalt  }
0x69: {  	_ =	shalt  }
0x6a: {  	_ =	shalt  }
0x6b: {  	_ =	shalt  }
0x6c: {  	_ =	shalt  }
0x6d: {  	_ =	shalt  }
0x6e: {  	_ =	shalt  }
0x6f: {  	_ =	shalt  }
0x70: {  	_ =	shalt  }
0x71: {  	_ =	shalt  }
0x72: {  	_ =	shalt  }
0x73: {  	_ =	shalt  }
0x74: {  	_ =	shalt  }
0x75: {  	_ =	shalt  }
0x76: {  	_ =	shalt  }
0x77: {  	_ =	shalt  }
0x78: {  	_ =	shalt  }
0x79: {  	_ =	shalt  }
0x7a: {  	_ =	shalt  }
0x7b: {  	_ =	shalt  }
0x7c: {  	_ =	shalt  }
0x7d: {  	_ =	shalt  }
0x7e: {  	_ =	shalt  }
0x7f: {  	_ =	shalt  }
0x80: {  	_ =	shalt  }
0x81: {  	_ =	shalt  }
0x82: {  	_ =	shalt  }
0x83: {  	_ =	shalt  }
0x84: {  	_ =	shalt  }
0x85: {  	_ =	shalt  }
0x86: {  	_ =	shalt  }
0x87: {  	_ =	shalt  }
.Lfunc_end0:
.L_simem_size_0:
called_computation.2_lowered:
.L_overlay_start_0:
0x88: {  	s2 =	sld [smem:$0x3FD9]  }
0x89: {  	s3 =	sld [smem:$0x3FFE];
	_ =	sdelay $0x1  }
0x8a: {  	s1 =	srdreg.scid  }
0x8b: {  	s0 =	sand.u32 $0x1, s1  }
0x8c: {  	s17 =	sshll.u32 s0, $0xA;
	s2 =	sadd.s32 s3, s2  }
0x8d: {  	s2 =	sadd.s32 s2, s17  }
0x8e: {  	[smem:$0x3FC2] =	sst s2  }
0x8f: {  	_ = 	snop  }
0x90: {  	s2 =	sld [smem:$0x3FD0];
	(tm) =	ssettm $0x1  }
0x91: {  	s18 =	sld [smem:$0x3FFB];
	_ =	sdelay $0x3  }
0x92: {  	_ =	strace s18  }
0x93: {  	s3 =	sld [smem:$0x3FFC];
	_ =	sdelay $0x3  }
0x94: {  	_ =	strace s3  }
0x95: {  	s3 =	sld [smem:$0x3FFD];
	_ =	sdelay $0x3  }
0x96: {  	_ =	strace s3  }
0x97: {  	_ =	strace $0x8FFFFFFF  }
0x98: {  	s19 =	sld [smem:$0x3FDB];
	_ =	sdelay $0x1  }
0x99: {  	s4 =	simm.s32 $_scs_section_size  }
0x9a: {  	s5 =	simm.s32 $_size__tile_overlayer_lowered;
	s6 =	simm.s32 $_tile_overlayer_lowered  }
0x9b: {  	s22 =	simm.s32 $0x1BFF;
	s21 =	sshll.u32 s6, $0x1;
	s3 =	sadd.s32 s4, s19  }
0x9c: {  	s7 =	simm.s32 $0x0;
	s20 =	sshll.u32 s5, $0x1;
	s5 =	sadd.s32 s21, s3  }
0x9d: {  	[timem:s7], [sflag:s22] =	dma.local [hbm:s5], s20  }
0x9e: {  	_ =	swait.ge [sflag:s22], s20  }
0x9f: {  	s4 =	ssub.s32 $0x0, s20;
	[sflag:s22] =	ssyncset.done $0x0  }
0xa0: {  	[sflag:s22] =	ssyncadd.s32 s4;
	_ =	sdelay $0x1  }
0xa1: {  	s23 =	simm.s32 $0x1B8B  }
0xa2: {  	_ =	swait.ge [sflag:s23], $0x1  }
0xa3: {  	[sflag:s23] =	ssyncset.done $0x0  }
0xa4: {  	s25 =	simm.s32 $0x1B8E;
	s24 =	sld [smem:$0x3FFE];
	[sflag:s23] =	ssyncadd.s32 $0xFFFFFFFF  }
0xa5: {  	s26 =	simm.s32 $execute0_lowered;
	[smem:$0x3FD2] =	sst s25  }
0xa6: {  	s5 =	sshll.u32 s26, $0x1;
	_ =	strace $0x8000004C;
	[dreg:$0x1] =	wrdreg $0xFFFFFFFF  }
0xa7: {  	s28 =	simm.s32 $_size_execute0_lowered;
	s3 =	sadd.s32 s3, s5;
	[dreg:$0x0] =	wrdreg $0x0  }
0xa8: {  	s5 =	sshll.u32 s28, $0x1;
	[dreg:$0x2] =	wrdreg s3  }
0xa9: {  	[dreg:$0x3] =	wrdreg s5  }
0xaa: {  	[dreg:$0x4] =	wrdreg $0xC0  }
0xab: {  	_ =	task [dreg:s7], $0x5FFFF  }
0xac: {  	[dreg:$0x1] =	wrdreg $0xFFFFFFFF  }
0xad: {  	[dreg:$0x0] =	wrdreg $0x60  }
0xae: {  	[dreg:$0x2] =	wrdreg s24  }
0xaf: {  	[dreg:$0x3] =	wrdreg s2  }
0xb0: {  	[dreg:$0x4] =	wrdreg $0xA8000  }
0xb1: {  	[dreg:$0x5] =	wrdreg $0x9  }
0xb2: {  	_ =	task.clear_ibuf [dreg:s7], $0x6FFFF;
	_ =	strace $0x9000004C  }
0xb3: {  	s29 =	simm.s32 $0x9;
	_ =	strace $0x8000004E  }
0xb4: {  	_ =	swait.ge [sflag:s29], $0x1  }
0xb5: {  	[sflag:s29] =	ssyncadd.s32 $0xFFFFFFFF  }
0xb6: {  	_ =	strace $0x9000004E  }
0xb7: {  	_ =	sfence  }
0xb8: {  	s30 =	sld [smem:$0x0];
	_ =	sdelay $0x2  }
0xb9: {  	s31 =	sshll.u32 s1, $0xD;
	s1 =	sshrl.u32 s1, $0x2  }
0xba: {  	s3 =	sand.u32 $0x4000, s31;
	s1 =	sadd.s32 s1, s30  }
0xbb: {  	s0 =	sor.u32 s3, s0;
	s1 =	sshll.u32 s1, $0x11  }
0xbc: {  	s0 =	sor.u32 s1, s0  }
0xbd: {  	s0 =	sadd.s32 $0x8F2B, s0  }
0xbe: {  	[sflag:s0] =	ssyncadd.remote.s32 $0x1  }
0xbf: {  	_ =	sfence.sel $0xFFFF  }
0xc0: {  	[dreg:$0x0] =	wrdreg $0xFFFFFFFF;
	(pc) =	sbr.abs _section_cstart, $3  }
0xc1: {  	[dreg:$0x1] =	wrdreg $0xFFFFFFFF  }
0xc2: {  	_ =	task.clear_ibuf [dreg:s7], $0x2FFFF;
	_ =	strace $0x9FFFFFFF  }
0xc3: {  	(tm) =	ssettm $0x7FFFFFFF  }
tec
execute0_lowered:
.L_overlay_start_1:
0x0: {  	(tag) =	ssettag $0x1  }
0x1: {  	s5 =	rddreg [dreg:$0x0]  }
0x2: {  	s2 =	rddreg [dreg:$0x1]  }
0x3: {  	s0 =	srdreg.scid;
	s3 =	rddreg [dreg:$0x2]  }
0x4: {  	s24 =	stileid.u32;
	s4 =	simm.s32 $0x0;
	s19 =	simm.s32 $0x1400  }
0x5: {  	s20 =	simm.s32 $0x80;
	s21 =	simm.s32 $0x2800;
	s22 =	simm.s32 $0x6800  }
0x6: {  	s23 =	simm.s32 $0x1;
	s28 =	simm.s32 $0x0;
	s7 =	smul.u32 $0x280, s24  }
0x7: {  	s6 =	sand.u32 $0x1, s0;
	[smem:$0x7FF] =	sst s4;
	s8 =	smul.u32 $0x50000, s24  }
0x8: {  	s13 =	sadd.s32 $0x1600, s5;
	s14 =	sadd.s32 $0xB600, s5;
	s30 =	smul.u32 $0x5000, s24  }
0x9: {  	s31 =	sshll.u32 s24, $0x6;
	s9 =	smul.u32 $0xA00, s24;
	s24 =	simm.s32 $0x1380  }
0xa: {  	s25 =	smul.u32 $0x2800, s6;
	_ =	strace $0x8000004D;
	s6 =	ssub.s32 $0x2, s6  }
0xb: {  	s26 =	sshrl.u32 s6, $0x1;
	s29 =	sshrl.u32 s8, $0x2;
	s18 =	sshrl.u32 s30, $0x3  }
0xc: {  	s8 =	sadd.s32 s14, s9;
	s7 =	sadd.s32 s7, s25;
	s16 =	ssub.s32 s6, s26  }
0xd: {  	s17 =	sadd.s32 s29, s3;
	s6 =	sor.u32 $0x1C02, s31;
	s10 =	sadd.s32 $0x280, s18  }
0xe: {  	s12 =	sadd.s32 $0x500, s18;
	s18 =	sadd.s32 $0x780, s18;
	v0 =	vmov s25;
	s25 =	simm.s32 $0x2700  }
0xf: {  	s26 =	simm.s32 $0x2780;
	s7 =	sshll.u32 s7, $0x4;
	s11 =	sadd.s32 s13, s12  }
0x10: {  	s12 =	sadd.s32 s14, s12;
	s16 =	smax.u32 s16, $0x1;
	s17 =	sshrl.u32 s17, $0x3  }
0x11: {  	s15 =	sadd.s32 s7, s5;
	s5 =	sadd.s32 s2, s7;
	s7 =	sadd.s32 s13, s9  }
0x12: {  	s9 =	sadd.s32 s13, s10;
	s10 =	sadd.s32 s14, s10;
	s13 =	sadd.s32 s13, s18  }
0x13: {  	s14 =	sadd.s32 s14, s18;
	s18 =	simm.s32 $0x2;
	s15 =	sadd.s32 $0x15600, s15  }
.LBB2_1:
0x14: {  	[spmem:s17], [sflag:s6] =	dma.local [hbm:s5], $0x2800  }
0x15: {  	_ =	swait.ge [sflag:s18], $0x2800  }
0x16: {  	[sflag:s18] =	ssyncset.done $0x0  }
0x17: {  	[sflag:s18] =	ssyncadd.s32 $0xFFFFD800  }
0x18: {  	[bflag:$0x0] =	sbarrier.arrive $0xFFFF  }
0x19: {  	[tilespmem:s4], [sflag:$0x2] =	stream.linear.gather [hbm4b:s7+s4], $0x1400, $0x38;
	[tilespmem:$0x1E800] =	vst v63  }
0x1a: {  	_ =	swait.ge [sflag:s18], $0x1400  }
0x1b: {  	[sflag:s18] =	ssyncset.done $0x0  }
0x1c: {  	[sflag:s18] =	ssyncadd.s32 $0xFFFFEC00  }
0x1d: {  	[tilespmem:s19], [sflag:$0x2] =	stream.linear.gather [hbm4b:s8+s4], $0x1400, $0x38;
	[tilespmem:$0x1E800] =	vst v63  }
0x1e: {  	_ =	swait.ge [sflag:s18], $0x1400  }
0x1f: {  	[sflag:s18] =	ssyncset.done $0x0  }
0x20: {  	s29 =	simm.s32 $0x70;
	[sflag:s18] =	ssyncadd.s32 $0xFFFFEC00  }
0x21: {  	v3 =	vld [tilespmem:s29+$0xFFFFFF90]  }
0x22: {  	v5 =	vld [tilespmem:s29+$0xFFFFFFA0]  }
0x23: {  	v4 =	vld [tilespmem:s29+$0xFFFFFFB0]  }
0x24: {  	v2 =	vld [tilespmem:s29+$0xFFFFFFC0]  }
0x25: {  	v1 =	vld [tilespmem:s29+$0xFFFFFFD0]  }
0x26: {  	s30 =	simm.s32 $0x3C0;
	v6 =	vadd.s32 v0, v3;
	v3 =	vld [tilespmem:s29+$0xFFFFFFE0]  }
.LBB2_2:
0x27: {  	p0 =	sne.s32 s30, $0x4FC0;
	[tilespmem:s29+$0xFFFFFF90] =	vst v6;
	v5 =	vadd.s32 v0, v5;
	v6 =	vld [tilespmem:s29+$0x0]  }
0x28: {  	s31 =	sshra.s32 s30, $0x2;
	[tilespmem:s29+$0xFFFFFFA0] =	vst v5;
	v4 =	vadd.s32 v0, v4;
	v7 =	vld [tilespmem:s29+$0xFFFFFFF0]  }
0x29: {  	v8 =	vld [tilespmem:s31+$0xFFFFFF90];
	[tilespmem:s29+$0xFFFFFFB0] =	vst v4;
	v2 =	vadd.s32 v0, v2  }
.Ltmp0:
0x2a: {  	v5 =	vld [tilespmem:s31+$0xFFFFFFA0];
	[tilespmem:s29+$0xFFFFFFC0] =	vst v2;
	v1 =	vadd.s32 v0, v1;
	(pc) =	sbr.rel @p0 .LBB2_2-.Ltmp0, $4  }
0x2b: {  	v4 =	vld [tilespmem:s31+$0xFFFFFFB0];
	[tilespmem:s29+$0xFFFFFFD0] =	vst v1;
	v1 =	vadd.s32 v0, v3  }
0x2c: {  	v2 =	vld [tilespmem:s31+$0xFFFFFFC0];
	[tilespmem:s29+$0xFFFFFFE0] =	vst v1;
	v3 =	vadd.s32 v0, v6  }
0x2d: {  	v1 =	vld [tilespmem:s31+$0xFFFFFFD0];
	v7 =	vadd.s32 v0, v7;
	[tilespmem:s29+$0x0] =	vst v3  }
0x2e: {  	s30 =	sadd.s32 $0x200, s30;
	v6 =	vadd.s32 v0, v8;
	v3 =	vld [tilespmem:s31+$0xFFFFFFE0];
	[tilespmem:s29+$0xFFFFFFF0] =	vst v7;
	s29 =	smov.u32 s31  }
0x2f: {  	[tilespmem:s29+$0xFFFFFF90] =	vst v6;
	v5 =	vadd.s32 v0, v5;
	v62 =	vld [tilespmem:s29+$0x0]  }
0x30: {  	v63 =	vld [tilespmem:s29+$0xFFFFFFF0];
	[tilespmem:s29+$0xFFFFFFA0] =	vst v5;
	v4 =	vadd.s32 v0, v4  }
0x31: {  	[tilespmem:s29+$0xFFFFFFB0] =	vst v4;
	v2 =	vadd.s32 v0, v2  }
0x32: {  	[tilespmem:s29+$0xFFFFFFC0] =	vst v2;
	v1 =	vadd.s32 v0, v1  }
0x33: {  	[tilespmem:s29+$0xFFFFFFD0] =	vst v1;
	v1 =	vadd.s32 v0, v3  }
0x34: {  	[tilespmem:s29+$0xFFFFFFE0] =	vst v1;
	v1 =	vadd.s32 v0, v62  }
0x35: {  	v2 =	vadd.s32 v0, v63;
	[tilespmem:s29+$0x0] =	vst v1  }
0x36: {  	[tilespmem:s29+$0xFFFFFFF0] =	vst v2;
	s29 =	simm.s32 $0x0  }
0x37: {  	[tilespmem:s21], [sflag:$0x2] =	stream.indirect.gather [hbm4b:s2+s20], $0x80, s29, s20, $0xb8;
	[tilespmem:$0x1E800] =	vst v63  }
0x38: {  	_ =	swait.ge [sflag:s18], $0x4000  }
0x39: {  	[sflag:s18] =	ssyncset.done $0x0  }
0x3a: {  	s29 =	simm.s32 $0x80;
	[sflag:s18] =	ssyncadd.s32 $0xFFFFC000  }
0x3b: {  	[tilespmem:s22], [sflag:$0x1] =	stream.indirect.gather [hbm4b:s2+s20], $0x80, s29, s20, $0xb8;
	[tilespmem:$0x1E800] =	vst v63  }
0x3c: {  	s29 =	simm.s32 $0x1400  }
0x3d: {  	[spmem:s3] =	stream.indirect.scatter.add.f32 [tilespmem:s21], [sflag:$0x2], $0x80, s29, s20, $0xb8;
	[tilespmem:$0x1E800] =	vst v63  }
0x3e: {  	_ =	swait.ge [sflag:s18], $0x4000  }
0x3f: {  	[sflag:s18] =	ssyncset.done $0x0  }
0x40: {  	[sflag:s18] =	ssyncadd.s32 $0xFFFFC000  }
0x41: {  	_ =	swait.ge [sflag:s23], $0x4000  }
0x42: {  	[sflag:s23] =	ssyncset.done $0x0  }
0x43: {  	s29 =	simm.s32 $0x100;
	[sflag:s23] =	ssyncadd.s32 $0xFFFFC000  }
0x44: {  	[tilespmem:s21], [sflag:$0x1] =	stream.indirect.gather [hbm4b:s2+s20], $0x80, s29, s20, $0xb8;
	[tilespmem:$0x1E800] =	vst v63  }
0x45: {  	s29 =	simm.s32 $0x1480  }
0x46: {  	[spmem:s3] =	stream.indirect.scatter.add.f32 [tilespmem:s22], [sflag:$0x2], $0x80, s29, s20, $0xb8;
	[tilespmem:$0x1E800] =	vst v63  }
0x47: {  	_ =	swait.ge [sflag:s18], $0x4000  }
0x48: {  	[sflag:s18] =	ssyncset.done $0x0  }
0x49: {  	[sflag:s18] =	ssyncadd.s32 $0xFFFFC000  }
0x4a: {  	_ =	swait.ge [sflag:s23], $0x4000  }
0x4b: {  	s30 =	simm.s32 $0x800;
	s29 =	simm.s32 $0x100;
	[sflag:s23] =	ssyncset.done $0x0  }
.LBB2_4:
0x4c: {  	s31 =	sadd.s32 $0x80, s29  }
0x4d: {  	[sflag:s23] =	ssyncadd.s32 $0xFFFFC000;
	s0 =	smov.u32 s30;
	s1 =	sadd.s32 $0x400, s30  }
0x4e: {  	[tilespmem:s22], [sflag:$0x1] =	stream.indirect.gather [hbm4b:s2+s20], $0x80, s31, s20, $0xb8;
	[tilespmem:$0x1E800] =	vst v63  }
0x4f: {  	p0 =	sne.s32 s30, $0x4800;
	s30 =	sadd.s32 $0x1400, s29  }
0x50: {  	[spmem:s3] =	stream.indirect.scatter.add.f32 [tilespmem:s21], [sflag:$0x2], $0x80, s30, s20, $0xb8;
	[tilespmem:$0x1E800] =	vst v63  }
0x51: {  	_ =	swait.ge [sflag:s18], $0x4000  }
0x52: {  	[sflag:s18] =	ssyncset.done $0x0  }
0x53: {  	[sflag:s18] =	ssyncadd.s32 $0xFFFFC000  }
0x54: {  	_ =	swait.ge [sflag:s23], $0x4000  }
0x55: {  	[sflag:s23] =	ssyncset.done $0x0  }
0x56: {  	s30 =	sadd.s32 $0x100, s29;
	[sflag:s23] =	ssyncadd.s32 $0xFFFFC000  }
0x57: {  	[tilespmem:s21], [sflag:$0x1] =	stream.indirect.gather [hbm4b:s2+s20], $0x80, s30, s20, $0xb8;
	[tilespmem:$0x1E800] =	vst v63  }
0x58: {  	s29 =	sadd.s32 $0x1480, s29  }
0x59: {  	[spmem:s3] =	stream.indirect.scatter.add.f32 [tilespmem:s22], [sflag:$0x2], $0x80, s29, s20, $0xb8;
	[tilespmem:$0x1E800] =	vst v63  }
.Ltmp1:
0x5a: {  	_ =	swait.ge [sflag:s18], $0x4000;
	(pc) =	sbr.rel @p0 .LBB2_4-.Ltmp1, $4  }
0x5b: {  	[sflag:s18] =	ssyncset.done $0x0  }
0x5c: {  	[sflag:s18] =	ssyncadd.s32 $0xFFFFC000  }
0x5d: {  	_ =	swait.ge [sflag:s23], $0x4000  }
0x5e: {  	s30 =	smov.u32 s1;
	s29 =	sshra.s32 s0, $0x2;
	[sflag:s23] =	ssyncset.done $0x0  }
0x5f: {  	s0 =	sadd.s32 $0x80, s29;
	[sflag:s23] =	ssyncadd.s32 $0xFFFFC000  }
0x60: {  	[tilespmem:s22], [sflag:$0x1] =	stream.indirect.gather [hbm4b:s2+s20], $0x80, s0, s20, $0xb8;
	[tilespmem:$0x1E800] =	vst v63  }
0x61: {  	s31 =	sadd.s32 $0x1400, s29  }
0x62: {  	[spmem:s3] =	stream.indirect.scatter.add.f32 [tilespmem:s21], [sflag:$0x2], $0x80, s31, s20, $0xb8;
	[tilespmem:$0x1E800] =	vst v63  }
0x63: {  	_ =	swait.ge [sflag:s18], $0x4000  }
0x64: {  	[sflag:s18] =	ssyncset.done $0x0  }
0x65: {  	[sflag:s18] =	ssyncadd.s32 $0xFFFFC000  }
0x66: {  	_ =	swait.ge [sflag:s23], $0x4000  }
0x67: {  	[sflag:s23] =	ssyncset.done $0x0  }
0x68: {  	s1 =	sadd.s32 $0x100, s29;
	[sflag:s23] =	ssyncadd.s32 $0xFFFFC000  }
0x69: {  	[tilespmem:s21], [sflag:$0x1] =	stream.indirect.gather [hbm4b:s2+s20], $0x80, s1, s20, $0xb8;
	[tilespmem:$0x1E800] =	vst v63  }
0x6a: {  	s31 =	sadd.s32 $0x1480, s29  }
0x6b: {  	[spmem:s3] =	stream.indirect.scatter.add.f32 [tilespmem:s22], [sflag:$0x2], $0x80, s31, s20, $0xb8;
	[tilespmem:$0x1E800] =	vst v63  }
0x6c: {  	_ =	swait.ge [sflag:s18], $0x4000  }
0x6d: {  	[sflag:s18] =	ssyncset.done $0x0  }
0x6e: {  	[sflag:s18] =	ssyncadd.s32 $0xFFFFC000  }
0x6f: {  	_ =	swait.ge [sflag:s23], $0x4000  }
0x70: {  	[sflag:s23] =	ssyncset.done $0x0  }
0x71: {  	[sflag:s23] =	ssyncadd.s32 $0xFFFFC000  }
0x72: {  	[tilespmem:s22], [sflag:$0x1] =	stream.indirect.gather [hbm4b:s2+s20], $0x80, s24, s20, $0xb8;
	[tilespmem:$0x1E800] =	vst v63  }
0x73: {  	_ = 	snop  }
0x74: {  	[spmem:s3] =	stream.indirect.scatter.add.f32 [tilespmem:s21], [sflag:$0x2], $0x80, s25, s20, $0xb8;
	[tilespmem:$0x1E800] =	vst v63  }
0x75: {  	_ =	swait.ge [sflag:s18], $0x4000  }
0x76: {  	[sflag:s18] =	ssyncset.done $0x0  }
0x77: {  	[sflag:s18] =	ssyncadd.s32 $0xFFFFC000  }
0x78: {  	_ =	swait.ge [sflag:s23], $0x4000  }
0x79: {  	[sflag:s23] =	ssyncset.done $0x0  }
0x7a: {  	[sflag:s23] =	ssyncadd.s32 $0xFFFFC000  }
0x7b: {  	[tilespmem:s21], [sflag:$0x1] =	stream.indirect.gather [hbm4b:s2+s20], $0x80, s24, s20, $0xb8;
	[tilespmem:$0x1E800] =	vst v63  }
0x7c: {  	_ = 	snop  }
0x7d: {  	[spmem:s3] =	stream.indirect.scatter.add.f32 [tilespmem:s22], [sflag:$0x2], $0x80, s26, s20, $0xb8;
	[tilespmem:$0x1E800] =	vst v63  }
0x7e: {  	_ =	swait.ge [sflag:s18], $0x4000  }
0x7f: {  	[sflag:s18] =	ssyncset.done $0x0  }
0x80: {  	[sflag:s18] =	ssyncadd.s32 $0xFFFFC000  }
0x81: {  	_ =	swait.ge [sflag:s23], $0x4000  }
0x82: {  	[sflag:s23] =	ssyncset.done $0x0  }
0x83: {  	[sflag:s23] =	ssyncadd.s32 $0xFFFFC000  }
0x84: {  	[tilespmem:s4], [sflag:$0x2] =	stream.linear.gather [hbm4b:s9+s4], $0x1400, $0x38;
	[tilespmem:$0x1E800] =	vst v63  }
0x85: {  	_ =	swait.ge [sflag:s18], $0x1400  }
0x86: {  	[sflag:s18] =	ssyncset.done $0x0  }
0x87: {  	[sflag:s18] =	ssyncadd.s32 $0xFFFFEC00  }
0x88: {  	[tilespmem:s19], [sflag:$0x2] =	stream.linear.gather [hbm4b:s10+s4], $0x1400, $0x38;
	[tilespmem:$0x1E800] =	vst v63  }
0x89: {  	_ =	swait.ge [sflag:s18], $0x1400  }
0x8a: {  	[sflag:s18] =	ssyncset.done $0x0  }
0x8b: {  	s29 =	simm.s32 $0x70;
	[sflag:s18] =	ssyncadd.s32 $0xFFFFEC00  }
0x8c: {  	v3 =	vld [tilespmem:s29+$0xFFFFFF90]  }
0x8d: {  	v5 =	vld [tilespmem:s29+$0xFFFFFFA0]  }
0x8e: {  	v4 =	vld [tilespmem:s29+$0xFFFFFFB0]  }
0x8f: {  	v2 =	vld [tilespmem:s29+$0xFFFFFFC0]  }
0x90: {  	v1 =	vld [tilespmem:s29+$0xFFFFFFD0]  }
0x91: {  	s30 =	simm.s32 $0x3C0;
	v6 =	vadd.s32 v0, v3;
	v3 =	vld [tilespmem:s29+$0xFFFFFFE0]  }
.LBB2_6:
0x92: {  	p0 =	sne.s32 s30, $0x4FC0;
	[tilespmem:s29+$0xFFFFFF90] =	vst v6;
	v5 =	vadd.s32 v0, v5;
	v6 =	vld [tilespmem:s29+$0x0]  }
0x93: {  	s0 =	sshra.s32 s30, $0x2;
	[tilespmem:s29+$0xFFFFFFA0] =	vst v5;
	v4 =	vadd.s32 v0, v4;
	v7 =	vld [tilespmem:s29+$0xFFFFFFF0]  }
0x94: {  	v8 =	vld [tilespmem:s0+$0xFFFFFF90];
	[tilespmem:s29+$0xFFFFFFB0] =	vst v4;
	v2 =	vadd.s32 v0, v2  }
.Ltmp2:
0x95: {  	v5 =	vld [tilespmem:s0+$0xFFFFFFA0];
	[tilespmem:s29+$0xFFFFFFC0] =	vst v2;
	v1 =	vadd.s32 v0, v1;
	(pc) =	sbr.rel @p0 .LBB2_6-.Ltmp2, $4  }
0x96: {  	v4 =	vld [tilespmem:s0+$0xFFFFFFB0];
	[tilespmem:s29+$0xFFFFFFD0] =	vst v1;
	v1 =	vadd.s32 v0, v3  }
0x97: {  	v2 =	vld [tilespmem:s0+$0xFFFFFFC0];
	[tilespmem:s29+$0xFFFFFFE0] =	vst v1;
	v3 =	vadd.s32 v0, v6  }
0x98: {  	v1 =	vld [tilespmem:s0+$0xFFFFFFD0];
	v7 =	vadd.s32 v0, v7;
	[tilespmem:s29+$0x0] =	vst v3  }
0x99: {  	s30 =	sadd.s32 $0x200, s30;
	v6 =	vadd.s32 v0, v8;
	v3 =	vld [tilespmem:s0+$0xFFFFFFE0];
	[tilespmem:s29+$0xFFFFFFF0] =	vst v7;
	s29 =	smov.u32 s0  }
0x9a: {  	[tilespmem:s29+$0xFFFFFF90] =	vst v6;
	v5 =	vadd.s32 v0, v5;
	v62 =	vld [tilespmem:s29+$0x0]  }
0x9b: {  	v63 =	vld [tilespmem:s29+$0xFFFFFFF0];
	[tilespmem:s29+$0xFFFFFFA0] =	vst v5;
	v4 =	vadd.s32 v0, v4  }
0x9c: {  	[tilespmem:s29+$0xFFFFFFB0] =	vst v4;
	v2 =	vadd.s32 v0, v2  }
0x9d: {  	[tilespmem:s29+$0xFFFFFFC0] =	vst v2;
	v1 =	vadd.s32 v0, v1  }
0x9e: {  	[tilespmem:s29+$0xFFFFFFD0] =	vst v1;
	v1 =	vadd.s32 v0, v3  }
0x9f: {  	[tilespmem:s29+$0xFFFFFFE0] =	vst v1;
	v1 =	vadd.s32 v0, v62  }
0xa0: {  	v2 =	vadd.s32 v0, v63;
	[tilespmem:s29+$0x0] =	vst v1  }
0xa1: {  	s0 =	simm.s32 $0x0;
	[tilespmem:s29+$0xFFFFFFF0] =	vst v2  }
0xa2: {  	[tilespmem:s21], [sflag:$0x2] =	stream.indirect.gather [hbm4b:s2+s20], $0x80, s0, s20, $0xb8;
	[tilespmem:$0x1E800] =	vst v63  }
0xa3: {  	_ =	swait.ge [sflag:s18], $0x4000  }
0xa4: {  	[sflag:s18] =	ssyncset.done $0x0  }
0xa5: {  	s1 =	simm.s32 $0x80;
	[sflag:s18] =	ssyncadd.s32 $0xFFFFC000  }
0xa6: {  	[tilespmem:s22], [sflag:$0x1] =	stream.indirect.gather [hbm4b:s2+s20], $0x80, s1, s20, $0xb8;
	[tilespmem:$0x1E800] =	vst v63  }
0xa7: {  	s31 =	simm.s32 $0x1400  }
0xa8: {  	[spmem:s3] =	stream.indirect.scatter.add.f32 [tilespmem:s21], [sflag:$0x2], $0x80, s31, s20, $0xb8;
	[tilespmem:$0x1E800] =	vst v63  }
0xa9: {  	_ =	swait.ge [sflag:s18], $0x4000  }
0xaa: {  	[sflag:s18] =	ssyncset.done $0x0  }
0xab: {  	[sflag:s18] =	ssyncadd.s32 $0xFFFFC000  }
0xac: {  	_ =	swait.ge [sflag:s23], $0x4000  }
0xad: {  	[sflag:s23] =	ssyncset.done $0x0  }
0xae: {  	s1 =	simm.s32 $0x100;
	[sflag:s23] =	ssyncadd.s32 $0xFFFFC000  }
0xaf: {  	[tilespmem:s21], [sflag:$0x1] =	stream.indirect.gather [hbm4b:s2+s20], $0x80, s1, s20, $0xb8;
	[tilespmem:$0x1E800] =	vst v63  }
0xb0: {  	s31 =	simm.s32 $0x1480  }
0xb1: {  	[spmem:s3] =	stream.indirect.scatter.add.f32 [tilespmem:s22], [sflag:$0x2], $0x80, s31, s20, $0xb8;
	[tilespmem:$0x1E800] =	vst v63  }
0xb2: {  	_ =	swait.ge [sflag:s18], $0x4000  }
0xb3: {  	[sflag:s18] =	ssyncset.done $0x0  }
0xb4: {  	[sflag:s18] =	ssyncadd.s32 $0xFFFFC000  }
0xb5: {  	_ =	swait.ge [sflag:s23], $0x4000  }
0xb6: {  	s30 =	simm.s32 $0x800;
	s29 =	simm.s32 $0x100;
	[sflag:s23] =	ssyncset.done $0x0  }
.LBB2_8:
0xb7: {  	s0 =	sadd.s32 $0x80, s29  }
0xb8: {  	[sflag:s23] =	ssyncadd.s32 $0xFFFFC000;
	s1 =	smov.u32 s30;
	s31 =	sadd.s32 $0x400, s30  }
0xb9: {  	[tilespmem:s22], [sflag:$0x1] =	stream.indirect.gather [hbm4b:s2+s20], $0x80, s0, s20, $0xb8;
	[tilespmem:$0x1E800] =	vst v63  }
0xba: {  	p0 =	sne.s32 s30, $0x4800;
	s0 =	sadd.s32 $0x1400, s29  }
0xbb: {  	[spmem:s3] =	stream.indirect.scatter.add.f32 [tilespmem:s21], [sflag:$0x2], $0x80, s0, s20, $0xb8;
	[tilespmem:$0x1E800] =	vst v63  }
0xbc: {  	_ =	swait.ge [sflag:s18], $0x4000  }
0xbd: {  	[sflag:s18] =	ssyncset.done $0x0  }
0xbe: {  	[sflag:s18] =	ssyncadd.s32 $0xFFFFC000  }
0xbf: {  	_ =	swait.ge [sflag:s23], $0x4000  }
0xc0: {  	[sflag:s23] =	ssyncset.done $0x0  }
0xc1: {  	s0 =	sadd.s32 $0x100, s29;
	[sflag:s23] =	ssyncadd.s32 $0xFFFFC000  }
0xc2: {  	[tilespmem:s21], [sflag:$0x1] =	stream.indirect.gather [hbm4b:s2+s20], $0x80, s0, s20, $0xb8;
	[tilespmem:$0x1E800] =	vst v63  }
0xc3: {  	s0 =	sadd.s32 $0x1480, s29  }
0xc4: {  	[spmem:s3] =	stream.indirect.scatter.add.f32 [tilespmem:s22], [sflag:$0x2], $0x80, s0, s20, $0xb8;
	[tilespmem:$0x1E800] =	vst v63  }
.Ltmp3:
0xc5: {  	_ =	swait.ge [sflag:s18], $0x4000;
	(pc) =	sbr.rel @p0 .LBB2_8-.Ltmp3, $4  }
0xc6: {  	[sflag:s18] =	ssyncset.done $0x0  }
0xc7: {  	[sflag:s18] =	ssyncadd.s32 $0xFFFFC000  }
0xc8: {  	_ =	swait.ge [sflag:s23], $0x4000  }
0xc9: {  	s30 =	smov.u32 s31;
	s29 =	sshra.s32 s1, $0x2;
	[sflag:s23] =	ssyncset.done $0x0  }
0xca: {  	s0 =	sadd.s32 $0x80, s29;
	[sflag:s23] =	ssyncadd.s32 $0xFFFFC000  }
0xcb: {  	[tilespmem:s22], [sflag:$0x1] =	stream.indirect.gather [hbm4b:s2+s20], $0x80, s0, s20, $0xb8;
	[tilespmem:$0x1E800] =	vst v63  }
0xcc: {  	s31 =	sadd.s32 $0x1400, s29  }
0xcd: {  	[spmem:s3] =	stream.indirect.scatter.add.f32 [tilespmem:s21], [sflag:$0x2], $0x80, s31, s20, $0xb8;
	[tilespmem:$0x1E800] =	vst v63  }
0xce: {  	_ =	swait.ge [sflag:s18], $0x4000  }
0xcf: {  	[sflag:s18] =	ssyncset.done $0x0  }
0xd0: {  	[sflag:s18] =	ssyncadd.s32 $0xFFFFC000  }
0xd1: {  	_ =	swait.ge [sflag:s23], $0x4000  }
0xd2: {  	[sflag:s23] =	ssyncset.done $0x0  }
0xd3: {  	s1 =	sadd.s32 $0x100, s29;
	[sflag:s23] =	ssyncadd.s32 $0xFFFFC000  }
0xd4: {  	[tilespmem:s21], [sflag:$0x1] =	stream.indirect.gather [hbm4b:s2+s20], $0x80, s1, s20, $0xb8;
	[tilespmem:$0x1E800] =	vst v63  }
0xd5: {  	s31 =	sadd.s32 $0x1480, s29  }
0xd6: {  	[spmem:s3] =	stream.indirect.scatter.add.f32 [tilespmem:s22], [sflag:$0x2], $0x80, s31, s20, $0xb8;
	[tilespmem:$0x1E800] =	vst v63  }
0xd7: {  	_ =	swait.ge [sflag:s18], $0x4000  }
0xd8: {  	[sflag:s18] =	ssyncset.done $0x0  }
0xd9: {  	[sflag:s18] =	ssyncadd.s32 $0xFFFFC000  }
0xda: {  	_ =	swait.ge [sflag:s23], $0x4000  }
0xdb: {  	[sflag:s23] =	ssyncset.done $0x0  }
0xdc: {  	[sflag:s23] =	ssyncadd.s32 $0xFFFFC000  }
0xdd: {  	[tilespmem:s22], [sflag:$0x1] =	stream.indirect.gather [hbm4b:s2+s20], $0x80, s24, s20, $0xb8;
	[tilespmem:$0x1E800] =	vst v63  }
0xde: {  	_ = 	snop  }
0xdf: {  	[spmem:s3] =	stream.indirect.scatter.add.f32 [tilespmem:s21], [sflag:$0x2], $0x80, s25, s20, $0xb8;
	[tilespmem:$0x1E800] =	vst v63  }
0xe0: {  	_ =	swait.ge [sflag:s18], $0x4000  }
0xe1: {  	[sflag:s18] =	ssyncset.done $0x0  }
0xe2: {  	[sflag:s18] =	ssyncadd.s32 $0xFFFFC000  }
0xe3: {  	_ =	swait.ge [sflag:s23], $0x4000  }
0xe4: {  	[sflag:s23] =	ssyncset.done $0x0  }
0xe5: {  	[sflag:s23] =	ssyncadd.s32 $0xFFFFC000  }
0xe6: {  	[tilespmem:s21], [sflag:$0x1] =	stream.indirect.gather [hbm4b:s2+s20], $0x80, s24, s20, $0xb8;
	[tilespmem:$0x1E800] =	vst v63  }
0xe7: {  	_ = 	snop  }
0xe8: {  	[spmem:s3] =	stream.indirect.scatter.add.f32 [tilespmem:s22], [sflag:$0x2], $0x80, s26, s20, $0xb8;
	[tilespmem:$0x1E800] =	vst v63  }
0xe9: {  	_ =	swait.ge [sflag:s18], $0x4000  }
0xea: {  	[sflag:s18] =	ssyncset.done $0x0  }
0xeb: {  	[sflag:s18] =	ssyncadd.s32 $0xFFFFC000  }
0xec: {  	_ =	swait.ge [sflag:s23], $0x4000  }
0xed: {  	[sflag:s23] =	ssyncset.done $0x0  }
0xee: {  	[sflag:s23] =	ssyncadd.s32 $0xFFFFC000  }
0xef: {  	[tilespmem:s4], [sflag:$0x2] =	stream.linear.gather [hbm4b:s11+s4], $0x1400, $0x38;
	[tilespmem:$0x1E800] =	vst v63  }
0xf0: {  	_ =	swait.ge [sflag:s18], $0x1400  }
0xf1: {  	[sflag:s18] =	ssyncset.done $0x0  }
0xf2: {  	[sflag:s18] =	ssyncadd.s32 $0xFFFFEC00  }
0xf3: {  	[tilespmem:s19], [sflag:$0x2] =	stream.linear.gather [hbm4b:s12+s4], $0x1400, $0x38;
	[tilespmem:$0x1E800] =	vst v63  }
0xf4: {  	_ =	swait.ge [sflag:s18], $0x1400  }
0xf5: {  	[sflag:s18] =	ssyncset.done $0x0  }
0xf6: {  	s29 =	simm.s32 $0x70;
	[sflag:s18] =	ssyncadd.s32 $0xFFFFEC00  }
0xf7: {  	v3 =	vld [tilespmem:s29+$0xFFFFFF90]  }
0xf8: {  	v5 =	vld [tilespmem:s29+$0xFFFFFFA0]  }
0xf9: {  	v4 =	vld [tilespmem:s29+$0xFFFFFFB0]  }
0xfa: {  	v2 =	vld [tilespmem:s29+$0xFFFFFFC0]  }
0xfb: {  	v1 =	vld [tilespmem:s29+$0xFFFFFFD0]  }
0xfc: {  	s30 =	simm.s32 $0x3C0;
	v6 =	vadd.s32 v0, v3;
	v3 =	vld [tilespmem:s29+$0xFFFFFFE0]  }
.LBB2_10:
0xfd: {  	p0 =	sne.s32 s30, $0x4FC0;
	[tilespmem:s29+$0xFFFFFF90] =	vst v6;
	v5 =	vadd.s32 v0, v5;
	v6 =	vld [tilespmem:s29+$0x0]  }
0xfe: {  	s0 =	sshra.s32 s30, $0x2;
	[tilespmem:s29+$0xFFFFFFA0] =	vst v5;
	v4 =	vadd.s32 v0, v4;
	v7 =	vld [tilespmem:s29+$0xFFFFFFF0]  }
0xff: {  	v8 =	vld [tilespmem:s0+$0xFFFFFF90];
	[tilespmem:s29+$0xFFFFFFB0] =	vst v4;
	v2 =	vadd.s32 v0, v2  }
.Ltmp4:
0x100: {  	v5 =	vld [tilespmem:s0+$0xFFFFFFA0];
	[tilespmem:s29+$0xFFFFFFC0] =	vst v2;
	v1 =	vadd.s32 v0, v1;
	(pc) =	sbr.rel @p0 .LBB2_10-.Ltmp4, $4  }
0x101: {  	v4 =	vld [tilespmem:s0+$0xFFFFFFB0];
	[tilespmem:s29+$0xFFFFFFD0] =	vst v1;
	v1 =	vadd.s32 v0, v3  }
0x102: {  	v2 =	vld [tilespmem:s0+$0xFFFFFFC0];
	[tilespmem:s29+$0xFFFFFFE0] =	vst v1;
	v3 =	vadd.s32 v0, v6  }
0x103: {  	v1 =	vld [tilespmem:s0+$0xFFFFFFD0];
	v7 =	vadd.s32 v0, v7;
	[tilespmem:s29+$0x0] =	vst v3  }
0x104: {  	s30 =	sadd.s32 $0x200, s30;
	v6 =	vadd.s32 v0, v8;
	v3 =	vld [tilespmem:s0+$0xFFFFFFE0];
	[tilespmem:s29+$0xFFFFFFF0] =	vst v7;
	s29 =	smov.u32 s0  }
0x105: {  	[tilespmem:s29+$0xFFFFFF90] =	vst v6;
	v5 =	vadd.s32 v0, v5;
	v62 =	vld [tilespmem:s29+$0x0]  }
0x106: {  	v63 =	vld [tilespmem:s29+$0xFFFFFFF0];
	[tilespmem:s29+$0xFFFFFFA0] =	vst v5;
	v4 =	vadd.s32 v0, v4  }
0x107: {  	[tilespmem:s29+$0xFFFFFFB0] =	vst v4;
	v2 =	vadd.s32 v0, v2  }
0x108: {  	[tilespmem:s29+$0xFFFFFFC0] =	vst v2;
	v1 =	vadd.s32 v0, v1  }
0x109: {  	[tilespmem:s29+$0xFFFFFFD0] =	vst v1;
	v1 =	vadd.s32 v0, v3  }
0x10a: {  	[tilespmem:s29+$0xFFFFFFE0] =	vst v1;
	v1 =	vadd.s32 v0, v62  }
0x10b: {  	v2 =	vadd.s32 v0, v63;
	[tilespmem:s29+$0x0] =	vst v1  }
0x10c: {  	s0 =	simm.s32 $0x0;
	[tilespmem:s29+$0xFFFFFFF0] =	vst v2  }
0x10d: {  	[tilespmem:s21], [sflag:$0x2] =	stream.indirect.gather [hbm4b:s2+s20], $0x80, s0, s20, $0xb8;
	[tilespmem:$0x1E800] =	vst v63  }
0x10e: {  	_ =	swait.ge [sflag:s18], $0x4000  }
0x10f: {  	[sflag:s18] =	ssyncset.done $0x0  }
0x110: {  	s1 =	simm.s32 $0x80;
	[sflag:s18] =	ssyncadd.s32 $0xFFFFC000  }
0x111: {  	[tilespmem:s22], [sflag:$0x1] =	stream.indirect.gather [hbm4b:s2+s20], $0x80, s1, s20, $0xb8;
	[tilespmem:$0x1E800] =	vst v63  }
0x112: {  	s31 =	simm.s32 $0x1400  }
0x113: {  	[spmem:s3] =	stream.indirect.scatter.add.f32 [tilespmem:s21], [sflag:$0x2], $0x80, s31, s20, $0xb8;
	[tilespmem:$0x1E800] =	vst v63  }
0x114: {  	_ =	swait.ge [sflag:s18], $0x4000  }
0x115: {  	[sflag:s18] =	ssyncset.done $0x0  }
0x116: {  	[sflag:s18] =	ssyncadd.s32 $0xFFFFC000  }
0x117: {  	_ =	swait.ge [sflag:s23], $0x4000  }
0x118: {  	[sflag:s23] =	ssyncset.done $0x0  }
0x119: {  	s1 =	simm.s32 $0x100;
	[sflag:s23] =	ssyncadd.s32 $0xFFFFC000  }
0x11a: {  	[tilespmem:s21], [sflag:$0x1] =	stream.indirect.gather [hbm4b:s2+s20], $0x80, s1, s20, $0xb8;
	[tilespmem:$0x1E800] =	vst v63  }
0x11b: {  	s31 =	simm.s32 $0x1480  }
0x11c: {  	[spmem:s3] =	stream.indirect.scatter.add.f32 [tilespmem:s22], [sflag:$0x2], $0x80, s31, s20, $0xb8;
	[tilespmem:$0x1E800] =	vst v63  }
0x11d: {  	_ =	swait.ge [sflag:s18], $0x4000  }
0x11e: {  	[sflag:s18] =	ssyncset.done $0x0  }
0x11f: {  	[sflag:s18] =	ssyncadd.s32 $0xFFFFC000  }
0x120: {  	_ =	swait.ge [sflag:s23], $0x4000  }
0x121: {  	s30 =	simm.s32 $0x800;
	s29 =	simm.s32 $0x100;
	[sflag:s23] =	ssyncset.done $0x0  }
.LBB2_12:
0x122: {  	s0 =	sadd.s32 $0x80, s29  }
0x123: {  	[sflag:s23] =	ssyncadd.s32 $0xFFFFC000;
	s1 =	smov.u32 s30;
	s31 =	sadd.s32 $0x400, s30  }
0x124: {  	[tilespmem:s22], [sflag:$0x1] =	stream.indirect.gather [hbm4b:s2+s20], $0x80, s0, s20, $0xb8;
	[tilespmem:$0x1E800] =	vst v63  }
0x125: {  	p0 =	sne.s32 s30, $0x4800;
	s0 =	sadd.s32 $0x1400, s29  }
0x126: {  	[spmem:s3] =	stream.indirect.scatter.add.f32 [tilespmem:s21], [sflag:$0x2], $0x80, s0, s20, $0xb8;
	[tilespmem:$0x1E800] =	vst v63  }
0x127: {  	_ =	swait.ge [sflag:s18], $0x4000  }
0x128: {  	[sflag:s18] =	ssyncset.done $0x0  }
0x129: {  	[sflag:s18] =	ssyncadd.s32 $0xFFFFC000  }
0x12a: {  	_ =	swait.ge [sflag:s23], $0x4000  }
0x12b: {  	[sflag:s23] =	ssyncset.done $0x0  }
0x12c: {  	s0 =	sadd.s32 $0x100, s29;
	[sflag:s23] =	ssyncadd.s32 $0xFFFFC000  }
0x12d: {  	[tilespmem:s21], [sflag:$0x1] =	stream.indirect.gather [hbm4b:s2+s20], $0x80, s0, s20, $0xb8;
	[tilespmem:$0x1E800] =	vst v63  }
0x12e: {  	s0 =	sadd.s32 $0x1480, s29  }
0x12f: {  	[spmem:s3] =	stream.indirect.scatter.add.f32 [tilespmem:s22], [sflag:$0x2], $0x80, s0, s20, $0xb8;
	[tilespmem:$0x1E800] =	vst v63  }
.Ltmp5:
0x130: {  	_ =	swait.ge [sflag:s18], $0x4000;
	(pc) =	sbr.rel @p0 .LBB2_12-.Ltmp5, $4  }
0x131: {  	[sflag:s18] =	ssyncset.done $0x0  }
0x132: {  	[sflag:s18] =	ssyncadd.s32 $0xFFFFC000  }
0x133: {  	_ =	swait.ge [sflag:s23], $0x4000  }
0x134: {  	s30 =	smov.u32 s31;
	s29 =	sshra.s32 s1, $0x2;
	[sflag:s23] =	ssyncset.done $0x0  }
0x135: {  	s0 =	sadd.s32 $0x80, s29;
	[sflag:s23] =	ssyncadd.s32 $0xFFFFC000  }
0x136: {  	[tilespmem:s22], [sflag:$0x1] =	stream.indirect.gather [hbm4b:s2+s20], $0x80, s0, s20, $0xb8;
	[tilespmem:$0x1E800] =	vst v63  }
0x137: {  	s31 =	sadd.s32 $0x1400, s29  }
0x138: {  	[spmem:s3] =	stream.indirect.scatter.add.f32 [tilespmem:s21], [sflag:$0x2], $0x80, s31, s20, $0xb8;
	[tilespmem:$0x1E800] =	vst v63  }
0x139: {  	_ =	swait.ge [sflag:s18], $0x4000  }
0x13a: {  	[sflag:s18] =	ssyncset.done $0x0  }
0x13b: {  	[sflag:s18] =	ssyncadd.s32 $0xFFFFC000  }
0x13c: {  	_ =	swait.ge [sflag:s23], $0x4000  }
0x13d: {  	[sflag:s23] =	ssyncset.done $0x0  }
0x13e: {  	s1 =	sadd.s32 $0x100, s29;
	[sflag:s23] =	ssyncadd.s32 $0xFFFFC000  }
0x13f: {  	[tilespmem:s21], [sflag:$0x1] =	stream.indirect.gather [hbm4b:s2+s20], $0x80, s1, s20, $0xb8;
	[tilespmem:$0x1E800] =	vst v63  }
0x140: {  	s31 =	sadd.s32 $0x1480, s29  }
0x141: {  	[spmem:s3] =	stream.indirect.scatter.add.f32 [tilespmem:s22], [sflag:$0x2], $0x80, s31, s20, $0xb8;
	[tilespmem:$0x1E800] =	vst v63  }
0x142: {  	_ =	swait.ge [sflag:s18], $0x4000  }
0x143: {  	[sflag:s18] =	ssyncset.done $0x0  }
0x144: {  	[sflag:s18] =	ssyncadd.s32 $0xFFFFC000  }
0x145: {  	_ =	swait.ge [sflag:s23], $0x4000  }
0x146: {  	[sflag:s23] =	ssyncset.done $0x0  }
0x147: {  	[sflag:s23] =	ssyncadd.s32 $0xFFFFC000  }
0x148: {  	[tilespmem:s22], [sflag:$0x1] =	stream.indirect.gather [hbm4b:s2+s20], $0x80, s24, s20, $0xb8;
	[tilespmem:$0x1E800] =	vst v63  }
0x149: {  	_ = 	snop  }
0x14a: {  	[spmem:s3] =	stream.indirect.scatter.add.f32 [tilespmem:s21], [sflag:$0x2], $0x80, s25, s20, $0xb8;
	[tilespmem:$0x1E800] =	vst v63  }
0x14b: {  	_ =	swait.ge [sflag:s18], $0x4000  }
0x14c: {  	[sflag:s18] =	ssyncset.done $0x0  }
0x14d: {  	[sflag:s18] =	ssyncadd.s32 $0xFFFFC000  }
0x14e: {  	_ =	swait.ge [sflag:s23], $0x4000  }
0x14f: {  	[sflag:s23] =	ssyncset.done $0x0  }
0x150: {  	[sflag:s23] =	ssyncadd.s32 $0xFFFFC000  }
0x151: {  	[tilespmem:s21], [sflag:$0x1] =	stream.indirect.gather [hbm4b:s2+s20], $0x80, s24, s20, $0xb8;
	[tilespmem:$0x1E800] =	vst v63  }
0x152: {  	_ = 	snop  }
0x153: {  	[spmem:s3] =	stream.indirect.scatter.add.f32 [tilespmem:s22], [sflag:$0x2], $0x80, s26, s20, $0xb8;
	[tilespmem:$0x1E800] =	vst v63  }
0x154: {  	_ =	swait.ge [sflag:s18], $0x4000  }
0x155: {  	[sflag:s18] =	ssyncset.done $0x0  }
0x156: {  	[sflag:s18] =	ssyncadd.s32 $0xFFFFC000  }
0x157: {  	_ =	swait.ge [sflag:s23], $0x4000  }
0x158: {  	[sflag:s23] =	ssyncset.done $0x0  }
0x159: {  	[sflag:s23] =	ssyncadd.s32 $0xFFFFC000  }
0x15a: {  	[tilespmem:s4], [sflag:$0x2] =	stream.linear.gather [hbm4b:s13+s4], $0x1400, $0x38;
	[tilespmem:$0x1E800] =	vst v63  }
0x15b: {  	_ =	swait.ge [sflag:s18], $0x1400  }
0x15c: {  	[sflag:s18] =	ssyncset.done $0x0  }
0x15d: {  	[sflag:s18] =	ssyncadd.s32 $0xFFFFEC00  }
0x15e: {  	[tilespmem:s19], [sflag:$0x2] =	stream.linear.gather [hbm4b:s14+s4], $0x1400, $0x38;
	[tilespmem:$0x1E800] =	vst v63  }
0x15f: {  	_ =	swait.ge [sflag:s18], $0x1400  }
0x160: {  	[sflag:s18] =	ssyncset.done $0x0  }
0x161: {  	s29 =	simm.s32 $0x70;
	[sflag:s18] =	ssyncadd.s32 $0xFFFFEC00  }
0x162: {  	v3 =	vld [tilespmem:s29+$0xFFFFFF90]  }
0x163: {  	v5 =	vld [tilespmem:s29+$0xFFFFFFA0]  }
0x164: {  	v4 =	vld [tilespmem:s29+$0xFFFFFFB0]  }
0x165: {  	v2 =	vld [tilespmem:s29+$0xFFFFFFC0]  }
0x166: {  	v1 =	vld [tilespmem:s29+$0xFFFFFFD0]  }
0x167: {  	s30 =	simm.s32 $0x3C0;
	v6 =	vadd.s32 v0, v3;
	v3 =	vld [tilespmem:s29+$0xFFFFFFE0]  }
.LBB2_14:
0x168: {  	p0 =	sne.s32 s30, $0x4FC0;
	[tilespmem:s29+$0xFFFFFF90] =	vst v6;
	v5 =	vadd.s32 v0, v5;
	v6 =	vld [tilespmem:s29+$0x0]  }
0x169: {  	s0 =	sshra.s32 s30, $0x2;
	[tilespmem:s29+$0xFFFFFFA0] =	vst v5;
	v4 =	vadd.s32 v0, v4;
	v7 =	vld [tilespmem:s29+$0xFFFFFFF0]  }
0x16a: {  	v8 =	vld [tilespmem:s0+$0xFFFFFF90];
	[tilespmem:s29+$0xFFFFFFB0] =	vst v4;
	v2 =	vadd.s32 v0, v2  }
.Ltmp6:
0x16b: {  	v5 =	vld [tilespmem:s0+$0xFFFFFFA0];
	[tilespmem:s29+$0xFFFFFFC0] =	vst v2;
	v1 =	vadd.s32 v0, v1;
	(pc) =	sbr.rel @p0 .LBB2_14-.Ltmp6, $4  }
0x16c: {  	v4 =	vld [tilespmem:s0+$0xFFFFFFB0];
	[tilespmem:s29+$0xFFFFFFD0] =	vst v1;
	v1 =	vadd.s32 v0, v3  }
0x16d: {  	v2 =	vld [tilespmem:s0+$0xFFFFFFC0];
	[tilespmem:s29+$0xFFFFFFE0] =	vst v1;
	v3 =	vadd.s32 v0, v6  }
0x16e: {  	v1 =	vld [tilespmem:s0+$0xFFFFFFD0];
	v7 =	vadd.s32 v0, v7;
	[tilespmem:s29+$0x0] =	vst v3  }
0x16f: {  	s30 =	sadd.s32 $0x200, s30;
	v6 =	vadd.s32 v0, v8;
	v3 =	vld [tilespmem:s0+$0xFFFFFFE0];
	[tilespmem:s29+$0xFFFFFFF0] =	vst v7;
	s29 =	smov.u32 s0  }
0x170: {  	[tilespmem:s29+$0xFFFFFF90] =	vst v6;
	v5 =	vadd.s32 v0, v5;
	v62 =	vld [tilespmem:s29+$0x0]  }
0x171: {  	v63 =	vld [tilespmem:s29+$0xFFFFFFF0];
	[tilespmem:s29+$0xFFFFFFA0] =	vst v5;
	v4 =	vadd.s32 v0, v4  }
0x172: {  	[tilespmem:s29+$0xFFFFFFB0] =	vst v4;
	v2 =	vadd.s32 v0, v2  }
0x173: {  	[tilespmem:s29+$0xFFFFFFC0] =	vst v2;
	v1 =	vadd.s32 v0, v1  }
0x174: {  	[tilespmem:s29+$0xFFFFFFD0] =	vst v1;
	v1 =	vadd.s32 v0, v3  }
0x175: {  	[tilespmem:s29+$0xFFFFFFE0] =	vst v1;
	v1 =	vadd.s32 v0, v62  }
0x176: {  	v2 =	vadd.s32 v0, v63;
	[tilespmem:s29+$0x0] =	vst v1  }
0x177: {  	s0 =	simm.s32 $0x0;
	[tilespmem:s29+$0xFFFFFFF0] =	vst v2  }
0x178: {  	[tilespmem:s21], [sflag:$0x2] =	stream.indirect.gather [hbm4b:s2+s20], $0x80, s0, s20, $0xb8;
	[tilespmem:$0x1E800] =	vst v63  }
0x179: {  	_ =	swait.ge [sflag:s18], $0x4000  }
0x17a: {  	[sflag:s18] =	ssyncset.done $0x0  }
0x17b: {  	s1 =	simm.s32 $0x80;
	[sflag:s18] =	ssyncadd.s32 $0xFFFFC000  }
0x17c: {  	[tilespmem:s22], [sflag:$0x1] =	stream.indirect.gather [hbm4b:s2+s20], $0x80, s1, s20, $0xb8;
	[tilespmem:$0x1E800] =	vst v63  }
0x17d: {  	s31 =	simm.s32 $0x1400  }
0x17e: {  	[spmem:s3] =	stream.indirect.scatter.add.f32 [tilespmem:s21], [sflag:$0x2], $0x80, s31, s20, $0xb8;
	[tilespmem:$0x1E800] =	vst v63  }
0x17f: {  	_ =	swait.ge [sflag:s18], $0x4000  }
0x180: {  	[sflag:s18] =	ssyncset.done $0x0  }
0x181: {  	[sflag:s18] =	ssyncadd.s32 $0xFFFFC000  }
0x182: {  	_ =	swait.ge [sflag:s23], $0x4000  }
0x183: {  	[sflag:s23] =	ssyncset.done $0x0  }
0x184: {  	s1 =	simm.s32 $0x100;
	[sflag:s23] =	ssyncadd.s32 $0xFFFFC000  }
0x185: {  	[tilespmem:s21], [sflag:$0x1] =	stream.indirect.gather [hbm4b:s2+s20], $0x80, s1, s20, $0xb8;
	[tilespmem:$0x1E800] =	vst v63  }
0x186: {  	s31 =	simm.s32 $0x1480  }
0x187: {  	[spmem:s3] =	stream.indirect.scatter.add.f32 [tilespmem:s22], [sflag:$0x2], $0x80, s31, s20, $0xb8;
	[tilespmem:$0x1E800] =	vst v63  }
0x188: {  	_ =	swait.ge [sflag:s18], $0x4000  }
0x189: {  	[sflag:s18] =	ssyncset.done $0x0  }
0x18a: {  	[sflag:s18] =	ssyncadd.s32 $0xFFFFC000  }
0x18b: {  	_ =	swait.ge [sflag:s23], $0x4000  }
0x18c: {  	s30 =	simm.s32 $0x800;
	s29 =	simm.s32 $0x100;
	[sflag:s23] =	ssyncset.done $0x0  }
.LBB2_16:
0x18d: {  	s0 =	sadd.s32 $0x80, s29  }
0x18e: {  	[sflag:s23] =	ssyncadd.s32 $0xFFFFC000;
	s1 =	smov.u32 s30;
	s31 =	sadd.s32 $0x400, s30  }
0x18f: {  	[tilespmem:s22], [sflag:$0x1] =	stream.indirect.gather [hbm4b:s2+s20], $0x80, s0, s20, $0xb8;
	[tilespmem:$0x1E800] =	vst v63  }
0x190: {  	p0 =	sne.s32 s30, $0x4800;
	s0 =	sadd.s32 $0x1400, s29  }
0x191: {  	[spmem:s3] =	stream.indirect.scatter.add.f32 [tilespmem:s21], [sflag:$0x2], $0x80, s0, s20, $0xb8;
	[tilespmem:$0x1E800] =	vst v63  }
0x192: {  	_ =	swait.ge [sflag:s18], $0x4000  }
0x193: {  	[sflag:s18] =	ssyncset.done $0x0  }
0x194: {  	[sflag:s18] =	ssyncadd.s32 $0xFFFFC000  }
0x195: {  	_ =	swait.ge [sflag:s23], $0x4000  }
0x196: {  	[sflag:s23] =	ssyncset.done $0x0  }
0x197: {  	s0 =	sadd.s32 $0x100, s29;
	[sflag:s23] =	ssyncadd.s32 $0xFFFFC000  }
0x198: {  	[tilespmem:s21], [sflag:$0x1] =	stream.indirect.gather [hbm4b:s2+s20], $0x80, s0, s20, $0xb8;
	[tilespmem:$0x1E800] =	vst v63  }
0x199: {  	s0 =	sadd.s32 $0x1480, s29  }
0x19a: {  	[spmem:s3] =	stream.indirect.scatter.add.f32 [tilespmem:s22], [sflag:$0x2], $0x80, s0, s20, $0xb8;
	[tilespmem:$0x1E800] =	vst v63  }
.Ltmp7:
0x19b: {  	_ =	swait.ge [sflag:s18], $0x4000;
	(pc) =	sbr.rel @p0 .LBB2_16-.Ltmp7, $4  }
0x19c: {  	[sflag:s18] =	ssyncset.done $0x0  }
0x19d: {  	[sflag:s18] =	ssyncadd.s32 $0xFFFFC000  }
0x19e: {  	_ =	swait.ge [sflag:s23], $0x4000  }
0x19f: {  	s30 =	smov.u32 s31;
	s29 =	sshra.s32 s1, $0x2;
	[sflag:s23] =	ssyncset.done $0x0  }
0x1a0: {  	s0 =	sadd.s32 $0x80, s29;
	[sflag:s23] =	ssyncadd.s32 $0xFFFFC000  }
0x1a1: {  	[tilespmem:s22], [sflag:$0x1] =	stream.indirect.gather [hbm4b:s2+s20], $0x80, s0, s20, $0xb8;
	[tilespmem:$0x1E800] =	vst v63  }
0x1a2: {  	s1 =	sadd.s32 $0x1400, s29  }
0x1a3: {  	[spmem:s3] =	stream.indirect.scatter.add.f32 [tilespmem:s21], [sflag:$0x2], $0x80, s1, s20, $0xb8;
	[tilespmem:$0x1E800] =	vst v63  }
0x1a4: {  	_ =	swait.ge [sflag:s18], $0x4000  }
0x1a5: {  	[sflag:s18] =	ssyncset.done $0x0  }
0x1a6: {  	[sflag:s18] =	ssyncadd.s32 $0xFFFFC000  }
0x1a7: {  	_ =	swait.ge [sflag:s23], $0x4000  }
0x1a8: {  	[sflag:s23] =	ssyncset.done $0x0  }
0x1a9: {  	s30 =	sadd.s32 $0x100, s29;
	[sflag:s23] =	ssyncadd.s32 $0xFFFFC000  }
0x1aa: {  	[tilespmem:s21], [sflag:$0x1] =	stream.indirect.gather [hbm4b:s2+s20], $0x80, s30, s20, $0xb8;
	[tilespmem:$0x1E800] =	vst v63  }
0x1ab: {  	s31 =	sadd.s32 $0x1480, s29  }
0x1ac: {  	[spmem:s3] =	stream.indirect.scatter.add.f32 [tilespmem:s22], [sflag:$0x2], $0x80, s31, s20, $0xb8;
	[tilespmem:$0x1E800] =	vst v63  }
0x1ad: {  	_ =	swait.ge [sflag:s18], $0x4000  }
0x1ae: {  	[sflag:s18] =	ssyncset.done $0x0  }
0x1af: {  	[sflag:s18] =	ssyncadd.s32 $0xFFFFC000  }
0x1b0: {  	_ =	swait.ge [sflag:s23], $0x4000  }
0x1b1: {  	[sflag:s23] =	ssyncset.done $0x0  }
0x1b2: {  	[sflag:s23] =	ssyncadd.s32 $0xFFFFC000  }
0x1b3: {  	[tilespmem:s22], [sflag:$0x1] =	stream.indirect.gather [hbm4b:s2+s20], $0x80, s24, s20, $0xb8;
	[tilespmem:$0x1E800] =	vst v63  }
0x1b4: {  	_ = 	snop  }
0x1b5: {  	[spmem:s3] =	stream.indirect.scatter.add.f32 [tilespmem:s21], [sflag:$0x2], $0x80, s25, s20, $0xb8;
	[tilespmem:$0x1E800] =	vst v63  }
0x1b6: {  	_ =	swait.ge [sflag:s18], $0x4000  }
0x1b7: {  	[sflag:s18] =	ssyncset.done $0x0  }
0x1b8: {  	[sflag:s18] =	ssyncadd.s32 $0xFFFFC000  }
0x1b9: {  	_ =	swait.ge [sflag:s23], $0x4000  }
0x1ba: {  	[sflag:s23] =	ssyncset.done $0x0  }
0x1bb: {  	[sflag:s23] =	ssyncadd.s32 $0xFFFFC000  }
0x1bc: {  	[tilespmem:s21], [sflag:$0x1] =	stream.indirect.gather [hbm4b:s2+s20], $0x80, s24, s20, $0xb8;
	[tilespmem:$0x1E800] =	vst v63  }
0x1bd: {  	_ = 	snop  }
0x1be: {  	[spmem:s3] =	stream.indirect.scatter.add.f32 [tilespmem:s22], [sflag:$0x2], $0x80, s26, s20, $0xb8;
	[tilespmem:$0x1E800] =	vst v63  }
0x1bf: {  	_ =	swait.ge [sflag:s18], $0x4000  }
0x1c0: {  	[sflag:s18] =	ssyncset.done $0x0  }
0x1c1: {  	[sflag:s18] =	ssyncadd.s32 $0xFFFFC000  }
0x1c2: {  	_ =	swait.ge [sflag:s23], $0x4000  }
0x1c3: {  	s28 =	sadd.s32 $0x1, s28;
	[sflag:s23] =	ssyncset.done $0x0  }
0x1c4: {  	p0 =	sne.s32 s28, s16;
	[sflag:s23] =	ssyncadd.s32 $0xFFFFC000  }
.Ltmp8:
0x1c5: {  	[bflag:$0x0] =	sbarrier.arrive $0xFFFF;
	(pc) =	sbr.rel @p0 .LBB2_1-.Ltmp8, $4  }
0x1c6: {  	[hbm:s15], [sflag:s6] =	dma.local [spmem:s17], $0x2800  }
0x1c7: {  	_ =	swait.ge [sflag:s18], $0x2800  }
0x1c8: {  	[sflag:s18] =	ssyncset.done $0x0  }
0x1c9: {  	[sflag:s18] =	ssyncadd.s32 $0xFFFFD800  }
0x1ca: {  	_ =	sfence.sel $0x180000  }
0x1cb: {  	[bflag:$0x0] =	sbarrier.arrive $0xFFFF  }
0x1cc: {  	_ =	strace $0x9000004D  }
0x1cd: {  	s0 =	stileid.u32;
	[bflag:$0x2] =	sbarrier.arrive $0xFFFF  }
0x1ce: {  	p0 =	sne.s32 s0, $0x0;
	s0 =	rddreg [dreg:$0x3]  }
0x1cf: {  	s0 =	sadd.s32 @!p0 $0x100000, s0  }
0x1d0: {  	[sflag:s0] =	ssyncadd.tile.s32 @!p0 $0x1;
	_ =	shalt  }
.Lfunc_end2:
_tile_overlayer_lowered:
.L_overlay_start_2:
0x1d1: {  	(tag) =	ssettag $0x2  }
0x1d2: {  	s0 =	rddreg [dreg:$0x0];
	s2 =	stileid.u32  }
0x1d3: {  	s1 =	rddreg [dreg:$0x1];
	p0 =	sne.s32 s2, $0x0  }
0x1d4: {  	s3 =	rddreg [dreg:$0x2];
	[bflag:$0x3] =	sbarrier.arrive $0xFFFF;
	s2 =	simm.s32 @!p0 $0x1C02  }
0x1d5: {  	[timem:s3], [sflag:s2] =	dma.local @!p0 [hbm:s0], s1  }
0x1d6: {  	s0 =	simm.s32 @!p0 $0x2  }
0x1d7: {  	_ =	swait.ge @!p0 [sflag:s0], s1  }
0x1d8: {  	s1 =	ssub.s32 @!p0 $0x0, s1;
	[sflag:s0] =	ssyncset.done @!p0 $0x0  }
0x1d9: {  	[sflag:s0] =	ssyncadd.s32 @!p0 s1  }
0x1da: {  	[bflag:$0x3] =	sbarrier.arrive $0xFFFF  }
0x1db: {  	_ =	shalt  }

// kernel: kernel.7.cloned.1.call-start
scs
__scs_entry_jumppad:
0x0: {  	(pc) =	sbr.rel $0x88, $3  }
0x1: {  	(tag) =	ssettag $0x0;
	lr =	simm.s32 $0x1  }
0x2: {  	[smem:$0x3F9B] =	sst lr;
	_ =	strace $0xD0000000  }
0x3: {  	_ = 	snop  }
0x4: {  	_ = 	snop  }
0x5: {  	_ = 	snop  }
0x6: {  	_ = 	snop  }
0x7: {  	_ = 	snop  }
__scs_overlays_trampoline_lowered:
0x8: {  	[smem:$0x3FAA] =	sst s0  }
0x9: {  	[smem:$0x3FAB] =	sst s1  }
0xa: {  	[smem:$0x3FAC] =	sst s2  }
0xb: {  	[smem:$0x3FAD] =	sst s3  }
0xc: {  	[smem:$0x3FAE] =	sst s4  }
0xd: {  	[smem:$0x3FAF] =	sst s5  }
0xe: {  	[smem:$0x3FB0] =	sst s6  }
0xf: {  	[smem:$0x3FB1] =	sst s7  }
0x10: {  	[smem:$0x3FB2] =	sst s8  }
0x11: {  	[smem:$0x3FB3] =	sst s9;
	s0 =	simm.s32 @!p0 $0x0  }
0x12: {  	s1 =	sld [smem:$0x3F99];
	s0 =	simm.s32 @p0 $0x1  }
0x13: {  	[smem:$0x3FB4] =	sst s0;
	s0 =	simm.s32 @!p1 $0x0  }
0x14: {  	s2 =	sld [smem:$0x3F98];
	s0 =	simm.s32 @p1 $0x1  }
0x15: {  	[smem:$0x3FB5] =	sst s0;
	s0 =	simm.s32 @!p2 $0x0  }
0x16: {  	s3 =	sld [smem:$0x3FDB];
	s0 =	simm.s32 @p2 $0x1  }
0x17: {  	s4 =	simm.s32 $0x1BF5;
	[smem:$0x3FB7] =	sst s0  }
0x18: {  	s0 =	sld [smem:$0x3F9A];
	_ =	swait.ge [sflag:s4], $0x0  }
0x19: {  	s7 =	sld [smem:$0x3F9B]  }
0x1a: {  	s8 =	sadd.s32 $0xFFFFE003, lr  }
0x1b: {  	s9 =	sadd.s32 $0xFFFFFEF7, lr;
	s5 =	simm.s32 $0xFFFFFFFF;
	p2 =	slt.u32 s8, $0xFFFFF086  }
0x1c: {  	p1 =	slt.u32 s9, $0xF7A;
	s5 =	simm.s32 @!p2 $0x0  }
0x1d: {  	s5 =	simm.s32 @p1 $0x1;
	p0 =	seq.s32 s7, s2  }
0x1e: {  	s7 =	smul.u32 @!p0 $0xF7A, s2;
	p2 =	seq.s32 @!p0 s5, $0x0  }
0x1f: {  	s9 =	smul.u32 $0xF7A, s1;
	s8 =	simm.s32 @!p0 $0x1BF5;
	p2 =	por !p2, p0  }
0x20: {  	[sflag:s8] =	ssyncset.s32 @!p0 $0xFFFFF086;
	s6 =	sadd.s32 @!p0 s3, s7;
	s7 =	simm.s32 @!p0 $0x108  }
0x21: {  	s3 =	sadd.s32 s3, s9;
	s6 =	sadd.s32 @!p0 $0x88, s6;
	s7 =	simm.s32 @p2 $0x1082  }
0x22: {  	[simem:s7], [sflag:s8] =	dma.local @!p0 [hbm:s6], $0xF7A  }
0x23: {  	s9 =	sor.u32 $0xD0000000, s2;
	s6 =	simm.s32 $0x108;
	_ =	swait.ge @!p0 [sflag:s8], $0x0  }
0x24: {  	s3 =	sadd.s32 $0x88, s3;
	s6 =	simm.s32 @!p1 $0x1082;
	[sflag:s4] =	ssyncset.s32 $0xFFFFF086  }
0x25: {  	[simem:s6], [sflag:s4] =	dma.local [hbm:s3], $0xF7A  }
0x26: {  	[smem:$0x3F9B] =	sst s1;
	(tag) =	ssettag s2;
	_ =	strace s9  }
0x27: {  	s1 =	sld [smem:$0x3FAB]  }
0x28: {  	s2 =	sld [smem:$0x3FAC]  }
0x29: {  	s4 =	sld [smem:$0x3FAE]  }
0x2a: {  	p0 =	seq.s32 s5, $0x0;
	s5 =	sld [smem:$0x3FAF]  }
0x2b: {  	s6 =	sld [smem:$0x3FB0]  }
0x2c: {  	s7 =	sld [smem:$0x3FB1]  }
0x2d: {  	s3 =	simm.s32 $0x108;
	s8 =	sld [smem:$0x3FB2]  }
0x2e: {  	s3 =	simm.s32 @!p0 $0x1082;
	s9 =	sld [smem:$0x3FB3]  }
0x2f: {  	lr =	sadd.s32 s0, s3;
	s0 =	sld [smem:$0x3FAA]  }
0x30: {  	s3 =	sld [smem:$0x3FAD]  }
0x31: {  	[smem:$0x3FB6] =	sst s10  }
0x32: {  	s10 =	sld [smem:$0x3FB4];
	_ =	sdelay $0x3  }
0x33: {  	p0 =	seq.s32 s10, $0x1;
	s10 =	sld [smem:$0x3FB6];
	_ =	sdelay $0x3  }
0x34: {  	[smem:$0x3FB6] =	sst s10  }
0x35: {  	s10 =	sld [smem:$0x3FB5];
	_ =	sdelay $0x3  }
0x36: {  	p1 =	seq.s32 s10, $0x1;
	s10 =	sld [smem:$0x3FB6];
	_ =	sdelay $0x3  }
0x37: {  	[smem:$0x3FB6] =	sst s10  }
0x38: {  	s10 =	sld [smem:$0x3FB7]  }
0x39: {  	_ = 	snop;
	(pc) =	sbr.ind lr, $3  }
0x3a: {  	_ = 	snop  }
0x3b: {  	_ = 	snop  }
0x3c: {  	p2 =	seq.s32 s10, $0x1;
	s10 =	sld [smem:$0x3FB6]  }
0x3d: {  	_ =	shalt  }
0x3e: {  	_ =	shalt  }
0x3f: {  	_ =	shalt  }
0x40: {  	_ =	shalt  }
0x41: {  	_ =	shalt  }
0x42: {  	_ =	shalt  }
0x43: {  	_ =	shalt  }
0x44: {  	_ =	shalt  }
0x45: {  	_ =	shalt  }
0x46: {  	_ =	shalt  }
0x47: {  	_ =	shalt  }
0x48: {  	_ =	shalt  }
0x49: {  	_ =	shalt  }
0x4a: {  	_ =	shalt  }
0x4b: {  	_ =	shalt  }
0x4c: {  	_ =	shalt  }
0x4d: {  	_ =	shalt  }
0x4e: {  	_ =	shalt  }
0x4f: {  	_ =	shalt  }
0x50: {  	_ =	shalt  }
0x51: {  	_ =	shalt  }
0x52: {  	_ =	shalt  }
0x53: {  	_ =	shalt  }
0x54: {  	_ =	shalt  }
0x55: {  	_ =	shalt  }
0x56: {  	_ =	shalt  }
0x57: {  	_ =	shalt  }
0x58: {  	_ =	shalt  }
0x59: {  	_ =	shalt  }
0x5a: {  	_ =	shalt  }
0x5b: {  	_ =	shalt  }
0x5c: {  	_ =	shalt  }
0x5d: {  	_ =	shalt  }
0x5e: {  	_ =	shalt  }
0x5f: {  	_ =	shalt  }
0x60: {  	_ =	shalt  }
0x61: {  	_ =	shalt  }
0x62: {  	_ =	shalt  }
0x63: {  	_ =	shalt  }
0x64: {  	_ =	shalt  }
0x65: {  	_ =	shalt  }
0x66: {  	_ =	shalt  }
0x67: {  	_ =	shalt  }
0x68: {  	_ =	shalt  }
0x69: {  	_ =	shalt  }
0x6a: {  	_ =	shalt  }
0x6b: {  	_ =	shalt  }
0x6c: {  	_ =	shalt  }
0x6d: {  	_ =	shalt  }
0x6e: {  	_ =	shalt  }
0x6f: {  	_ =	shalt  }
0x70: {  	_ =	shalt  }
0x71: {  	_ =	shalt  }
0x72: {  	_ =	shalt  }
0x73: {  	_ =	shalt  }
0x74: {  	_ =	shalt  }
0x75: {  	_ =	shalt  }
0x76: {  	_ =	shalt  }
0x77: {  	_ =	shalt  }
0x78: {  	_ =	shalt  }
0x79: {  	_ =	shalt  }
0x7a: {  	_ =	shalt  }
0x7b: {  	_ =	shalt  }
0x7c: {  	_ =	shalt  }
0x7d: {  	_ =	shalt  }
0x7e: {  	_ =	shalt  }
0x7f: {  	_ =	shalt  }
0x80: {  	_ =	shalt  }
0x81: {  	_ =	shalt  }
0x82: {  	_ =	shalt  }
0x83: {  	_ =	shalt  }
0x84: {  	_ =	shalt  }
0x85: {  	_ =	shalt  }
0x86: {  	_ =	shalt  }
0x87: {  	_ =	shalt  }
.Lfunc_end0:
.L_simem_size_0:
called_computation_lowered:
.L_overlay_start_0:
0x88: {  	s2 =	sld [smem:$0x3FD9]  }
0x89: {  	s3 =	sld [smem:$0x3FFE];
	_ =	sdelay $0x1  }
0x8a: {  	s1 =	srdreg.scid  }
0x8b: {  	s0 =	sand.u32 $0x1, s1  }
0x8c: {  	s17 =	sshll.u32 s0, $0xA;
	s2 =	sadd.s32 s3, s2  }
0x8d: {  	s2 =	sadd.s32 s2, s17  }
0x8e: {  	[smem:$0x3FC2] =	sst s2  }
0x8f: {  	_ = 	snop  }
0x90: {  	s2 =	sld [smem:$0x3FD0];
	(tm) =	ssettm $0x1  }
0x91: {  	s18 =	sld [smem:$0x3FFB];
	_ =	sdelay $0x3  }
0x92: {  	_ =	strace s18  }
0x93: {  	s3 =	sld [smem:$0x3FFC];
	_ =	sdelay $0x3  }
0x94: {  	_ =	strace s3  }
0x95: {  	s3 =	sld [smem:$0x3FFD];
	_ =	sdelay $0x3  }
0x96: {  	_ =	strace s3  }
0x97: {  	_ =	strace $0x8FFFFFFF  }
0x98: {  	s19 =	sld [smem:$0x3FDB];
	_ =	sdelay $0x1  }
0x99: {  	s4 =	simm.s32 $_scs_section_size  }
0x9a: {  	s5 =	simm.s32 $_size__tile_overlayer_lowered;
	s6 =	simm.s32 $_tile_overlayer_lowered  }
0x9b: {  	s22 =	simm.s32 $0x1BFF;
	s21 =	sshll.u32 s6, $0x1;
	s3 =	sadd.s32 s4, s19  }
0x9c: {  	s7 =	simm.s32 $0x0;
	s20 =	sshll.u32 s5, $0x1;
	s5 =	sadd.s32 s21, s3  }
0x9d: {  	[timem:s7], [sflag:s22] =	dma.local [hbm:s5], s20  }
0x9e: {  	_ =	swait.ge [sflag:s22], s20  }
0x9f: {  	s4 =	ssub.s32 $0x0, s20;
	[sflag:s22] =	ssyncset.done $0x0  }
0xa0: {  	[sflag:s22] =	ssyncadd.s32 s4;
	_ =	sdelay $0x1  }
0xa1: {  	s23 =	simm.s32 $0x1B8B  }
0xa2: {  	_ =	swait.ge [sflag:s23], $0x1  }
0xa3: {  	[sflag:s23] =	ssyncset.done $0x0  }
0xa4: {  	s25 =	simm.s32 $0x1B8E;
	s24 =	sld [smem:$0x3FFE];
	[sflag:s23] =	ssyncadd.s32 $0xFFFFFFFF  }
0xa5: {  	s26 =	simm.s32 $execute0_lowered;
	[smem:$0x3FD2] =	sst s25  }
0xa6: {  	s5 =	sshll.u32 s26, $0x1;
	_ =	strace $0x80000046;
	[dreg:$0x1] =	wrdreg $0xFFFFFFFF  }
0xa7: {  	s28 =	simm.s32 $_size_execute0_lowered;
	s3 =	sadd.s32 s3, s5;
	[dreg:$0x0] =	wrdreg $0x0  }
0xa8: {  	s5 =	sshll.u32 s28, $0x1;
	[dreg:$0x2] =	wrdreg s3  }
0xa9: {  	[dreg:$0x3] =	wrdreg s5  }
0xaa: {  	[dreg:$0x4] =	wrdreg $0xC0  }
0xab: {  	_ =	task [dreg:s7], $0x5FFFF  }
0xac: {  	[dreg:$0x1] =	wrdreg $0xFFFFFFFF  }
0xad: {  	[dreg:$0x0] =	wrdreg $0x60  }
0xae: {  	[dreg:$0x2] =	wrdreg s24  }
0xaf: {  	[dreg:$0x3] =	wrdreg s2  }
0xb0: {  	[dreg:$0x4] =	wrdreg $0x55000  }
0xb1: {  	[dreg:$0x5] =	wrdreg $0x9  }
0xb2: {  	_ =	task.clear_ibuf [dreg:s7], $0x6FFFF;
	_ =	strace $0x90000046  }
0xb3: {  	s29 =	simm.s32 $0x9;
	_ =	strace $0x80000048  }
0xb4: {  	_ =	swait.ge [sflag:s29], $0x1  }
0xb5: {  	[sflag:s29] =	ssyncadd.s32 $0xFFFFFFFF  }
0xb6: {  	_ =	strace $0x90000048  }
0xb7: {  	_ =	sfence  }
0xb8: {  	s30 =	sld [smem:$0x0];
	_ =	sdelay $0x2  }
0xb9: {  	s31 =	sshll.u32 s1, $0xD;
	s1 =	sshrl.u32 s1, $0x2  }
0xba: {  	s3 =	sand.u32 $0x4000, s31;
	s1 =	sadd.s32 s1, s30  }
0xbb: {  	s0 =	sor.u32 s3, s0;
	s1 =	sshll.u32 s1, $0x11  }
0xbc: {  	s0 =	sor.u32 s1, s0  }
0xbd: {  	s0 =	sadd.s32 $0x8F2B, s0  }
0xbe: {  	[sflag:s0] =	ssyncadd.remote.s32 $0x1  }
0xbf: {  	_ =	sfence.sel $0xFFFF  }
0xc0: {  	[dreg:$0x0] =	wrdreg $0xFFFFFFFF;
	(pc) =	sbr.abs _section_cstart, $3  }
0xc1: {  	[dreg:$0x1] =	wrdreg $0xFFFFFFFF  }
0xc2: {  	_ =	task.clear_ibuf [dreg:s7], $0x2FFFF;
	_ =	strace $0x9FFFFFFF  }
0xc3: {  	(tm) =	ssettm $0x7FFFFFFF  }
tec
execute0_lowered:
.L_overlay_start_1:
0x0: {  	(tag) =	ssettag $0x1  }
0x1: {  	s0 =	rddreg [dreg:$0x0]  }
0x2: {  	s1 =	srdreg.scid;
	s21 =	rddreg [dreg:$0x1]  }
0x3: {  	s4 =	rddreg [dreg:$0x2];
	s13 =	stileid.u32  }
0x4: {  	s22 =	simm.s32 $0x0;
	s28 =	simm.s32 $0x5000;
	s29 =	simm.s32 $0x5280  }
0x5: {  	s30 =	simm.s32 $0x100;
	s31 =	simm.s32 $0x0;
	s1 =	sand.u32 $0x1, s1  }
0x6: {  	s5 =	sshrl.u32 s13, $0x3;
	[smem:$0x7FF] =	sst s22;
	s7 =	smul.u32 $0x5000, s13  }
0x7: {  	s24 =	sshll.u32 s13, $0x7;
	s26 =	smul.u32 $0x500, s13;
	s2 =	sshll.u32 s1, $0x4  }
0x8: {  	s6 =	ssub.s32 $0x2, s1;
	s5 =	smul.u32 $0x50000, s5;
	_ =	strace $0x80000047  }
0x9: {  	s1 =	sshll.u32 s1, $0x7;
	s3 =	sor.u32 s13, s2;
	s23 =	sshrl.u32 s6, $0x1  }
0xa: {  	s25 =	sshrl.u32 s7, $0x2;
	s3 =	smul.u32 $0x500, s3;
	s5 =	sshrl.u32 s5, $0x2  }
0xb: {  	s22 =	ssub.s32 s6, s23;
	s23 =	simm.s32 $0x1;
	s5 =	sadd.s32 s5, s4  }
0xc: {  	s4 =	sadd.s32 s25, s4;
	s22 =	smax.u32 s22, $0x1;
	s25 =	simm.s32 $0x80  }
0xd: {  	s0 =	sadd.s32 s3, s0;
	s6 =	sadd.s32 $0x80, s4;
	s7 =	sadd.s32 $0x100, s4  }
0xe: {  	s8 =	sadd.s32 $0x180, s4;
	s9 =	sadd.s32 $0x200, s4;
	s10 =	sadd.s32 $0x280, s4  }
0xf: {  	s11 =	sadd.s32 $0x300, s4;
	s12 =	sadd.s32 $0x380, s4;
	s13 =	sadd.s32 $0x14000, s4  }
0x10: {  	s14 =	sadd.s32 $0x14080, s4;
	s15 =	sadd.s32 $0x14100, s4;
	s16 =	sadd.s32 $0x14180, s4  }
0x11: {  	s17 =	sadd.s32 $0x14200, s4;
	s3 =	sadd.s32 $0xB600, s0;
	s0 =	sand.u32 $0x380, s24  }
0x12: {  	s18 =	sadd.s32 $0x14280, s4;
	s5 =	sadd.s32 s0, s5;
	s0 =	sor.u32 s1, s26  }
0x13: {  	s19 =	sadd.s32 $0x14300, s4;
	s20 =	sadd.s32 $0x14380, s4;
	s0 =	sshrl.u32 s0, $0x3  }
0x14: {  	v0 =	vimm.f32 $0.0e+00;
	v1 =	vimm.f32 $1.000000000e+00;
	s24 =	simm.s32 $0x2800;
	s26 =	simm.s32 $0x400;
	s21 =	sadd.s32 s21, s0  }
.LBB2_1:
0x15: {  	s0 =	simm.s32 $0x0  }
0x16: {  	[tilespmem:s0], [sflag:$0x1] =	stream.linear.gather [hbm4b:s3+s0], $0x2800, $0x38;
	[tilespmem:$0x7D00] =	vst v63  }
0x17: {  	_ =	swait.ge [sflag:s23], $0x2800  }
0x18: {  	[sflag:s23] =	ssyncset.done $0x0  }
0x19: {  	s0 =	simm.s32 $0x0;
	[sflag:s23] =	ssyncadd.s32 $0xFFFFD800  }
.LBB2_2:
0x1a: {  	p0 =	sne.s32 s0, $0x9FC0  }
.Ltmp0:
0x1b: {  	_ = 	snop;
	(pc) =	sbr.rel @p0 .LBB2_2-.Ltmp0, $3  }
0x1c: {  	_ =	sdelay $0x1  }
0x1d: {  	s1 =	sshra.s32 s0, $0x2  }
0x1e: {  	s0 =	sadd.s32 $0x40, s0;
	[tilespmem:s1+$0x2800] =	vst v0  }
0x1f: {  	s0 =	simm.s32 $0x1C0  }
.LBB2_4:
0x20: {  	s1 =	sshra.s32 s0, $0x2  }
0x21: {  	v2 =	vld [tilespmem:s1+$0xFFFFFF90];
	_ =	sdelay $0x7  }
0x22: {  	[tilespmem:v2+s24+$0x0] =	vst.idx.add.f32.msk $0xffff, v1  }
0x23: {  	v2 =	vld [tilespmem:s1+$0xFFFFFFA0];
	_ =	sdelay $0x7  }
0x24: {  	[tilespmem:v2+s24+$0x0] =	vst.idx.add.f32.msk $0xffff, v1  }
0x25: {  	v2 =	vld [tilespmem:s1+$0xFFFFFFB0];
	_ =	sdelay $0x7  }
0x26: {  	[tilespmem:v2+s24+$0x0] =	vst.idx.add.f32.msk $0xffff, v1  }
0x27: {  	v2 =	vld [tilespmem:s1+$0xFFFFFFC0];
	_ =	sdelay $0x7  }
0x28: {  	[tilespmem:v2+s24+$0x0] =	vst.idx.add.f32.msk $0xffff, v1  }
0x29: {  	v2 =	vld [tilespmem:s1+$0xFFFFFFD0];
	_ =	sdelay $0x7  }
0x2a: {  	[tilespmem:v2+s24+$0x0] =	vst.idx.add.f32.msk $0xffff, v1  }
0x2b: {  	v2 =	vld [tilespmem:s1+$0xFFFFFFE0];
	_ =	sdelay $0x7  }
0x2c: {  	[tilespmem:v2+s24+$0x0] =	vst.idx.add.f32.msk $0xffff, v1  }
0x2d: {  	v2 =	vld [tilespmem:s1+$0xFFFFFFF0];
	_ =	sdelay $0x7  }
0x2e: {  	[tilespmem:v2+s24+$0x0] =	vst.idx.add.f32.msk $0xffff, v1  }
0x2f: {  	v2 =	vld [tilespmem:s1+$0x0];
	_ =	sdelay $0x2  }
0x30: {  	p0 =	sne.s32 s0, $0x9FC0  }
.Ltmp1:
0x31: {  	_ = 	snop;
	(pc) =	sbr.rel @p0 .LBB2_4-.Ltmp1, $2  }
0x32: {  	_ =	sdelay $0x2  }
0x33: {  	s0 =	sadd.s32 $0x200, s0;
	[tilespmem:v2+s24+$0x0] =	vst.idx.add.f32.msk $0xffff, v1  }
0x34: {  	[spmem:s5] =	stream.strided.scatter [tilespmem:s24], [sflag:$0x1], $0x2800, s26, s25, $0x38;
	[tilespmem:$0x7D00] =	vst v63  }
0x35: {  	_ =	swait.ge [sflag:s23], $0x2800  }
0x36: {  	[sflag:s23] =	ssyncset.done $0x0  }
0x37: {  	[sflag:s23] =	ssyncadd.s32 $0xFFFFD800  }
0x38: {  	[bflag:$0x0] =	sbarrier.arrive $0xFFFF  }
0x39: {  	[tilespmem:s28], [sflag:$0x1] =	stream.strided.gather [spmem:s4], $0x280, s26, s25, $0x38;
	[tilespmem:$0x7D00] =	vst v63  }
0x3a: {  	_ =	swait.ge [sflag:s23], $0x280  }
0x3b: {  	[sflag:s23] =	ssyncset.done $0x0  }
0x3c: {  	[sflag:s23] =	ssyncadd.s32 $0xFFFFFD80  }
0x3d: {  	[tilespmem:s29], [sflag:$0x1] =	stream.strided.gather [spmem:s6], $0x280, s26, s25, $0x38;
	[tilespmem:$0x7D00] =	vst v63  }
0x3e: {  	_ =	swait.ge [sflag:s23], $0x280  }
0x3f: {  	[sflag:s23] =	ssyncset.done $0x0  }
0x40: {  	s0 =	simm.s32 $0x0;
	[sflag:s23] =	ssyncadd.s32 $0xFFFFFD80  }
0x41: {  	s1 =	simm.s32 $0x40;
	v2 =	vld [tilespmem:s0+$0x5280]  }
.LBB2_6:
0x42: {  	p0 =	sne.s32 s1, $0x9C0;
	v3 =	vld [tilespmem:s0+$0x5000];
	_ =	sdelay $0x2  }
.Ltmp2:
0x43: {  	(pc) =	sbr.rel @p0 .LBB2_6-.Ltmp2, $4  }
0x44: {  	_ = 	snop  }
0x45: {  	v3 =	vadd.f32 v2, v3  }
0x46: {  	s2 =	sshra.s32 s1, $0x2  }
0x47: {  	s1 =	sadd.s32 $0x40, s1;
	v2 =	vld [tilespmem:s2+$0x5280];
	[tilespmem:s0+$0x5000] =	vst v3;
	s0 =	smov.u32 s2  }
0x48: {  	v3 =	vld [tilespmem:s0+$0x5000];
	_ =	sdelay $0x4  }
0x49: {  	v2 =	vadd.f32 v2, v3;
	_ =	sdelay $0x1  }
0x4a: {  	[tilespmem:s0+$0x5000] =	vst v2  }
0x4b: {  	[tilespmem:s29], [sflag:$0x1] =	stream.strided.gather [spmem:s7], $0x280, s26, s25, $0x38;
	[tilespmem:$0x7D00] =	vst v63  }
0x4c: {  	_ =	swait.ge [sflag:s23], $0x280  }
0x4d: {  	[sflag:s23] =	ssyncset.done $0x0  }
0x4e: {  	s0 =	simm.s32 $0x0;
	[sflag:s23] =	ssyncadd.s32 $0xFFFFFD80  }
0x4f: {  	s1 =	simm.s32 $0x40;
	v2 =	vld [tilespmem:s0+$0x5280]  }
.LBB2_8:
0x50: {  	p0 =	sne.s32 s1, $0x9C0;
	v3 =	vld [tilespmem:s0+$0x5000];
	_ =	sdelay $0x2  }
.Ltmp3:
0x51: {  	(pc) =	sbr.rel @p0 .LBB2_8-.Ltmp3, $4  }
0x52: {  	_ = 	snop  }
0x53: {  	v3 =	vadd.f32 v2, v3  }
0x54: {  	s2 =	sshra.s32 s1, $0x2  }
0x55: {  	s1 =	sadd.s32 $0x40, s1;
	v2 =	vld [tilespmem:s2+$0x5280];
	[tilespmem:s0+$0x5000] =	vst v3;
	s0 =	smov.u32 s2  }
0x56: {  	v3 =	vld [tilespmem:s0+$0x5000];
	_ =	sdelay $0x4  }
0x57: {  	v2 =	vadd.f32 v2, v3;
	_ =	sdelay $0x1  }
0x58: {  	[tilespmem:s0+$0x5000] =	vst v2  }
0x59: {  	[tilespmem:s29], [sflag:$0x1] =	stream.strided.gather [spmem:s8], $0x280, s26, s25, $0x38;
	[tilespmem:$0x7D00] =	vst v63  }
0x5a: {  	_ =	swait.ge [sflag:s23], $0x280  }
0x5b: {  	[sflag:s23] =	ssyncset.done $0x0  }
0x5c: {  	s0 =	simm.s32 $0x0;
	[sflag:s23] =	ssyncadd.s32 $0xFFFFFD80  }
0x5d: {  	s1 =	simm.s32 $0x40;
	v2 =	vld [tilespmem:s0+$0x5280]  }
.LBB2_10:
0x5e: {  	p0 =	sne.s32 s1, $0x9C0;
	v3 =	vld [tilespmem:s0+$0x5000];
	_ =	sdelay $0x2  }
.Ltmp4:
0x5f: {  	(pc) =	sbr.rel @p0 .LBB2_10-.Ltmp4, $4  }
0x60: {  	_ = 	snop  }
0x61: {  	v3 =	vadd.f32 v2, v3  }
0x62: {  	s2 =	sshra.s32 s1, $0x2  }
0x63: {  	s1 =	sadd.s32 $0x40, s1;
	v2 =	vld [tilespmem:s2+$0x5280];
	[tilespmem:s0+$0x5000] =	vst v3;
	s0 =	smov.u32 s2  }
0x64: {  	v3 =	vld [tilespmem:s0+$0x5000];
	_ =	sdelay $0x4  }
0x65: {  	v2 =	vadd.f32 v2, v3;
	_ =	sdelay $0x1  }
0x66: {  	[tilespmem:s0+$0x5000] =	vst v2  }
0x67: {  	[tilespmem:s29], [sflag:$0x1] =	stream.strided.gather [spmem:s9], $0x280, s26, s25, $0x38;
	[tilespmem:$0x7D00] =	vst v63  }
0x68: {  	_ =	swait.ge [sflag:s23], $0x280  }
0x69: {  	[sflag:s23] =	ssyncset.done $0x0  }
0x6a: {  	s0 =	simm.s32 $0x0;
	[sflag:s23] =	ssyncadd.s32 $0xFFFFFD80  }
0x6b: {  	s1 =	simm.s32 $0x40;
	v2 =	vld [tilespmem:s0+$0x5280]  }
.LBB2_12:
0x6c: {  	p0 =	sne.s32 s1, $0x9C0;
	v3 =	vld [tilespmem:s0+$0x5000];
	_ =	sdelay $0x2  }
.Ltmp5:
0x6d: {  	(pc) =	sbr.rel @p0 .LBB2_12-.Ltmp5, $4  }
0x6e: {  	_ = 	snop  }
0x6f: {  	v3 =	vadd.f32 v2, v3  }
0x70: {  	s2 =	sshra.s32 s1, $0x2  }
0x71: {  	s1 =	sadd.s32 $0x40, s1;
	v2 =	vld [tilespmem:s2+$0x5280];
	[tilespmem:s0+$0x5000] =	vst v3;
	s0 =	smov.u32 s2  }
0x72: {  	v3 =	vld [tilespmem:s0+$0x5000];
	_ =	sdelay $0x4  }
0x73: {  	v2 =	vadd.f32 v2, v3;
	_ =	sdelay $0x1  }
0x74: {  	[tilespmem:s0+$0x5000] =	vst v2  }
0x75: {  	[tilespmem:s29], [sflag:$0x1] =	stream.strided.gather [spmem:s10], $0x280, s26, s25, $0x38;
	[tilespmem:$0x7D00] =	vst v63  }
0x76: {  	_ =	swait.ge [sflag:s23], $0x280  }
0x77: {  	[sflag:s23] =	ssyncset.done $0x0  }
0x78: {  	s0 =	simm.s32 $0x0;
	[sflag:s23] =	ssyncadd.s32 $0xFFFFFD80  }
0x79: {  	s1 =	simm.s32 $0x40;
	v2 =	vld [tilespmem:s0+$0x5280]  }
.LBB2_14:
0x7a: {  	p0 =	sne.s32 s1, $0x9C0;
	v3 =	vld [tilespmem:s0+$0x5000];
	_ =	sdelay $0x2  }
.Ltmp6:
0x7b: {  	(pc) =	sbr.rel @p0 .LBB2_14-.Ltmp6, $4  }
0x7c: {  	_ = 	snop  }
0x7d: {  	v3 =	vadd.f32 v2, v3  }
0x7e: {  	s2 =	sshra.s32 s1, $0x2  }
0x7f: {  	s1 =	sadd.s32 $0x40, s1;
	v2 =	vld [tilespmem:s2+$0x5280];
	[tilespmem:s0+$0x5000] =	vst v3;
	s0 =	smov.u32 s2  }
0x80: {  	v3 =	vld [tilespmem:s0+$0x5000];
	_ =	sdelay $0x4  }
0x81: {  	v2 =	vadd.f32 v2, v3;
	_ =	sdelay $0x1  }
0x82: {  	[tilespmem:s0+$0x5000] =	vst v2  }
0x83: {  	[tilespmem:s29], [sflag:$0x1] =	stream.strided.gather [spmem:s11], $0x280, s26, s25, $0x38;
	[tilespmem:$0x7D00] =	vst v63  }
0x84: {  	_ =	swait.ge [sflag:s23], $0x280  }
0x85: {  	[sflag:s23] =	ssyncset.done $0x0  }
0x86: {  	s0 =	simm.s32 $0x0;
	[sflag:s23] =	ssyncadd.s32 $0xFFFFFD80  }
0x87: {  	s1 =	simm.s32 $0x40;
	v2 =	vld [tilespmem:s0+$0x5280]  }
.LBB2_16:
0x88: {  	p0 =	sne.s32 s1, $0x9C0;
	v3 =	vld [tilespmem:s0+$0x5000];
	_ =	sdelay $0x2  }
.Ltmp7:
0x89: {  	(pc) =	sbr.rel @p0 .LBB2_16-.Ltmp7, $4  }
0x8a: {  	_ = 	snop  }
0x8b: {  	v3 =	vadd.f32 v2, v3  }
0x8c: {  	s2 =	sshra.s32 s1, $0x2  }
0x8d: {  	s1 =	sadd.s32 $0x40, s1;
	v2 =	vld [tilespmem:s2+$0x5280];
	[tilespmem:s0+$0x5000] =	vst v3;
	s0 =	smov.u32 s2  }
0x8e: {  	v3 =	vld [tilespmem:s0+$0x5000];
	_ =	sdelay $0x4  }
0x8f: {  	v2 =	vadd.f32 v2, v3;
	_ =	sdelay $0x1  }
0x90: {  	[tilespmem:s0+$0x5000] =	vst v2  }
0x91: {  	[tilespmem:s29], [sflag:$0x1] =	stream.strided.gather [spmem:s12], $0x280, s26, s25, $0x38;
	[tilespmem:$0x7D00] =	vst v63  }
0x92: {  	_ =	swait.ge [sflag:s23], $0x280  }
0x93: {  	[sflag:s23] =	ssyncset.done $0x0  }
0x94: {  	s0 =	simm.s32 $0x0;
	[sflag:s23] =	ssyncadd.s32 $0xFFFFFD80  }
0x95: {  	s1 =	simm.s32 $0x40;
	v2 =	vld [tilespmem:s0+$0x5280]  }
.LBB2_18:
0x96: {  	p0 =	sne.s32 s1, $0x9C0;
	v3 =	vld [tilespmem:s0+$0x5000];
	_ =	sdelay $0x2  }
.Ltmp8:
0x97: {  	(pc) =	sbr.rel @p0 .LBB2_18-.Ltmp8, $4  }
0x98: {  	_ = 	snop  }
0x99: {  	v3 =	vadd.f32 v2, v3  }
0x9a: {  	s2 =	sshra.s32 s1, $0x2  }
0x9b: {  	s1 =	sadd.s32 $0x40, s1;
	v2 =	vld [tilespmem:s2+$0x5280];
	[tilespmem:s0+$0x5000] =	vst v3;
	s0 =	smov.u32 s2  }
0x9c: {  	v3 =	vld [tilespmem:s0+$0x5000];
	_ =	sdelay $0x4  }
0x9d: {  	v2 =	vadd.f32 v2, v3;
	_ =	sdelay $0x1  }
0x9e: {  	[tilespmem:s0+$0x5000] =	vst v2  }
0x9f: {  	[tilespmem:s29], [sflag:$0x1] =	stream.strided.gather [spmem:s13], $0x280, s26, s25, $0x38;
	[tilespmem:$0x7D00] =	vst v63  }
0xa0: {  	_ =	swait.ge [sflag:s23], $0x280  }
0xa1: {  	[sflag:s23] =	ssyncset.done $0x0  }
0xa2: {  	s0 =	simm.s32 $0x0;
	[sflag:s23] =	ssyncadd.s32 $0xFFFFFD80  }
0xa3: {  	s1 =	simm.s32 $0x40;
	v2 =	vld [tilespmem:s0+$0x5280]  }
.LBB2_20:
0xa4: {  	p0 =	sne.s32 s1, $0x9C0;
	v3 =	vld [tilespmem:s0+$0x5000];
	_ =	sdelay $0x2  }
.Ltmp9:
0xa5: {  	(pc) =	sbr.rel @p0 .LBB2_20-.Ltmp9, $4  }
0xa6: {  	_ = 	snop  }
0xa7: {  	v3 =	vadd.f32 v2, v3  }
0xa8: {  	s2 =	sshra.s32 s1, $0x2  }
0xa9: {  	s1 =	sadd.s32 $0x40, s1;
	v2 =	vld [tilespmem:s2+$0x5280];
	[tilespmem:s0+$0x5000] =	vst v3;
	s0 =	smov.u32 s2  }
0xaa: {  	v3 =	vld [tilespmem:s0+$0x5000];
	_ =	sdelay $0x4  }
0xab: {  	v2 =	vadd.f32 v2, v3;
	_ =	sdelay $0x1  }
0xac: {  	[tilespmem:s0+$0x5000] =	vst v2  }
0xad: {  	[tilespmem:s29], [sflag:$0x1] =	stream.strided.gather [spmem:s14], $0x280, s26, s25, $0x38;
	[tilespmem:$0x7D00] =	vst v63  }
0xae: {  	_ =	swait.ge [sflag:s23], $0x280  }
0xaf: {  	[sflag:s23] =	ssyncset.done $0x0  }
0xb0: {  	s0 =	simm.s32 $0x0;
	[sflag:s23] =	ssyncadd.s32 $0xFFFFFD80  }
0xb1: {  	s1 =	simm.s32 $0x40;
	v2 =	vld [tilespmem:s0+$0x5280]  }
.LBB2_22:
0xb2: {  	p0 =	sne.s32 s1, $0x9C0;
	v3 =	vld [tilespmem:s0+$0x5000];
	_ =	sdelay $0x2  }
.Ltmp10:
0xb3: {  	(pc) =	sbr.rel @p0 .LBB2_22-.Ltmp10, $4  }
0xb4: {  	_ = 	snop  }
0xb5: {  	v3 =	vadd.f32 v2, v3  }
0xb6: {  	s2 =	sshra.s32 s1, $0x2  }
0xb7: {  	s1 =	sadd.s32 $0x40, s1;
	v2 =	vld [tilespmem:s2+$0x5280];
	[tilespmem:s0+$0x5000] =	vst v3;
	s0 =	smov.u32 s2  }
0xb8: {  	v3 =	vld [tilespmem:s0+$0x5000];
	_ =	sdelay $0x4  }
0xb9: {  	v2 =	vadd.f32 v2, v3;
	_ =	sdelay $0x1  }
0xba: {  	[tilespmem:s0+$0x5000] =	vst v2  }
0xbb: {  	[tilespmem:s29], [sflag:$0x1] =	stream.strided.gather [spmem:s15], $0x280, s26, s25, $0x38;
	[tilespmem:$0x7D00] =	vst v63  }
0xbc: {  	_ =	swait.ge [sflag:s23], $0x280  }
0xbd: {  	[sflag:s23] =	ssyncset.done $0x0  }
0xbe: {  	s0 =	simm.s32 $0x0;
	[sflag:s23] =	ssyncadd.s32 $0xFFFFFD80  }
0xbf: {  	s1 =	simm.s32 $0x40;
	v2 =	vld [tilespmem:s0+$0x5280]  }
.LBB2_24:
0xc0: {  	p0 =	sne.s32 s1, $0x9C0;
	v3 =	vld [tilespmem:s0+$0x5000];
	_ =	sdelay $0x2  }
.Ltmp11:
0xc1: {  	(pc) =	sbr.rel @p0 .LBB2_24-.Ltmp11, $4  }
0xc2: {  	_ = 	snop  }
0xc3: {  	v3 =	vadd.f32 v2, v3  }
0xc4: {  	s2 =	sshra.s32 s1, $0x2  }
0xc5: {  	s1 =	sadd.s32 $0x40, s1;
	v2 =	vld [tilespmem:s2+$0x5280];
	[tilespmem:s0+$0x5000] =	vst v3;
	s0 =	smov.u32 s2  }
0xc6: {  	v3 =	vld [tilespmem:s0+$0x5000];
	_ =	sdelay $0x4  }
0xc7: {  	v2 =	vadd.f32 v2, v3;
	_ =	sdelay $0x1  }
0xc8: {  	[tilespmem:s0+$0x5000] =	vst v2  }
0xc9: {  	[tilespmem:s29], [sflag:$0x1] =	stream.strided.gather [spmem:s16], $0x280, s26, s25, $0x38;
	[tilespmem:$0x7D00] =	vst v63  }
0xca: {  	_ =	swait.ge [sflag:s23], $0x280  }
0xcb: {  	[sflag:s23] =	ssyncset.done $0x0  }
0xcc: {  	s0 =	simm.s32 $0x0;
	[sflag:s23] =	ssyncadd.s32 $0xFFFFFD80  }
0xcd: {  	s1 =	simm.s32 $0x40;
	v2 =	vld [tilespmem:s0+$0x5280]  }
.LBB2_26:
0xce: {  	p0 =	sne.s32 s1, $0x9C0;
	v3 =	vld [tilespmem:s0+$0x5000];
	_ =	sdelay $0x2  }
.Ltmp12:
0xcf: {  	(pc) =	sbr.rel @p0 .LBB2_26-.Ltmp12, $4  }
0xd0: {  	_ = 	snop  }
0xd1: {  	v3 =	vadd.f32 v2, v3  }
0xd2: {  	s2 =	sshra.s32 s1, $0x2  }
0xd3: {  	s1 =	sadd.s32 $0x40, s1;
	v2 =	vld [tilespmem:s2+$0x5280];
	[tilespmem:s0+$0x5000] =	vst v3;
	s0 =	smov.u32 s2  }
0xd4: {  	v3 =	vld [tilespmem:s0+$0x5000];
	_ =	sdelay $0x4  }
0xd5: {  	v2 =	vadd.f32 v2, v3;
	_ =	sdelay $0x1  }
0xd6: {  	[tilespmem:s0+$0x5000] =	vst v2  }
0xd7: {  	[tilespmem:s29], [sflag:$0x1] =	stream.strided.gather [spmem:s17], $0x280, s26, s25, $0x38;
	[tilespmem:$0x7D00] =	vst v63  }
0xd8: {  	_ =	swait.ge [sflag:s23], $0x280  }
0xd9: {  	[sflag:s23] =	ssyncset.done $0x0  }
0xda: {  	s0 =	simm.s32 $0x0;
	[sflag:s23] =	ssyncadd.s32 $0xFFFFFD80  }
0xdb: {  	s1 =	simm.s32 $0x40;
	v2 =	vld [tilespmem:s0+$0x5280]  }
.LBB2_28:
0xdc: {  	p0 =	sne.s32 s1, $0x9C0;
	v3 =	vld [tilespmem:s0+$0x5000];
	_ =	sdelay $0x2  }
.Ltmp13:
0xdd: {  	(pc) =	sbr.rel @p0 .LBB2_28-.Ltmp13, $4  }
0xde: {  	_ = 	snop  }
0xdf: {  	v3 =	vadd.f32 v2, v3  }
0xe0: {  	s2 =	sshra.s32 s1, $0x2  }
0xe1: {  	s1 =	sadd.s32 $0x40, s1;
	v2 =	vld [tilespmem:s2+$0x5280];
	[tilespmem:s0+$0x5000] =	vst v3;
	s0 =	smov.u32 s2  }
0xe2: {  	v3 =	vld [tilespmem:s0+$0x5000];
	_ =	sdelay $0x4  }
0xe3: {  	v2 =	vadd.f32 v2, v3;
	_ =	sdelay $0x1  }
0xe4: {  	[tilespmem:s0+$0x5000] =	vst v2  }
0xe5: {  	[tilespmem:s29], [sflag:$0x1] =	stream.strided.gather [spmem:s18], $0x280, s26, s25, $0x38;
	[tilespmem:$0x7D00] =	vst v63  }
0xe6: {  	_ =	swait.ge [sflag:s23], $0x280  }
0xe7: {  	[sflag:s23] =	ssyncset.done $0x0  }
0xe8: {  	s0 =	simm.s32 $0x0;
	[sflag:s23] =	ssyncadd.s32 $0xFFFFFD80  }
0xe9: {  	s1 =	simm.s32 $0x40;
	v2 =	vld [tilespmem:s0+$0x5280]  }
.LBB2_30:
0xea: {  	p0 =	sne.s32 s1, $0x9C0;
	v3 =	vld [tilespmem:s0+$0x5000];
	_ =	sdelay $0x2  }
.Ltmp14:
0xeb: {  	(pc) =	sbr.rel @p0 .LBB2_30-.Ltmp14, $4  }
0xec: {  	_ = 	snop  }
0xed: {  	v3 =	vadd.f32 v2, v3  }
0xee: {  	s2 =	sshra.s32 s1, $0x2  }
0xef: {  	s1 =	sadd.s32 $0x40, s1;
	v2 =	vld [tilespmem:s2+$0x5280];
	[tilespmem:s0+$0x5000] =	vst v3;
	s0 =	smov.u32 s2  }
0xf0: {  	v3 =	vld [tilespmem:s0+$0x5000];
	_ =	sdelay $0x4  }
0xf1: {  	v2 =	vadd.f32 v2, v3;
	_ =	sdelay $0x1  }
0xf2: {  	[tilespmem:s0+$0x5000] =	vst v2  }
0xf3: {  	[tilespmem:s29], [sflag:$0x1] =	stream.strided.gather [spmem:s19], $0x280, s26, s25, $0x38;
	[tilespmem:$0x7D00] =	vst v63  }
0xf4: {  	_ =	swait.ge [sflag:s23], $0x280  }
0xf5: {  	[sflag:s23] =	ssyncset.done $0x0  }
0xf6: {  	s0 =	simm.s32 $0x0;
	[sflag:s23] =	ssyncadd.s32 $0xFFFFFD80  }
0xf7: {  	s1 =	simm.s32 $0x40;
	v2 =	vld [tilespmem:s0+$0x5280]  }
.LBB2_32:
0xf8: {  	p0 =	sne.s32 s1, $0x9C0;
	v3 =	vld [tilespmem:s0+$0x5000];
	_ =	sdelay $0x2  }
.Ltmp15:
0xf9: {  	(pc) =	sbr.rel @p0 .LBB2_32-.Ltmp15, $4  }
0xfa: {  	_ = 	snop  }
0xfb: {  	v3 =	vadd.f32 v2, v3  }
0xfc: {  	s2 =	sshra.s32 s1, $0x2  }
0xfd: {  	s1 =	sadd.s32 $0x40, s1;
	v2 =	vld [tilespmem:s2+$0x5280];
	[tilespmem:s0+$0x5000] =	vst v3;
	s0 =	smov.u32 s2  }
0xfe: {  	v3 =	vld [tilespmem:s0+$0x5000];
	_ =	sdelay $0x4  }
0xff: {  	v2 =	vadd.f32 v2, v3;
	_ =	sdelay $0x1  }
0x100: {  	[tilespmem:s0+$0x5000] =	vst v2  }
0x101: {  	[tilespmem:s29], [sflag:$0x1] =	stream.strided.gather [spmem:s20], $0x280, s26, s25, $0x38;
	[tilespmem:$0x7D00] =	vst v63  }
0x102: {  	_ =	swait.ge [sflag:s23], $0x280  }
0x103: {  	[sflag:s23] =	ssyncset.done $0x0  }
0x104: {  	s0 =	simm.s32 $0x0;
	[sflag:s23] =	ssyncadd.s32 $0xFFFFFD80  }
0x105: {  	s1 =	simm.s32 $0x40;
	v2 =	vld [tilespmem:s0+$0x5280]  }
.LBB2_34:
0x106: {  	p0 =	sne.s32 s1, $0x9C0;
	v3 =	vld [tilespmem:s0+$0x5000];
	_ =	sdelay $0x2  }
.Ltmp16:
0x107: {  	(pc) =	sbr.rel @p0 .LBB2_34-.Ltmp16, $4  }
0x108: {  	_ = 	snop  }
0x109: {  	v3 =	vadd.f32 v2, v3  }
0x10a: {  	s2 =	sshra.s32 s1, $0x2  }
0x10b: {  	s1 =	sadd.s32 $0x40, s1;
	v2 =	vld [tilespmem:s2+$0x5280];
	[tilespmem:s0+$0x5000] =	vst v3;
	s0 =	smov.u32 s2  }
0x10c: {  	v3 =	vld [tilespmem:s0+$0x5000];
	_ =	sdelay $0x4  }
0x10d: {  	s31 =	sadd.s32 $0x1, s31;
	v2 =	vadd.f32 v2, v3  }
0x10e: {  	p0 =	sne.s32 s31, s22  }
.Ltmp17:
0x10f: {  	[tilespmem:s0+$0x5000] =	vst v2;
	(pc) =	sbr.rel @p0 .LBB2_1-.Ltmp17, $4  }
0x110: {  	[hbm4b:s21+s25] =	stream.strided.scatter [tilespmem:s28], [sflag:$0x1], $0x280, s30, s25, $0x38;
	[tilespmem:$0x7D00] =	vst v63  }
0x111: {  	_ =	swait.ge [sflag:s23], $0x280  }
0x112: {  	[sflag:s23] =	ssyncset.done $0x0  }
0x113: {  	[sflag:s23] =	ssyncadd.s32 $0xFFFFFD80  }
0x114: {  	_ =	sfence.sel $0x180000  }
0x115: {  	[bflag:$0x0] =	sbarrier.arrive $0xFFFF  }
0x116: {  	_ =	strace $0x90000047  }
0x117: {  	s0 =	stileid.u32;
	[bflag:$0x2] =	sbarrier.arrive $0xFFFF  }
0x118: {  	p0 =	sne.s32 s0, $0x0;
	s0 =	rddreg [dreg:$0x3]  }
0x119: {  	s0 =	sadd.s32 @!p0 $0x100000, s0  }
0x11a: {  	[sflag:s0] =	ssyncadd.tile.s32 @!p0 $0x1;
	_ =	shalt  }
.Lfunc_end2:
_tile_overlayer_lowered:
.L_overlay_start_2:
0x11b: {  	(tag) =	ssettag $0x2  }
0x11c: {  	s0 =	rddreg [dreg:$0x0];
	s2 =	stileid.u32  }
0x11d: {  	s1 =	rddreg [dreg:$0x1];
	p0 =	sne.s32 s2, $0x0  }
0x11e: {  	s3 =	rddreg [dreg:$0x2];
	[bflag:$0x3] =	sbarrier.arrive $0xFFFF;
	s2 =	simm.s32 @!p0 $0x1C01  }
0x11f: {  	[timem:s3], [sflag:s2] =	dma.local @!p0 [hbm:s0], s1  }
0x120: {  	s0 =	simm.s32 @!p0 $0x1  }
0x121: {  	_ =	swait.ge @!p0 [sflag:s0], s1  }
0x122: {  	s1 =	ssub.s32 @!p0 $0x0, s1;
	[sflag:s0] =	ssyncset.done @!p0 $0x0  }
0x123: {  	[sflag:s0] =	ssyncadd.s32 @!p0 s1  }
0x124: {  	[bflag:$0x3] =	sbarrier.arrive $0xFFFF  }
0x125: {  	_ =	shalt  }

</sc_bundles>
